<compile_context>
chip_gen: v7x
topology: tpu7x:2x2x1
jax: 0.10.2.dev20260603
libtpu: 0.0.44.dev20260713+nightly
codegen_flags: <defaults>
</compile_context>

<pallas_src>
import functools

import jax
import jax.numpy as jnp
from jax import lax
from jax.experimental import pallas as pl
from jax.experimental.pallas import tpu as pltpu
from jax.experimental.pallas import tpu_sc as plsc

N = 10000
D = 128
E = 320000

NW = 32
K = 128
CHUNKS = 79
EPW = K * CHUNKS
EPAD = EPW * NW
NPAD = 10112
NROWCH = NPAD // K
NPS = NPAD // 16

CH_A = 146
CH_B = 12
MAXCH = max(CH_A, CH_B)

_mesh = plsc.VectorSubcoreMesh(core_axis_name="c", subcore_axis_name="s")



@functools.partial(
    pl.kernel,
    out_type=jax.ShapeDtypeStruct((2 * NPAD,), jnp.float32),
    mesh=_mesh,
    scratch_types=[
        pltpu.VMEM((K,), jnp.int32),
        pltpu.VMEM((K,), jnp.int32),
        pltpu.VMEM((K,), jnp.float32),
        pltpu.VMEM((NPS,), jnp.float32),
        pltpu.VMEM_SHARED((NPAD,), jnp.float32),
        pltpu.SemaphoreType.DMA,
        pltpu.SemaphoreType.DMA,
    ],
)
def _deg_kernel(dst_hbm, out_hbm, dst_v0, dst_v1, ones_v, stage_v, acc_sh,
                dsem0, dsem1):
    c = lax.axis_index("c")
    s = lax.axis_index("s")
    wid = s * 2 + c

    ones16 = jnp.ones((16,), jnp.float32)
    zeros16 = jnp.zeros((16,), jnp.float32)

    def _init(i, _):
        ones_v[pl.ds(i * 16, 16)] = ones16
        return 0

    lax.fori_loop(0, K // 16, _init, 0)

    def _zero(i, _):
        stage_v[pl.ds(i * 16, 16)] = zeros16
        return 0

    lax.fori_loop(0, NPS // 16, _zero, 0)

    pltpu.sync_copy(stage_v, acc_sh.at[pl.ds(s * NPS, NPS)])
    plsc.subcore_barrier()

    base = wid * EPW
    dbufs = ((dst_v0, dsem0), (dst_v1, dsem1))

    def _dissue(i, b):
        dstv, dsem = dbufs[b]
        pltpu.async_copy(dst_hbm.at[pl.ds(base + i * K, K)], dstv, dsem)

    def _dconsume(i, b):
        dstv, dsem = dbufs[b]
        pltpu.make_async_copy(dst_hbm.at[pl.ds(base + i * K, K)], dstv,
                              dsem).wait()
        pltpu.sync_copy(ones_v, acc_sh.at[dstv], add=True)

    _dissue(0, 0)

    def _body(t, _):
        for b in range(2):
            i = 2 * t + b

            @pl.when(i + 1 < CHUNKS)
            def _():
                _dissue(i + 1, 1 - b)

            @pl.when(i < CHUNKS)
            def _():
                _dconsume(i, b)

        return 0

    lax.fori_loop(0, (CHUNKS + 1) // 2, _body, 0)
    plsc.subcore_barrier()

    pltpu.sync_copy(acc_sh.at[pl.ds(s * NPS, NPS)], stage_v)
    pltpu.sync_copy(stage_v, out_hbm.at[pl.ds(c * NPAD + s * NPS, NPS)])


@functools.partial(
    pl.kernel,
    out_type=jax.ShapeDtypeStruct((2 * NPAD, D), jnp.float32),
    mesh=_mesh,
    scratch_types=[
        pltpu.VMEM((K,), jnp.int32),
        pltpu.VMEM((K,), jnp.int32),
        pltpu.VMEM((K,), jnp.int32),
        pltpu.VMEM((K,), jnp.int32),
        pltpu.VMEM((K,), jnp.int32),
        pltpu.VMEM((K,), jnp.int32),
        pltpu.VMEM((K, D), jnp.float32),
        pltpu.VMEM((K, D), jnp.float32),
        pltpu.VMEM((K, D), jnp.float32),
        pltpu.VMEM_SHARED((NPAD, D), jnp.float32),
        pltpu.SemaphoreType.DMA,
        pltpu.SemaphoreType.DMA,
        pltpu.SemaphoreType.DMA,
        pltpu.SemaphoreType.DMA,
        pltpu.SemaphoreType.DMA,
        pltpu.SemaphoreType.DMA,
    ],
)
def _scatter_kernel(g_hbm, src_hbm, dst_hbm, out_hbm,
                    srcv0, srcv1, srcv2, dstv0, dstv1, dstv2,
                    rows0, rows1, rows2, acc_sh,
                    sem0, sem1, sem2, dsem0, dsem1, dsem2):
    c = lax.axis_index("c")
    s = lax.axis_index("s")

    zeros16 = jnp.zeros((16,), jnp.float32)

    def _zrow(i, _):
        for j in range(D // 16):
            rows0[i, pl.ds(j * 16, 16)] = zeros16
        return 0

    lax.fori_loop(0, K, _zrow, 0)

    nch = jnp.where(c == 0, CH_A, CH_B)
    base = jnp.where(c == 0, s * CH_A, 16 * CH_A + s * CH_B) * K

    NZT = (NROWCH + 15) // 16
    for t in range(NZT):
        cc = s + 16 * t

        @pl.when(cc < NROWCH)
        def _():
            pltpu.async_copy(rows0, acc_sh.at[pl.ds(cc * K, K)], sem0)

    for t in range(NZT):
        cc = s + 16 * t

        @pl.when(cc < NROWCH)
        def _():
            pltpu.make_async_copy(rows0, acc_sh.at[pl.ds(cc * K, K)],
                                  sem0).wait()

    plsc.subcore_barrier()

    bufs = ((rows0, sem0, srcv0, dstv0, dsem0),
            (rows1, sem1, srcv1, dstv1, dsem1),
            (rows2, sem2, srcv2, dstv2, dsem2))
    NB = len(bufs)

    def _issue_idx(i, b):
        _, _, srcv, dstv, dsem = bufs[b]
        pltpu.async_copy(src_hbm.at[pl.ds(base + i * K, K)], srcv, dsem)
        pltpu.async_copy(dst_hbm.at[pl.ds(base + i * K, K)], dstv, dsem)

    def _issue_gather(i, b):
        rows, sem, srcv, dstv, dsem = bufs[b]
        pltpu.make_async_copy(src_hbm.at[pl.ds(base + i * K, K)], srcv,
                              dsem).wait()
        pltpu.make_async_copy(dst_hbm.at[pl.ds(base + i * K, K)], dstv,
                              dsem).wait()
        pltpu.async_copy(g_hbm.at[srcv], rows, sem)

    def _consume(i, b):
        rows, sem, srcv, dstv, dsem = bufs[b]
        pltpu.make_async_copy(g_hbm.at[srcv], rows, sem).wait()
        pltpu.sync_copy(rows, acc_sh.at[dstv], add=True)

    _issue_idx(0, 0)
    _issue_idx(1, 1)
    _issue_gather(0, 0)

    def _body(t, _):
        for b in range(NB):
            i = NB * t + b

            @pl.when(i + 2 < nch)
            def _():
                _issue_idx(i + 2, (b + 2) % NB)

            @pl.when(i + 1 < nch)
            def _():
                _issue_gather(i + 1, (b + 1) % NB)

            @pl.when(i < nch)
            def _():
                _consume(i, b)

        return 0

    lax.fori_loop(0, (MAXCH + NB - 1) // NB, _body, 0)
    plsc.subcore_barrier()

    rbufs = ((rows0, sem0), (rows1, sem1), (rows2, sem2))

    def _hbm_write(t):
        cc = s + 16 * t

        @pl.when(cc < NROWCH)
        def _():
            b, wsem = rbufs[t % 3]
            pltpu.async_copy(acc_sh.at[pl.ds(cc * K, K)], b, dsem0)
            pltpu.make_async_copy(acc_sh.at[pl.ds(cc * K, K)], b,
                                  dsem0).wait()
            pltpu.async_copy(b, out_hbm.at[pl.ds(c * NPAD + cc * K, K)],
                             wsem)

    def _hbm_drain(t):
        cc = s + 16 * t

        @pl.when(cc < NROWCH)
        def _():
            b, wsem = rbufs[t % 3]
            pltpu.make_async_copy(
                b, out_hbm.at[pl.ds(c * NPAD + cc * K, K)], wsem).wait()

    NCT = (NROWCH + 15) // 16
    for t in range(NCT):
        if t >= 3:
            _hbm_drain(t - 3)
        _hbm_write(t)
    for t in range(max(0, NCT - 3), NCT):
        _hbm_drain(t)



_RB = 400
_GRID = N // _RB


def _mm_scale_body(x_ref, wt_ref, dinv_ref, o_ref):
    o_ref[...] = (
        jnp.dot(x_ref[...], wt_ref[...], preferred_element_type=jnp.float32)
        * dinv_ref[...]
    )


def _layer_body(g_ref, a0_ref, a1_ref, dinv_ref, b_ref, wt_ref, o_ref):
    h = (g_ref[...] + a0_ref[...] + a1_ref[...]) * dinv_ref[...] + b_ref[...]
    h = jnp.maximum(h, 0.0)
    o_ref[...] = (
        jnp.dot(h, wt_ref[...], preferred_element_type=jnp.float32)
        * dinv_ref[...]
    )


def _final_body(g_ref, a0_ref, a1_ref, dinv_ref, b_ref, o_ref):
    o_ref[...] = (
        (g_ref[...] + a0_ref[...] + a1_ref[...]) * dinv_ref[...] + b_ref[...]
    )


_row_spec = pl.BlockSpec((_RB, D), lambda i: (i, 0))
_w_spec = pl.BlockSpec((D, D), lambda i: (0, 0))
_dinv_spec = pl.BlockSpec((_RB, 1), lambda i: (i, 0))
_b_spec = pl.BlockSpec((1, D), lambda i: (0, 0))
_node_shape = jax.ShapeDtypeStruct((N, D), jnp.float32)


def _mm_scale(x, wt, dinv_col):
    return pl.pallas_call(
        _mm_scale_body,
        grid=(_GRID,),
        in_specs=[_row_spec, _w_spec, _dinv_spec],
        out_specs=_row_spec,
        out_shape=_node_shape,
    )(x, wt, dinv_col)


def _layer(g, a0, a1, dinv_col, b_row, wt):
    return pl.pallas_call(
        _layer_body,
        grid=(_GRID,),
        in_specs=[_row_spec, _row_spec, _row_spec, _dinv_spec, _b_spec,
                  _w_spec],
        out_specs=_row_spec,
        out_shape=_node_shape,
    )(g, a0, a1, dinv_col, b_row, wt)


def _final(g, a0, a1, dinv_col, b_row):
    return pl.pallas_call(
        _final_body,
        grid=(_GRID,),
        in_specs=[_row_spec, _row_spec, _row_spec, _dinv_spec, _b_spec],
        out_specs=_row_spec,
        out_shape=_node_shape,
    )(g, a0, a1, dinv_col, b_row)



def kernel(x, edge_index, W1, b1, W2, b2):
    src = edge_index[0].astype(jnp.int32)
    dst = edge_index[1].astype(jnp.int32)
    pad = EPAD - E
    src_p = jnp.concatenate([src, jnp.zeros((pad,), jnp.int32)])
    dst_p = jnp.concatenate([dst, jnp.full((pad,), N, jnp.int32)])

    degp = _deg_kernel(dst_p)
    deg = degp[:N] + degp[NPAD:NPAD + N] + 1.0
    dinv_col = lax.rsqrt(deg)[:, None]
    b1_row = b1[None, :]
    b2_row = b2[None, :]

    g1 = _mm_scale(x, W1.T, dinv_col)
    a1 = _scatter_kernel(g1, src_p, dst_p)
    g2 = _layer(g1, a1[:N], a1[NPAD:NPAD + N], dinv_col, b1_row, W2.T)
    a2 = _scatter_kernel(g2, src_p, dst_p)
    return _final(g2, a2[:N], a2[NPAD:NPAD + N], dinv_col, b2_row)

# --- scband reference (transcript-rebuilt; emitter-appended) ---
"""Pipeline reference for scband-gcn-15985868276243 (READ-ONLY COPY).

The authoritative reference and input builder live on the scoring server;
editing this copy changes nothing except your own understanding.
"""

import jax, jax.numpy as jnp
import numpy as np

N_NODES = 10000
N_EDGES = 320000
D_IN = 128
D_HID = 128
D_OUT = 128


def setup_inputs(seed: int = 0) -> dict:
    key = jax.random.key(seed)
    k1, k2, k3, k4, k5, k6 = jax.random.split(key, 6)
    x = jax.random.normal(k1, (N_NODES, D_IN), dtype=jnp.float32)
    edge_index = jax.random.randint(k2, (2, N_EDGES), 0, N_NODES, dtype=jnp.int64)
    # GCNConv params: lin.weight has shape [out, in] (PyG convention), plus bias [out]
    W1 = jax.random.normal(k3, (D_HID, D_IN), dtype=jnp.float32) * (2.0 / D_IN) ** 0.5
    b1 = jnp.zeros((D_HID,), dtype=jnp.float32)
    W2 = jax.random.normal(k4, (D_OUT, D_HID), dtype=jnp.float32) * (2.0 / D_HID) ** 0.5
    b2 = jnp.zeros((D_OUT,), dtype=jnp.float32)
    return {"x": x, "edge_index": edge_index, "W1": W1, "b1": b1, "W2": W2, "b2": b2}


def _gcn_conv(x, src, dst, W, b):
    N = x.shape[0]
    h = x @ W.T
    deg = jnp.zeros((N,), dtype=x.dtype).at[dst].add(1.0)
    dinv = jax.lax.rsqrt(deg)
    norm = dinv[src] * dinv[dst]
    msg = jnp.take(h, src, axis=0) * norm[:, None]
    out = jnp.zeros((N, h.shape[1]), dtype=x.dtype).at[dst].add(msg)
    return out + b


def reference(x, edge_index, W1, b1, W2, b2):
    N = x.shape[0]
    loop = jnp.arange(N, dtype=edge_index.dtype)
    src = jnp.concatenate([edge_index[0], loop])
    dst = jnp.concatenate([edge_index[1], loop])
    h = _gcn_conv(x, src, dst, W1, b1)
    h = jax.nn.relu(h)
    out = _gcn_conv(h, src, dst, W2, b2)
    # multi_class=True -> return raw logits (no sigmoid)
    return out

if __name__ == "__main__":
    import jax
    _d = setup_inputs()
    print(jax.jit(kernel)(*tuple(_d.values())))

</pallas_src>

<mosaic_0001>
#map = affine_map<(d0, d1) -> (0)>
module attributes {stable_mosaic.version = 14 : i64} {
  func.func @_deg_kernel(%arg0: i32, %arg1: i32, %arg2: memref<323584xi32, #tpu.memory_space<hbm>>, %arg3: memref<20224xf32, #tpu.memory_space<hbm>>, %arg4: memref<128xi32, #tpu.memory_space<vmem>>, %arg5: memref<128xi32, #tpu.memory_space<vmem>>, %arg6: memref<128xf32, #tpu.memory_space<vmem>>, %arg7: memref<632xf32, #tpu.memory_space<vmem>>, %arg8: memref<10112xf32, #tpu.memory_space<vmem_shared>>, %arg9: memref<!tpu.dma_semaphore, #tpu.memory_space<semaphore_mem>>, %arg10: memref<!tpu.dma_semaphore, #tpu.memory_space<semaphore_mem>>) attributes {dimension_semantics = [#tpu.dimension_semantics<core_parallel>, #tpu.dimension_semantics<subcore_parallel>], iteration_bounds = array<i64: 2, 16>, scalar_prefetch = 0 : i64, scratch_operands = 7 : i64, tpu.core_type = #tpu.core_type<sc_vector_subcore>, window_params = [{transform_indices = #map}, {transform_indices = #map}]} {
    %mul3A = arith.constant 2 : i32
    %mul3A_0 = arith.muli %arg1, %mul3A : i32
    %add3A = arith.addi %mul3A_0, %arg0 : i32
    %broadcast_in_dim3A = arith.constant 1.000000e+00 : f32
    %broadcast_in_dim3A_1 = vector.broadcast %broadcast_in_dim3A : f32 to vector<16xf32>
    %broadcast_in_dim3A_2 = arith.constant 0.000000e+00 : f32
    %broadcast_in_dim3A_3 = vector.broadcast %broadcast_in_dim3A_2 : f32 to vector<16xf32>
    %scan3A = arith.constant 0 : i32
    %scan3A_4 = arith.constant 0 : i32
    %scan3A_5 = arith.constant 8 : i32
    %scan3A_6 = arith.addi %scan3A_4, %scan3A_5 : i32
    %scan3A_7 = arith.constant 1 : i32
    %scan3A_8 = scf.for %scan3A_39 = %scan3A_4 to %scan3A_6 step %scan3A_7 iter_args(%scan3A_40 = %scan3A) -> (i32)  : i32 {
      %mul3A_41 = arith.constant 16 : i32
      %mul3A_42 = arith.muli %scan3A_39, %mul3A_41 : i32
      %swap3A = arith.index_cast %mul3A_42 : i32 to index
      %swap3A_43 = tpu.vector_load %arg6[%swap3A] {strides = array<i32>} : memref<128xf32, #tpu.memory_space<vmem>>, vector<16xf32>,
      %swap3A_44 = vector.shape_cast %swap3A_43 : vector<16xf32> to vector<16xf32>
      %swap3A_45 = vector.shape_cast %broadcast_in_dim3A_1 : vector<16xf32> to vector<16xf32>
      tpu.vector_store %arg6[%swap3A], %swap3A_45 {strides = array<i32>} : memref<128xf32, #tpu.memory_space<vmem>>, vector<16xf32>,
      %scan3A_46 = arith.constant 0 : i32
      scf.yield %scan3A_46 : i32
    }
    %scan3A_9 = arith.constant 8 : i32
    %scan3A_10 = arith.constant 0 : i32
    %scan3A_11 = arith.constant 0 : i32
    %scan3A_12 = arith.constant 39 : i32
    %scan3A_13 = arith.addi %scan3A_11, %scan3A_12 : i32
    %scan3A_14 = arith.constant 1 : i32
    %scan3A_15 = scf.for %scan3A_39 = %scan3A_11 to %scan3A_13 step %scan3A_14 iter_args(%scan3A_40 = %scan3A_10) -> (i32)  : i32 {
      %mul3A_41 = arith.constant 16 : i32
      %mul3A_42 = arith.muli %scan3A_39, %mul3A_41 : i32
      %swap3A = arith.index_cast %mul3A_42 : i32 to index
      %swap3A_43 = tpu.vector_load %arg7[%swap3A] {strides = array<i32>} : memref<632xf32, #tpu.memory_space<vmem>>, vector<16xf32>,
      %swap3A_44 = vector.shape_cast %swap3A_43 : vector<16xf32> to vector<16xf32>
      %swap3A_45 = vector.shape_cast %broadcast_in_dim3A_3 : vector<16xf32> to vector<16xf32>
      tpu.vector_store %arg7[%swap3A], %swap3A_45 {strides = array<i32>} : memref<632xf32, #tpu.memory_space<vmem>>, vector<16xf32>,
      %scan3A_46 = arith.constant 0 : i32
      scf.yield %scan3A_46 : i32
    }
    %scan3A_16 = arith.constant 39 : i32
    %mul3A_17 = arith.constant 632 : i32
    %mul3A_18 = arith.muli %arg1, %mul3A_17 : i32
    "tpu.region"() ({
      %run_scoped3A = tpu.sem_alloc : memref<!tpu.dma_semaphore, #tpu.memory_space<semaphore_mem>>
      %dma_start3A_39 = tpu.memref_slice %arg8[%mul3A_18] : memref<10112xf32, #tpu.memory_space<vmem_shared>> -> memref<632xf32, #tpu.memory_space<vmem_shared>>
      %dma_start3A_40 = tpu.memref_slice %arg8[%mul3A_18] : memref<10112xf32, #tpu.memory_space<vmem_shared>> -> memref<632xf32, #tpu.memory_space<vmem_shared>>
      tpu.enqueue_dma source(%arg7 : memref<632xf32, #tpu.memory_space<vmem>>) target(%dma_start3A_40 : memref<632xf32, #tpu.memory_space<vmem_shared>>) target_semaphore(%run_scoped3A : memref<!tpu.dma_semaphore, #tpu.memory_space<semaphore_mem>>)
      %dma_wait3A = tpu.memref_slice %arg8[%mul3A_18] : memref<10112xf32, #tpu.memory_space<vmem_shared>> -> memref<632xf32, #tpu.memory_space<vmem_shared>>
      %dma_wait3A_41 = tpu.memref_slice %arg8[%mul3A_18] : memref<10112xf32, #tpu.memory_space<vmem_shared>> -> memref<632xf32, #tpu.memory_space<vmem_shared>>
      tpu.wait_dma2 semaphore(%run_scoped3A : memref<!tpu.dma_semaphore, #tpu.memory_space<semaphore_mem>>) src(%arg7 : memref<632xf32, #tpu.memory_space<vmem>>) dst(%dma_wait3A_41 : memref<632xf32, #tpu.memory_space<vmem_shared>>)
      tpu.yield
    }) : () -> ()
    %barrier3A = arith.constant 0 : index
    tpu.barrier barrier_id(%barrier3A)
    %mul3A_19 = arith.constant 10112 : i32
    %mul3A_20 = arith.muli %add3A, %mul3A_19 : i32
    %add3A_21 = arith.constant 0 : i32
    %add3A_22 = arith.addi %mul3A_20, %add3A_21 : i32
    %dma_start3A = tpu.memref_slice %arg2[%add3A_22] : memref<323584xi32, #tpu.memory_space<hbm>> -> memref<128xi32, #tpu.memory_space<hbm>>
    %dma_start3A_23 = tpu.memref_slice %arg2[%add3A_22] : memref<323584xi32, #tpu.memory_space<hbm>> -> memref<128xi32, #tpu.memory_space<hbm>>
    tpu.enqueue_dma source(%dma_start3A_23 : memref<128xi32, #tpu.memory_space<hbm>>) target(%arg4 : memref<128xi32, #tpu.memory_space<vmem>>) target_semaphore(%arg9 : memref<!tpu.dma_semaphore, #tpu.memory_space<semaphore_mem>>)
    %scan3A_24 = arith.constant 0 : i32
    %scan3A_25 = arith.constant 0 : i32
    %scan3A_26 = arith.constant 40 : i32
    %scan3A_27 = arith.addi %scan3A_25, %scan3A_26 : i32
    %scan3A_28 = arith.constant 1 : i32
    %scan3A_29 = scf.for %scan3A_39 = %scan3A_25 to %scan3A_27 step %scan3A_28 iter_args(%scan3A_40 = %scan3A_24) -> (i32)  : i32 {
      %mul3A_41 = arith.constant 2 : i32
      %mul3A_42 = arith.muli %mul3A_41, %scan3A_39 : i32
      %add3A_43 = arith.constant 0 : i32
      %add3A_44 = arith.addi %mul3A_42, %add3A_43 : i32
      %add3A_45 = arith.constant 1 : i32
      %add3A_46 = arith.addi %add3A_44, %add3A_45 : i32
      %lt3A = arith.constant 79 : i32
      %lt3A_47 = arith.cmpi slt, %add3A_46, %lt3A : i32
      %convert_element_type3A = arith.extui %lt3A_47 : i1 to i32
      %cond3A = arith.constant 0 : i32
      %cond3A_48 = arith.cmpi ne, %convert_element_type3A, %cond3A : i32
      scf.if %cond3A_48 {
        %add3A_71 = arith.constant 1 : i32
        %add3A_72 = arith.addi %add3A_44, %add3A_71 : i32
        %mul3A_73 = arith.constant 128 : i32
        %mul3A_74 = arith.muli %add3A_72, %mul3A_73 : i32
        %add3A_75 = arith.addi %mul3A_20, %mul3A_74 : i32
        %dma_start3A_76 = tpu.memref_slice %arg2[%add3A_75] : memref<323584xi32, #tpu.memory_space<hbm>> -> memref<128xi32, #tpu.memory_space<hbm>>
        %dma_start3A_77 = tpu.memref_slice %arg2[%add3A_75] : memref<323584xi32, #tpu.memory_space<hbm>> -> memref<128xi32, #tpu.memory_space<hbm>>
        tpu.enqueue_dma source(%dma_start3A_77 : memref<128xi32, #tpu.memory_space<hbm>>) target(%arg5 : memref<128xi32, #tpu.memory_space<vmem>>) target_semaphore(%arg10 : memref<!tpu.dma_semaphore, #tpu.memory_space<semaphore_mem>>)
      } else {
      }
      %lt3A_49 = arith.constant 79 : i32
      %lt3A_50 = arith.cmpi slt, %add3A_44, %lt3A_49 : i32
      %convert_element_type3A_51 = arith.extui %lt3A_50 : i1 to i32
      %cond3A_52 = arith.constant 0 : i32
      %cond3A_53 = arith.cmpi ne, %convert_element_type3A_51, %cond3A_52 : i32
      scf.if %cond3A_53 {
        %mul3A_71 = arith.constant 128 : i32
        %mul3A_72 = arith.muli %add3A_44, %mul3A_71 : i32
        %add3A_73 = arith.addi %mul3A_20, %mul3A_72 : i32
        %dma_wait3A = tpu.memref_slice %arg2[%add3A_73] : memref<323584xi32, #tpu.memory_space<hbm>> -> memref<128xi32, #tpu.memory_space<hbm>>
        %dma_wait3A_74 = tpu.memref_slice %arg2[%add3A_73] : memref<323584xi32, #tpu.memory_space<hbm>> -> memref<128xi32, #tpu.memory_space<hbm>>
        tpu.wait_dma2 semaphore(%arg9 : memref<!tpu.dma_semaphore, #tpu.memory_space<semaphore_mem>>) src(%dma_wait3A_74 : memref<128xi32, #tpu.memory_space<hbm>>) dst(%arg4 : memref<128xi32, #tpu.memory_space<vmem>>)
        "tpu.region"() ({
          %run_scoped3A = tpu.sem_alloc : memref<!tpu.dma_semaphore, #tpu.memory_space<semaphore_mem>>
          %dma_start3A_75 = arith.constant 0 : i32
          %dma_start3A_76 = tpu.memref_slice %arg8[%dma_start3A_75] : memref<10112xf32, #tpu.memory_space<vmem_shared>> -> memref<10112xf32, #tpu.memory_space<vmem_shared>>
          tpu.enqueue_indirect_dma source(%arg6 : memref<128xf32, #tpu.memory_space<vmem>>) target(%dma_start3A_76 : memref<10112xf32, #tpu.memory_space<vmem_shared>>) offsets(%arg4 : memref<128xi32, #tpu.memory_space<vmem>>) semaphore(%run_scoped3A : memref<!tpu.dma_semaphore, #tpu.memory_space<semaphore_mem>>) {add = true}
          %dma_wait3A_77 = arith.constant 0 : i32
          %dma_wait3A_78 = tpu.memref_slice %arg8[%dma_wait3A_77] : memref<10112xf32, #tpu.memory_space<vmem_shared>> -> memref<10112xf32, #tpu.memory_space<vmem_shared>>
          tpu.wait_indirect_dma semaphore(%run_scoped3A : memref<!tpu.dma_semaphore, #tpu.memory_space<semaphore_mem>>) src(%arg6 : memref<128xf32, #tpu.memory_space<vmem>>) dst(%dma_wait3A_78 : memref<10112xf32, #tpu.memory_space<vmem_shared>>)
          tpu.yield
        }) : () -> ()
      } else {
      }
      %mul3A_54 = arith.constant 2 : i32
      %mul3A_55 = arith.muli %mul3A_54, %scan3A_39 : i32
      %add3A_56 = arith.constant 1 : i32
      %add3A_57 = arith.addi %mul3A_55, %add3A_56 : i32
      %add3A_58 = arith.constant 1 : i32
      %add3A_59 = arith.addi %add3A_57, %add3A_58 : i32
      %lt3A_60 = arith.constant 79 : i32
      %lt3A_61 = arith.cmpi slt, %add3A_59, %lt3A_60 : i32
      %convert_element_type3A_62 = arith.extui %lt3A_61 : i1 to i32
      %cond3A_63 = arith.constant 0 : i32
      %cond3A_64 = arith.cmpi ne, %convert_element_type3A_62, %cond3A_63 : i32
      scf.if %cond3A_64 {
        %add3A_71 = arith.constant 1 : i32
        %add3A_72 = arith.addi %add3A_57, %add3A_71 : i32
        %mul3A_73 = arith.constant 128 : i32
        %mul3A_74 = arith.muli %add3A_72, %mul3A_73 : i32
        %add3A_75 = arith.addi %mul3A_20, %mul3A_74 : i32
        %dma_start3A_76 = tpu.memref_slice %arg2[%add3A_75] : memref<323584xi32, #tpu.memory_space<hbm>> -> memref<128xi32, #tpu.memory_space<hbm>>
        %dma_start3A_77 = tpu.memref_slice %arg2[%add3A_75] : memref<323584xi32, #tpu.memory_space<hbm>> -> memref<128xi32, #tpu.memory_space<hbm>>
        tpu.enqueue_dma source(%dma_start3A_77 : memref<128xi32, #tpu.memory_space<hbm>>) target(%arg4 : memref<128xi32, #tpu.memory_space<vmem>>) target_semaphore(%arg9 : memref<!tpu.dma_semaphore, #tpu.memory_space<semaphore_mem>>)
      } else {
      }
      %lt3A_65 = arith.constant 79 : i32
      %lt3A_66 = arith.cmpi slt, %add3A_57, %lt3A_65 : i32
      %convert_element_type3A_67 = arith.extui %lt3A_66 : i1 to i32
      %cond3A_68 = arith.constant 0 : i32
      %cond3A_69 = arith.cmpi ne, %convert_element_type3A_67, %cond3A_68 : i32
      scf.if %cond3A_69 {
        %mul3A_71 = arith.constant 128 : i32
        %mul3A_72 = arith.muli %add3A_57, %mul3A_71 : i32
        %add3A_73 = arith.addi %mul3A_20, %mul3A_72 : i32
        %dma_wait3A = tpu.memref_slice %arg2[%add3A_73] : memref<323584xi32, #tpu.memory_space<hbm>> -> memref<128xi32, #tpu.memory_space<hbm>>
        %dma_wait3A_74 = tpu.memref_slice %arg2[%add3A_73] : memref<323584xi32, #tpu.memory_space<hbm>> -> memref<128xi32, #tpu.memory_space<hbm>>
        tpu.wait_dma2 semaphore(%arg10 : memref<!tpu.dma_semaphore, #tpu.memory_space<semaphore_mem>>) src(%dma_wait3A_74 : memref<128xi32, #tpu.memory_space<hbm>>) dst(%arg5 : memref<128xi32, #tpu.memory_space<vmem>>)
        "tpu.region"() ({
          %run_scoped3A = tpu.sem_alloc : memref<!tpu.dma_semaphore, #tpu.memory_space<semaphore_mem>>
          %dma_start3A_75 = arith.constant 0 : i32
          %dma_start3A_76 = tpu.memref_slice %arg8[%dma_start3A_75] : memref<10112xf32, #tpu.memory_space<vmem_shared>> -> memref<10112xf32, #tpu.memory_space<vmem_shared>>
          tpu.enqueue_indirect_dma source(%arg6 : memref<128xf32, #tpu.memory_space<vmem>>) target(%dma_start3A_76 : memref<10112xf32, #tpu.memory_space<vmem_shared>>) offsets(%arg5 : memref<128xi32, #tpu.memory_space<vmem>>) semaphore(%run_scoped3A : memref<!tpu.dma_semaphore, #tpu.memory_space<semaphore_mem>>) {add = true}
          %dma_wait3A_77 = arith.constant 0 : i32
          %dma_wait3A_78 = tpu.memref_slice %arg8[%dma_wait3A_77] : memref<10112xf32, #tpu.memory_space<vmem_shared>> -> memref<10112xf32, #tpu.memory_space<vmem_shared>>
          tpu.wait_indirect_dma semaphore(%run_scoped3A : memref<!tpu.dma_semaphore, #tpu.memory_space<semaphore_mem>>) src(%arg6 : memref<128xf32, #tpu.memory_space<vmem>>) dst(%dma_wait3A_78 : memref<10112xf32, #tpu.memory_space<vmem_shared>>)
          tpu.yield
        }) : () -> ()
      } else {
      }
      %scan3A_70 = arith.constant 0 : i32
      scf.yield %scan3A_70 : i32
    }
    %scan3A_30 = arith.constant 40 : i32
    %barrier3A_31 = arith.constant 0 : index
    tpu.barrier barrier_id(%barrier3A_31)
    %mul3A_32 = arith.constant 632 : i32
    %mul3A_33 = arith.muli %arg1, %mul3A_32 : i32
    "tpu.region"() ({
      %run_scoped3A = tpu.sem_alloc : memref<!tpu.dma_semaphore, #tpu.memory_space<semaphore_mem>>
      %dma_start3A_39 = tpu.memref_slice %arg8[%mul3A_33] : memref<10112xf32, #tpu.memory_space<vmem_shared>> -> memref<632xf32, #tpu.memory_space<vmem_shared>>
      %dma_start3A_40 = tpu.memref_slice %arg8[%mul3A_33] : memref<10112xf32, #tpu.memory_space<vmem_shared>> -> memref<632xf32, #tpu.memory_space<vmem_shared>>
      tpu.enqueue_dma source(%dma_start3A_40 : memref<632xf32, #tpu.memory_space<vmem_shared>>) target(%arg7 : memref<632xf32, #tpu.memory_space<vmem>>) target_semaphore(%run_scoped3A : memref<!tpu.dma_semaphore, #tpu.memory_space<semaphore_mem>>)
      %dma_wait3A = tpu.memref_slice %arg8[%mul3A_33] : memref<10112xf32, #tpu.memory_space<vmem_shared>> -> memref<632xf32, #tpu.memory_space<vmem_shared>>
      %dma_wait3A_41 = tpu.memref_slice %arg8[%mul3A_33] : memref<10112xf32, #tpu.memory_space<vmem_shared>> -> memref<632xf32, #tpu.memory_space<vmem_shared>>
      tpu.wait_dma2 semaphore(%run_scoped3A : memref<!tpu.dma_semaphore, #tpu.memory_space<semaphore_mem>>) src(%dma_wait3A_41 : memref<632xf32, #tpu.memory_space<vmem_shared>>) dst(%arg7 : memref<632xf32, #tpu.memory_space<vmem>>)
      tpu.yield
    }) : () -> ()
    %mul3A_34 = arith.constant 10112 : i32
    %mul3A_35 = arith.muli %arg0, %mul3A_34 : i32
    %mul3A_36 = arith.constant 632 : i32
    %mul3A_37 = arith.muli %arg1, %mul3A_36 : i32
    %add3A_38 = arith.addi %mul3A_35, %mul3A_37 : i32
    "tpu.region"() ({
      %run_scoped3A = tpu.sem_alloc : memref<!tpu.dma_semaphore, #tpu.memory_space<semaphore_mem>>
      %dma_start3A_39 = tpu.memref_slice %arg3[%add3A_38] : memref<20224xf32, #tpu.memory_space<hbm>> -> memref<632xf32, #tpu.memory_space<hbm>>
      %dma_start3A_40 = tpu.memref_slice %arg3[%add3A_38] : memref<20224xf32, #tpu.memory_space<hbm>> -> memref<632xf32, #tpu.memory_space<hbm>>
      tpu.enqueue_dma source(%arg7 : memref<632xf32, #tpu.memory_space<vmem>>) target(%dma_start3A_40 : memref<632xf32, #tpu.memory_space<hbm>>) target_semaphore(%run_scoped3A : memref<!tpu.dma_semaphore, #tpu.memory_space<semaphore_mem>>)
      %dma_wait3A = tpu.memref_slice %arg3[%add3A_38] : memref<20224xf32, #tpu.memory_space<hbm>> -> memref<632xf32, #tpu.memory_space<hbm>>
      %dma_wait3A_41 = tpu.memref_slice %arg3[%add3A_38] : memref<20224xf32, #tpu.memory_space<hbm>> -> memref<632xf32, #tpu.memory_space<hbm>>
      tpu.wait_dma2 semaphore(%run_scoped3A : memref<!tpu.dma_semaphore, #tpu.memory_space<semaphore_mem>>) src(%arg7 : memref<632xf32, #tpu.memory_space<vmem>>) dst(%dma_wait3A_41 : memref<632xf32, #tpu.memory_space<hbm>>)
      tpu.yield
    }) : () -> ()
    return
  }
}

#map = affine_map<(d0, d1) -> (0, 0)>
#map1 = affine_map<(d0, d1) -> (0)>
module attributes {stable_mosaic.version = 14 : i64} {
  func.func @_scatter_kernel(%arg0: i32, %arg1: i32, %arg2: memref<10000x128xf32, #tpu.memory_space<hbm>>, %arg3: memref<323584xi32, #tpu.memory_space<hbm>>, %arg4: memref<323584xi32, #tpu.memory_space<hbm>>, %arg5: memref<20224x128xf32, #tpu.memory_space<hbm>>, %arg6: memref<128xi32, #tpu.memory_space<vmem>>, %arg7: memref<128xi32, #tpu.memory_space<vmem>>, %arg8: memref<128xi32, #tpu.memory_space<vmem>>, %arg9: memref<128xi32, #tpu.memory_space<vmem>>, %arg10: memref<128xi32, #tpu.memory_space<vmem>>, %arg11: memref<128xi32, #tpu.memory_space<vmem>>, %arg12: memref<128x128xf32, #tpu.memory_space<vmem>>, %arg13: memref<128x128xf32, #tpu.memory_space<vmem>>, %arg14: memref<128x128xf32, #tpu.memory_space<vmem>>, %arg15: memref<10112x128xf32, #tpu.memory_space<vmem_shared>>, %arg16: memref<!tpu.dma_semaphore, #tpu.memory_space<semaphore_mem>>, %arg17: memref<!tpu.dma_semaphore, #tpu.memory_space<semaphore_mem>>, %arg18: memref<!tpu.dma_semaphore, #tpu.memory_space<semaphore_mem>>, %arg19: memref<!tpu.dma_semaphore, #tpu.memory_space<semaphore_mem>>, %arg20: memref<!tpu.dma_semaphore, #tpu.memory_space<semaphore_mem>>, %arg21: memref<!tpu.dma_semaphore, #tpu.memory_space<semaphore_mem>>) attributes {dimension_semantics = [#tpu.dimension_semantics<core_parallel>, #tpu.dimension_semantics<subcore_parallel>], iteration_bounds = array<i64: 2, 16>, scalar_prefetch = 0 : i64, scratch_operands = 16 : i64, tpu.core_type = #tpu.core_type<sc_vector_subcore>, window_params = [{transform_indices = #map}, {transform_indices = #map1}, {transform_indices = #map1}, {transform_indices = #map}]} {
    %broadcast_in_dim3A = arith.constant 0.000000e+00 : f32
    %broadcast_in_dim3A_0 = vector.broadcast %broadcast_in_dim3A : f32 to vector<16xf32>
    %scan3A = arith.constant 0 : i32
    %scan3A_1 = arith.constant 0 : i32
    %scan3A_2 = arith.constant 128 : i32
    %scan3A_3 = arith.addi %scan3A_1, %scan3A_2 : i32
    %scan3A_4 = arith.constant 1 : i32
    %scan3A_5 = scf.for %scan3A_188 = %scan3A_1 to %scan3A_3 step %scan3A_4 iter_args(%scan3A_189 = %scan3A) -> (i32)  : i32 {
      %swap3A = arith.index_cast %scan3A_188 : i32 to index
      %swap3A_190 = arith.constant 0 : index
      %swap3A_191 = tpu.vector_load %arg12[%swap3A, %swap3A_190] {strides = array<i32>} : memref<128x128xf32, #tpu.memory_space<vmem>>, vector<1x16xf32>,
      %swap3A_192 = vector.shape_cast %swap3A_191 : vector<1x16xf32> to vector<16xf32>
      %swap3A_193 = vector.shape_cast %broadcast_in_dim3A_0 : vector<16xf32> to vector<1x16xf32>
      tpu.vector_store %arg12[%swap3A, %swap3A_190], %swap3A_193 {strides = array<i32>} : memref<128x128xf32, #tpu.memory_space<vmem>>, vector<1x16xf32>,
      %swap3A_194 = arith.index_cast %scan3A_188 : i32 to index
      %swap3A_195 = arith.constant 16 : index
      %swap3A_196 = tpu.vector_load %arg12[%swap3A_194, %swap3A_195] {strides = array<i32>} : memref<128x128xf32, #tpu.memory_space<vmem>>, vector<1x16xf32>,
      %swap3A_197 = vector.shape_cast %swap3A_196 : vector<1x16xf32> to vector<16xf32>
      %swap3A_198 = vector.shape_cast %broadcast_in_dim3A_0 : vector<16xf32> to vector<1x16xf32>
      tpu.vector_store %arg12[%swap3A_194, %swap3A_195], %swap3A_198 {strides = array<i32>} : memref<128x128xf32, #tpu.memory_space<vmem>>, vector<1x16xf32>,
      %swap3A_199 = arith.index_cast %scan3A_188 : i32 to index
      %swap3A_200 = arith.constant 32 : index
      %swap3A_201 = tpu.vector_load %arg12[%swap3A_199, %swap3A_200] {strides = array<i32>} : memref<128x128xf32, #tpu.memory_space<vmem>>, vector<1x16xf32>,
      %swap3A_202 = vector.shape_cast %swap3A_201 : vector<1x16xf32> to vector<16xf32>
      %swap3A_203 = vector.shape_cast %broadcast_in_dim3A_0 : vector<16xf32> to vector<1x16xf32>
      tpu.vector_store %arg12[%swap3A_199, %swap3A_200], %swap3A_203 {strides = array<i32>} : memref<128x128xf32, #tpu.memory_space<vmem>>, vector<1x16xf32>,
      %swap3A_204 = arith.index_cast %scan3A_188 : i32 to index
      %swap3A_205 = arith.constant 48 : index
      %swap3A_206 = tpu.vector_load %arg12[%swap3A_204, %swap3A_205] {strides = array<i32>} : memref<128x128xf32, #tpu.memory_space<vmem>>, vector<1x16xf32>,
      %swap3A_207 = vector.shape_cast %swap3A_206 : vector<1x16xf32> to vector<16xf32>
      %swap3A_208 = vector.shape_cast %broadcast_in_dim3A_0 : vector<16xf32> to vector<1x16xf32>
      tpu.vector_store %arg12[%swap3A_204, %swap3A_205], %swap3A_208 {strides = array<i32>} : memref<128x128xf32, #tpu.memory_space<vmem>>, vector<1x16xf32>,
      %swap3A_209 = arith.index_cast %scan3A_188 : i32 to index
      %swap3A_210 = arith.constant 64 : index
      %swap3A_211 = tpu.vector_load %arg12[%swap3A_209, %swap3A_210] {strides = array<i32>} : memref<128x128xf32, #tpu.memory_space<vmem>>, vector<1x16xf32>,
      %swap3A_212 = vector.shape_cast %swap3A_211 : vector<1x16xf32> to vector<16xf32>
      %swap3A_213 = vector.shape_cast %broadcast_in_dim3A_0 : vector<16xf32> to vector<1x16xf32>
      tpu.vector_store %arg12[%swap3A_209, %swap3A_210], %swap3A_213 {strides = array<i32>} : memref<128x128xf32, #tpu.memory_space<vmem>>, vector<1x16xf32>,
      %swap3A_214 = arith.index_cast %scan3A_188 : i32 to index
      %swap3A_215 = arith.constant 80 : index
      %swap3A_216 = tpu.vector_load %arg12[%swap3A_214, %swap3A_215] {strides = array<i32>} : memref<128x128xf32, #tpu.memory_space<vmem>>, vector<1x16xf32>,
      %swap3A_217 = vector.shape_cast %swap3A_216 : vector<1x16xf32> to vector<16xf32>
      %swap3A_218 = vector.shape_cast %broadcast_in_dim3A_0 : vector<16xf32> to vector<1x16xf32>
      tpu.vector_store %arg12[%swap3A_214, %swap3A_215], %swap3A_218 {strides = array<i32>} : memref<128x128xf32, #tpu.memory_space<vmem>>, vector<1x16xf32>,
      %swap3A_219 = arith.index_cast %scan3A_188 : i32 to index
      %swap3A_220 = arith.constant 96 : index
      %swap3A_221 = tpu.vector_load %arg12[%swap3A_219, %swap3A_220] {strides = array<i32>} : memref<128x128xf32, #tpu.memory_space<vmem>>, vector<1x16xf32>,
      %swap3A_222 = vector.shape_cast %swap3A_221 : vector<1x16xf32> to vector<16xf32>
      %swap3A_223 = vector.shape_cast %broadcast_in_dim3A_0 : vector<16xf32> to vector<1x16xf32>
      tpu.vector_store %arg12[%swap3A_219, %swap3A_220], %swap3A_223 {strides = array<i32>} : memref<128x128xf32, #tpu.memory_space<vmem>>, vector<1x16xf32>,
      %swap3A_224 = arith.index_cast %scan3A_188 : i32 to index
      %swap3A_225 = arith.constant 112 : index
      %swap3A_226 = tpu.vector_load %arg12[%swap3A_224, %swap3A_225] {strides = array<i32>} : memref<128x128xf32, #tpu.memory_space<vmem>>, vector<1x16xf32>,
      %swap3A_227 = vector.shape_cast %swap3A_226 : vector<1x16xf32> to vector<16xf32>
      %swap3A_228 = vector.shape_cast %broadcast_in_dim3A_0 : vector<16xf32> to vector<1x16xf32>
      tpu.vector_store %arg12[%swap3A_224, %swap3A_225], %swap3A_228 {strides = array<i32>} : memref<128x128xf32, #tpu.memory_space<vmem>>, vector<1x16xf32>,
      %scan3A_229 = arith.constant 0 : i32
      scf.yield %scan3A_229 : i32
    }
    %scan3A_6 = arith.constant 128 : i32
    %eq3A = arith.constant 0 : i32
    %eq3A_7 = arith.cmpi eq, %arg0, %eq3A : i32
    %jit3A = arith.constant 146 : i32
    %jit3A_8 = arith.constant 12 : i32
    %select_n3A = arith.select %eq3A_7, %jit3A, %jit3A_8 : i32
    %eq3A_9 = arith.constant 0 : i32
    %eq3A_10 = arith.cmpi eq, %arg0, %eq3A_9 : i32
    %mul3A = arith.constant 146 : i32
    %mul3A_11 = arith.muli %arg1, %mul3A : i32
    %mul3A_12 = arith.constant 12 : i32
    %mul3A_13 = arith.muli %arg1, %mul3A_12 : i32
    %add3A = arith.constant 2336 : i32
    %add3A_14 = arith.addi %add3A, %mul3A_13 : i32
    %select_n3A_15 = arith.select %eq3A_10, %mul3A_11, %add3A_14 : i32
    %mul3A_16 = arith.constant 128 : i32
    %mul3A_17 = arith.muli %select_n3A_15, %mul3A_16 : i32
    %add3A_18 = arith.constant 0 : i32
    %add3A_19 = arith.addi %arg1, %add3A_18 : i32
    %lt3A = arith.constant 79 : i32
    %lt3A_20 = arith.cmpi slt, %add3A_19, %lt3A : i32
    %convert_element_type3A = arith.extui %lt3A_20 : i1 to i32
    %cond3A = arith.constant 0 : i32
    %cond3A_21 = arith.cmpi ne, %convert_element_type3A, %cond3A : i32
    scf.if %cond3A_21 {
      %mul3A_188 = arith.constant 128 : i32
      %mul3A_189 = arith.muli %add3A_19, %mul3A_188 : i32
      %dma_start3A_190 = arith.constant 0 : i32
      %dma_start3A_191 = tpu.memref_slice %arg15[%mul3A_189, %dma_start3A_190] : memref<10112x128xf32, #tpu.memory_space<vmem_shared>> -> memref<128x128xf32, #tpu.memory_space<vmem_shared>>
      %dma_start3A_192 = arith.constant 0 : i32
      %dma_start3A_193 = tpu.memref_slice %arg15[%mul3A_189, %dma_start3A_192] : memref<10112x128xf32, #tpu.memory_space<vmem_shared>> -> memref<128x128xf32, #tpu.memory_space<vmem_shared>>
      tpu.enqueue_dma source(%arg12 : memref<128x128xf32, #tpu.memory_space<vmem>>) target(%dma_start3A_193 : memref<128x128xf32, #tpu.memory_space<vmem_shared>>) target_semaphore(%arg16 : memref<!tpu.dma_semaphore, #tpu.memory_space<semaphore_mem>>)
    } else {
    }
    %add3A_22 = arith.constant 16 : i32
    %add3A_23 = arith.addi %arg1, %add3A_22 : i32
    %lt3A_24 = arith.constant 79 : i32
    %lt3A_25 = arith.cmpi slt, %add3A_23, %lt3A_24 : i32
    %convert_element_type3A_26 = arith.extui %lt3A_25 : i1 to i32
    %cond3A_27 = arith.constant 0 : i32
    %cond3A_28 = arith.cmpi ne, %convert_element_type3A_26, %cond3A_27 : i32
    scf.if %cond3A_28 {
      %mul3A_188 = arith.constant 128 : i32
      %mul3A_189 = arith.muli %add3A_23, %mul3A_188 : i32
      %dma_start3A_190 = arith.constant 0 : i32
      %dma_start3A_191 = tpu.memref_slice %arg15[%mul3A_189, %dma_start3A_190] : memref<10112x128xf32, #tpu.memory_space<vmem_shared>> -> memref<128x128xf32, #tpu.memory_space<vmem_shared>>
      %dma_start3A_192 = arith.constant 0 : i32
      %dma_start3A_193 = tpu.memref_slice %arg15[%mul3A_189, %dma_start3A_192] : memref<10112x128xf32, #tpu.memory_space<vmem_shared>> -> memref<128x128xf32, #tpu.memory_space<vmem_shared>>
      tpu.enqueue_dma source(%arg12 : memref<128x128xf32, #tpu.memory_space<vmem>>) target(%dma_start3A_193 : memref<128x128xf32, #tpu.memory_space<vmem_shared>>) target_semaphore(%arg16 : memref<!tpu.dma_semaphore, #tpu.memory_space<semaphore_mem>>)
    } else {
    }
    %add3A_29 = arith.constant 32 : i32
    %add3A_30 = arith.addi %arg1, %add3A_29 : i32
    %lt3A_31 = arith.constant 79 : i32
    %lt3A_32 = arith.cmpi slt, %add3A_30, %lt3A_31 : i32
    %convert_element_type3A_33 = arith.extui %lt3A_32 : i1 to i32
    %cond3A_34 = arith.constant 0 : i32
    %cond3A_35 = arith.cmpi ne, %convert_element_type3A_33, %cond3A_34 : i32
    scf.if %cond3A_35 {
      %mul3A_188 = arith.constant 128 : i32
      %mul3A_189 = arith.muli %add3A_30, %mul3A_188 : i32
      %dma_start3A_190 = arith.constant 0 : i32
      %dma_start3A_191 = tpu.memref_slice %arg15[%mul3A_189, %dma_start3A_190] : memref<10112x128xf32, #tpu.memory_space<vmem_shared>> -> memref<128x128xf32, #tpu.memory_space<vmem_shared>>
      %dma_start3A_192 = arith.constant 0 : i32
      %dma_start3A_193 = tpu.memref_slice %arg15[%mul3A_189, %dma_start3A_192] : memref<10112x128xf32, #tpu.memory_space<vmem_shared>> -> memref<128x128xf32, #tpu.memory_space<vmem_shared>>
      tpu.enqueue_dma source(%arg12 : memref<128x128xf32, #tpu.memory_space<vmem>>) target(%dma_start3A_193 : memref<128x128xf32, #tpu.memory_space<vmem_shared>>) target_semaphore(%arg16 : memref<!tpu.dma_semaphore, #tpu.memory_space<semaphore_mem>>)
    } else {
    }
    %add3A_36 = arith.constant 48 : i32
    %add3A_37 = arith.addi %arg1, %add3A_36 : i32
    %lt3A_38 = arith.constant 79 : i32
    %lt3A_39 = arith.cmpi slt, %add3A_37, %lt3A_38 : i32
    %convert_element_type3A_40 = arith.extui %lt3A_39 : i1 to i32
    %cond3A_41 = arith.constant 0 : i32
    %cond3A_42 = arith.cmpi ne, %convert_element_type3A_40, %cond3A_41 : i32
    scf.if %cond3A_42 {
      %mul3A_188 = arith.constant 128 : i32
      %mul3A_189 = arith.muli %add3A_37, %mul3A_188 : i32
      %dma_start3A_190 = arith.constant 0 : i32
      %dma_start3A_191 = tpu.memref_slice %arg15[%mul3A_189, %dma_start3A_190] : memref<10112x128xf32, #tpu.memory_space<vmem_shared>> -> memref<128x128xf32, #tpu.memory_space<vmem_shared>>
      %dma_start3A_192 = arith.constant 0 : i32
      %dma_start3A_193 = tpu.memref_slice %arg15[%mul3A_189, %dma_start3A_192] : memref<10112x128xf32, #tpu.memory_space<vmem_shared>> -> memref<128x128xf32, #tpu.memory_space<vmem_shared>>
      tpu.enqueue_dma source(%arg12 : memref<128x128xf32, #tpu.memory_space<vmem>>) target(%dma_start3A_193 : memref<128x128xf32, #tpu.memory_space<vmem_shared>>) target_semaphore(%arg16 : memref<!tpu.dma_semaphore, #tpu.memory_space<semaphore_mem>>)
    } else {
    }
    %add3A_43 = arith.constant 64 : i32
    %add3A_44 = arith.addi %arg1, %add3A_43 : i32
    %lt3A_45 = arith.constant 79 : i32
    %lt3A_46 = arith.cmpi slt, %add3A_44, %lt3A_45 : i32
    %convert_element_type3A_47 = arith.extui %lt3A_46 : i1 to i32
    %cond3A_48 = arith.constant 0 : i32
    %cond3A_49 = arith.cmpi ne, %convert_element_type3A_47, %cond3A_48 : i32
    scf.if %cond3A_49 {
      %mul3A_188 = arith.constant 128 : i32
      %mul3A_189 = arith.muli %add3A_44, %mul3A_188 : i32
      %dma_start3A_190 = arith.constant 0 : i32
      %dma_start3A_191 = tpu.memref_slice %arg15[%mul3A_189, %dma_start3A_190] : memref<10112x128xf32, #tpu.memory_space<vmem_shared>> -> memref<128x128xf32, #tpu.memory_space<vmem_shared>>
      %dma_start3A_192 = arith.constant 0 : i32
      %dma_start3A_193 = tpu.memref_slice %arg15[%mul3A_189, %dma_start3A_192] : memref<10112x128xf32, #tpu.memory_space<vmem_shared>> -> memref<128x128xf32, #tpu.memory_space<vmem_shared>>
      tpu.enqueue_dma source(%arg12 : memref<128x128xf32, #tpu.memory_space<vmem>>) target(%dma_start3A_193 : memref<128x128xf32, #tpu.memory_space<vmem_shared>>) target_semaphore(%arg16 : memref<!tpu.dma_semaphore, #tpu.memory_space<semaphore_mem>>)
    } else {
    }
    %add3A_50 = arith.constant 0 : i32
    %add3A_51 = arith.addi %arg1, %add3A_50 : i32
    %lt3A_52 = arith.constant 79 : i32
    %lt3A_53 = arith.cmpi slt, %add3A_51, %lt3A_52 : i32
    %convert_element_type3A_54 = arith.extui %lt3A_53 : i1 to i32
    %cond3A_55 = arith.constant 0 : i32
    %cond3A_56 = arith.cmpi ne, %convert_element_type3A_54, %cond3A_55 : i32
    scf.if %cond3A_56 {
      %mul3A_188 = arith.constant 128 : i32
      %mul3A_189 = arith.muli %add3A_51, %mul3A_188 : i32
      %dma_wait3A_190 = arith.constant 0 : i32
      %dma_wait3A_191 = tpu.memref_slice %arg15[%mul3A_189, %dma_wait3A_190] : memref<10112x128xf32, #tpu.memory_space<vmem_shared>> -> memref<128x128xf32, #tpu.memory_space<vmem_shared>>
      %dma_wait3A_192 = arith.constant 0 : i32
      %dma_wait3A_193 = tpu.memref_slice %arg15[%mul3A_189, %dma_wait3A_192] : memref<10112x128xf32, #tpu.memory_space<vmem_shared>> -> memref<128x128xf32, #tpu.memory_space<vmem_shared>>
      tpu.wait_dma2 semaphore(%arg16 : memref<!tpu.dma_semaphore, #tpu.memory_space<semaphore_mem>>) src(%arg12 : memref<128x128xf32, #tpu.memory_space<vmem>>) dst(%dma_wait3A_193 : memref<128x128xf32, #tpu.memory_space<vmem_shared>>)
    } else {
    }
    %add3A_57 = arith.constant 16 : i32
    %add3A_58 = arith.addi %arg1, %add3A_57 : i32
    %lt3A_59 = arith.constant 79 : i32
    %lt3A_60 = arith.cmpi slt, %add3A_58, %lt3A_59 : i32
    %convert_element_type3A_61 = arith.extui %lt3A_60 : i1 to i32
    %cond3A_62 = arith.constant 0 : i32
    %cond3A_63 = arith.cmpi ne, %convert_element_type3A_61, %cond3A_62 : i32
    scf.if %cond3A_63 {
      %mul3A_188 = arith.constant 128 : i32
      %mul3A_189 = arith.muli %add3A_58, %mul3A_188 : i32
      %dma_wait3A_190 = arith.constant 0 : i32
      %dma_wait3A_191 = tpu.memref_slice %arg15[%mul3A_189, %dma_wait3A_190] : memref<10112x128xf32, #tpu.memory_space<vmem_shared>> -> memref<128x128xf32, #tpu.memory_space<vmem_shared>>
      %dma_wait3A_192 = arith.constant 0 : i32
      %dma_wait3A_193 = tpu.memref_slice %arg15[%mul3A_189, %dma_wait3A_192] : memref<10112x128xf32, #tpu.memory_space<vmem_shared>> -> memref<128x128xf32, #tpu.memory_space<vmem_shared>>
      tpu.wait_dma2 semaphore(%arg16 : memref<!tpu.dma_semaphore, #tpu.memory_space<semaphore_mem>>) src(%arg12 : memref<128x128xf32, #tpu.memory_space<vmem>>) dst(%dma_wait3A_193 : memref<128x128xf32, #tpu.memory_space<vmem_shared>>)
    } else {
    }
    %add3A_64 = arith.constant 32 : i32
    %add3A_65 = arith.addi %arg1, %add3A_64 : i32
    %lt3A_66 = arith.constant 79 : i32
    %lt3A_67 = arith.cmpi slt, %add3A_65, %lt3A_66 : i32
    %convert_element_type3A_68 = arith.extui %lt3A_67 : i1 to i32
    %cond3A_69 = arith.constant 0 : i32
    %cond3A_70 = arith.cmpi ne, %convert_element_type3A_68, %cond3A_69 : i32
    scf.if %cond3A_70 {
      %mul3A_188 = arith.constant 128 : i32
      %mul3A_189 = arith.muli %add3A_65, %mul3A_188 : i32
      %dma_wait3A_190 = arith.constant 0 : i32
      %dma_wait3A_191 = tpu.memref_slice %arg15[%mul3A_189, %dma_wait3A_190] : memref<10112x128xf32, #tpu.memory_space<vmem_shared>> -> memref<128x128xf32, #tpu.memory_space<vmem_shared>>
      %dma_wait3A_192 = arith.constant 0 : i32
      %dma_wait3A_193 = tpu.memref_slice %arg15[%mul3A_189, %dma_wait3A_192] : memref<10112x128xf32, #tpu.memory_space<vmem_shared>> -> memref<128x128xf32, #tpu.memory_space<vmem_shared>>
      tpu.wait_dma2 semaphore(%arg16 : memref<!tpu.dma_semaphore, #tpu.memory_space<semaphore_mem>>) src(%arg12 : memref<128x128xf32, #tpu.memory_space<vmem>>) dst(%dma_wait3A_193 : memref<128x128xf32, #tpu.memory_space<vmem_shared>>)
    } else {
    }
    %add3A_71 = arith.constant 48 : i32
    %add3A_72 = arith.addi %arg1, %add3A_71 : i32
    %lt3A_73 = arith.constant 79 : i32
    %lt3A_74 = arith.cmpi slt, %add3A_72, %lt3A_73 : i32
    %convert_element_type3A_75 = arith.extui %lt3A_74 : i1 to i32
    %cond3A_76 = arith.constant 0 : i32
    %cond3A_77 = arith.cmpi ne, %convert_element_type3A_75, %cond3A_76 : i32
    scf.if %cond3A_77 {
      %mul3A_188 = arith.constant 128 : i32
      %mul3A_189 = arith.muli %add3A_72, %mul3A_188 : i32
      %dma_wait3A_190 = arith.constant 0 : i32
      %dma_wait3A_191 = tpu.memref_slice %arg15[%mul3A_189, %dma_wait3A_190] : memref<10112x128xf32, #tpu.memory_space<vmem_shared>> -> memref<128x128xf32, #tpu.memory_space<vmem_shared>>
      %dma_wait3A_192 = arith.constant 0 : i32
      %dma_wait3A_193 = tpu.memref_slice %arg15[%mul3A_189, %dma_wait3A_192] : memref<10112x128xf32, #tpu.memory_space<vmem_shared>> -> memref<128x128xf32, #tpu.memory_space<vmem_shared>>
      tpu.wait_dma2 semaphore(%arg16 : memref<!tpu.dma_semaphore, #tpu.memory_space<semaphore_mem>>) src(%arg12 : memref<128x128xf32, #tpu.memory_space<vmem>>) dst(%dma_wait3A_193 : memref<128x128xf32, #tpu.memory_space<vmem_shared>>)
    } else {
    }
    %add3A_78 = arith.constant 64 : i32
    %add3A_79 = arith.addi %arg1, %add3A_78 : i32
    %lt3A_80 = arith.constant 79 : i32
    %lt3A_81 = arith.cmpi slt, %add3A_79, %lt3A_80 : i32
    %convert_element_type3A_82 = arith.extui %lt3A_81 : i1 to i32
    %cond3A_83 = arith.constant 0 : i32
    %cond3A_84 = arith.cmpi ne, %convert_element_type3A_82, %cond3A_83 : i32
    scf.if %cond3A_84 {
      %mul3A_188 = arith.constant 128 : i32
      %mul3A_189 = arith.muli %add3A_79, %mul3A_188 : i32
      %dma_wait3A_190 = arith.constant 0 : i32
      %dma_wait3A_191 = tpu.memref_slice %arg15[%mul3A_189, %dma_wait3A_190] : memref<10112x128xf32, #tpu.memory_space<vmem_shared>> -> memref<128x128xf32, #tpu.memory_space<vmem_shared>>
      %dma_wait3A_192 = arith.constant 0 : i32
      %dma_wait3A_193 = tpu.memref_slice %arg15[%mul3A_189, %dma_wait3A_192] : memref<10112x128xf32, #tpu.memory_space<vmem_shared>> -> memref<128x128xf32, #tpu.memory_space<vmem_shared>>
      tpu.wait_dma2 semaphore(%arg16 : memref<!tpu.dma_semaphore, #tpu.memory_space<semaphore_mem>>) src(%arg12 : memref<128x128xf32, #tpu.memory_space<vmem>>) dst(%dma_wait3A_193 : memref<128x128xf32, #tpu.memory_space<vmem_shared>>)
    } else {
    }
    %barrier3A = arith.constant 0 : index
    tpu.barrier barrier_id(%barrier3A)
    %add3A_85 = arith.constant 0 : i32
    %add3A_86 = arith.addi %mul3A_17, %add3A_85 : i32
    %dma_start3A = tpu.memref_slice %arg3[%add3A_86] : memref<323584xi32, #tpu.memory_space<hbm>> -> memref<128xi32, #tpu.memory_space<hbm>>
    %dma_start3A_87 = tpu.memref_slice %arg3[%add3A_86] : memref<323584xi32, #tpu.memory_space<hbm>> -> memref<128xi32, #tpu.memory_space<hbm>>
    tpu.enqueue_dma source(%dma_start3A_87 : memref<128xi32, #tpu.memory_space<hbm>>) target(%arg6 : memref<128xi32, #tpu.memory_space<vmem>>) target_semaphore(%arg19 : memref<!tpu.dma_semaphore, #tpu.memory_space<semaphore_mem>>)
    %add3A_88 = arith.constant 0 : i32
    %add3A_89 = arith.addi %mul3A_17, %add3A_88 : i32
    %dma_start3A_90 = tpu.memref_slice %arg4[%add3A_89] : memref<323584xi32, #tpu.memory_space<hbm>> -> memref<128xi32, #tpu.memory_space<hbm>>
    %dma_start3A_91 = tpu.memref_slice %arg4[%add3A_89] : memref<323584xi32, #tpu.memory_space<hbm>> -> memref<128xi32, #tpu.memory_space<hbm>>
    tpu.enqueue_dma source(%dma_start3A_91 : memref<128xi32, #tpu.memory_space<hbm>>) target(%arg9 : memref<128xi32, #tpu.memory_space<vmem>>) target_semaphore(%arg19 : memref<!tpu.dma_semaphore, #tpu.memory_space<semaphore_mem>>)
    %add3A_92 = arith.constant 128 : i32
    %add3A_93 = arith.addi %mul3A_17, %add3A_92 : i32
    %dma_start3A_94 = tpu.memref_slice %arg3[%add3A_93] : memref<323584xi32, #tpu.memory_space<hbm>> -> memref<128xi32, #tpu.memory_space<hbm>>
    %dma_start3A_95 = tpu.memref_slice %arg3[%add3A_93] : memref<323584xi32, #tpu.memory_space<hbm>> -> memref<128xi32, #tpu.memory_space<hbm>>
    tpu.enqueue_dma source(%dma_start3A_95 : memref<128xi32, #tpu.memory_space<hbm>>) target(%arg7 : memref<128xi32, #tpu.memory_space<vmem>>) target_semaphore(%arg20 : memref<!tpu.dma_semaphore, #tpu.memory_space<semaphore_mem>>)
    %add3A_96 = arith.constant 128 : i32
    %add3A_97 = arith.addi %mul3A_17, %add3A_96 : i32
    %dma_start3A_98 = tpu.memref_slice %arg4[%add3A_97] : memref<323584xi32, #tpu.memory_space<hbm>> -> memref<128xi32, #tpu.memory_space<hbm>>
    %dma_start3A_99 = tpu.memref_slice %arg4[%add3A_97] : memref<323584xi32, #tpu.memory_space<hbm>> -> memref<128xi32, #tpu.memory_space<hbm>>
    tpu.enqueue_dma source(%dma_start3A_99 : memref<128xi32, #tpu.memory_space<hbm>>) target(%arg10 : memref<128xi32, #tpu.memory_space<vmem>>) target_semaphore(%arg20 : memref<!tpu.dma_semaphore, #tpu.memory_space<semaphore_mem>>)
    %add3A_100 = arith.constant 0 : i32
    %add3A_101 = arith.addi %mul3A_17, %add3A_100 : i32
    %dma_wait3A = tpu.memref_slice %arg3[%add3A_101] : memref<323584xi32, #tpu.memory_space<hbm>> -> memref<128xi32, #tpu.memory_space<hbm>>
    %dma_wait3A_102 = tpu.memref_slice %arg3[%add3A_101] : memref<323584xi32, #tpu.memory_space<hbm>> -> memref<128xi32, #tpu.memory_space<hbm>>
    tpu.wait_dma2 semaphore(%arg19 : memref<!tpu.dma_semaphore, #tpu.memory_space<semaphore_mem>>) src(%dma_wait3A_102 : memref<128xi32, #tpu.memory_space<hbm>>) dst(%arg6 : memref<128xi32, #tpu.memory_space<vmem>>)
    %add3A_103 = arith.constant 0 : i32
    %add3A_104 = arith.addi %mul3A_17, %add3A_103 : i32
    %dma_wait3A_105 = tpu.memref_slice %arg4[%add3A_104] : memref<323584xi32, #tpu.memory_space<hbm>> -> memref<128xi32, #tpu.memory_space<hbm>>
    %dma_wait3A_106 = tpu.memref_slice %arg4[%add3A_104] : memref<323584xi32, #tpu.memory_space<hbm>> -> memref<128xi32, #tpu.memory_space<hbm>>
    tpu.wait_dma2 semaphore(%arg19 : memref<!tpu.dma_semaphore, #tpu.memory_space<semaphore_mem>>) src(%dma_wait3A_106 : memref<128xi32, #tpu.memory_space<hbm>>) dst(%arg9 : memref<128xi32, #tpu.memory_space<vmem>>)
    %dma_start3A_107 = arith.constant 0 : i32
    %dma_start3A_108 = arith.constant 0 : i32
    %dma_start3A_109 = tpu.memref_slice %arg2[%dma_start3A_107, %dma_start3A_108] : memref<10000x128xf32, #tpu.memory_space<hbm>> -> memref<10000x128xf32, #tpu.memory_space<hbm>>
    tpu.enqueue_indirect_dma source(%dma_start3A_109 : memref<10000x128xf32, #tpu.memory_space<hbm>>) target(%arg12 : memref<128x128xf32, #tpu.memory_space<vmem>>) offsets(%arg6 : memref<128xi32, #tpu.memory_space<vmem>>) semaphore(%arg16 : memref<!tpu.dma_semaphore, #tpu.memory_space<semaphore_mem>>)
    %scan3A_110 = arith.constant 0 : i32
    %scan3A_111 = arith.constant 0 : i32
    %scan3A_112 = arith.constant 49 : i32
    %scan3A_113 = arith.addi %scan3A_111, %scan3A_112 : i32
    %scan3A_114 = arith.constant 1 : i32
    %scan3A_115 = scf.for %scan3A_188 = %scan3A_111 to %scan3A_113 step %scan3A_114 iter_args(%scan3A_189 = %scan3A_110) -> (i32)  : i32 {
      %mul3A_190 = arith.constant 3 : i32
      %mul3A_191 = arith.muli %mul3A_190, %scan3A_188 : i32
      %add3A_192 = arith.constant 0 : i32
      %add3A_193 = arith.addi %mul3A_191, %add3A_192 : i32
      %add3A_194 = arith.constant 2 : i32
      %add3A_195 = arith.addi %add3A_193, %add3A_194 : i32
      %lt3A_196 = arith.cmpi slt, %add3A_195, %select_n3A : i32
      %convert_element_type3A_197 = arith.extui %lt3A_196 : i1 to i32
      %cond3A_198 = arith.constant 0 : i32
      %cond3A_199 = arith.cmpi ne, %convert_element_type3A_197, %cond3A_198 : i32
      scf.if %cond3A_199 {
        %add3A_251 = arith.constant 2 : i32
        %add3A_252 = arith.addi %add3A_193, %add3A_251 : i32
        %mul3A_253 = arith.constant 128 : i32
        %mul3A_254 = arith.muli %add3A_252, %mul3A_253 : i32
        %add3A_255 = arith.addi %mul3A_17, %mul3A_254 : i32
        %dma_start3A_256 = tpu.memref_slice %arg3[%add3A_255] : memref<323584xi32, #tpu.memory_space<hbm>> -> memref<128xi32, #tpu.memory_space<hbm>>
        %dma_start3A_257 = tpu.memref_slice %arg3[%add3A_255] : memref<323584xi32, #tpu.memory_space<hbm>> -> memref<128xi32, #tpu.memory_space<hbm>>
        tpu.enqueue_dma source(%dma_start3A_257 : memref<128xi32, #tpu.memory_space<hbm>>) target(%arg8 : memref<128xi32, #tpu.memory_space<vmem>>) target_semaphore(%arg21 : memref<!tpu.dma_semaphore, #tpu.memory_space<semaphore_mem>>)
        %mul3A_258 = arith.constant 128 : i32
        %mul3A_259 = arith.muli %add3A_252, %mul3A_258 : i32
        %add3A_260 = arith.addi %mul3A_17, %mul3A_259 : i32
        %dma_start3A_261 = tpu.memref_slice %arg4[%add3A_260] : memref<323584xi32, #tpu.memory_space<hbm>> -> memref<128xi32, #tpu.memory_space<hbm>>
        %dma_start3A_262 = tpu.memref_slice %arg4[%add3A_260] : memref<323584xi32, #tpu.memory_space<hbm>> -> memref<128xi32, #tpu.memory_space<hbm>>
        tpu.enqueue_dma source(%dma_start3A_262 : memref<128xi32, #tpu.memory_space<hbm>>) target(%arg11 : memref<128xi32, #tpu.memory_space<vmem>>) target_semaphore(%arg21 : memref<!tpu.dma_semaphore, #tpu.memory_space<semaphore_mem>>)
      } else {
      }
      %add3A_200 = arith.constant 1 : i32
      %add3A_201 = arith.addi %add3A_193, %add3A_200 : i32
      %lt3A_202 = arith.cmpi slt, %add3A_201, %select_n3A : i32
      %convert_element_type3A_203 = arith.extui %lt3A_202 : i1 to i32
      %cond3A_204 = arith.constant 0 : i32
      %cond3A_205 = arith.cmpi ne, %convert_element_type3A_203, %cond3A_204 : i32
      scf.if %cond3A_205 {
        %add3A_251 = arith.constant 1 : i32
        %add3A_252 = arith.addi %add3A_193, %add3A_251 : i32
        %mul3A_253 = arith.constant 128 : i32
        %mul3A_254 = arith.muli %add3A_252, %mul3A_253 : i32
        %add3A_255 = arith.addi %mul3A_17, %mul3A_254 : i32
        %dma_wait3A_256 = tpu.memref_slice %arg3[%add3A_255] : memref<323584xi32, #tpu.memory_space<hbm>> -> memref<128xi32, #tpu.memory_space<hbm>>
        %dma_wait3A_257 = tpu.memref_slice %arg3[%add3A_255] : memref<323584xi32, #tpu.memory_space<hbm>> -> memref<128xi32, #tpu.memory_space<hbm>>
        tpu.wait_dma2 semaphore(%arg20 : memref<!tpu.dma_semaphore, #tpu.memory_space<semaphore_mem>>) src(%dma_wait3A_257 : memref<128xi32, #tpu.memory_space<hbm>>) dst(%arg7 : memref<128xi32, #tpu.memory_space<vmem>>)
        %mul3A_258 = arith.constant 128 : i32
        %mul3A_259 = arith.muli %add3A_252, %mul3A_258 : i32
        %add3A_260 = arith.addi %mul3A_17, %mul3A_259 : i32
        %dma_wait3A_261 = tpu.memref_slice %arg4[%add3A_260] : memref<323584xi32, #tpu.memory_space<hbm>> -> memref<128xi32, #tpu.memory_space<hbm>>
        %dma_wait3A_262 = tpu.memref_slice %arg4[%add3A_260] : memref<323584xi32, #tpu.memory_space<hbm>> -> memref<128xi32, #tpu.memory_space<hbm>>
        tpu.wait_dma2 semaphore(%arg20 : memref<!tpu.dma_semaphore, #tpu.memory_space<semaphore_mem>>) src(%dma_wait3A_262 : memref<128xi32, #tpu.memory_space<hbm>>) dst(%arg10 : memref<128xi32, #tpu.memory_space<vmem>>)
        %dma_start3A_263 = arith.constant 0 : i32
        %dma_start3A_264 = arith.constant 0 : i32
        %dma_start3A_265 = tpu.memref_slice %arg2[%dma_start3A_263, %dma_start3A_264] : memref<10000x128xf32, #tpu.memory_space<hbm>> -> memref<10000x128xf32, #tpu.memory_space<hbm>>
        tpu.enqueue_indirect_dma source(%dma_start3A_265 : memref<10000x128xf32, #tpu.memory_space<hbm>>) target(%arg13 : memref<128x128xf32, #tpu.memory_space<vmem>>) offsets(%arg7 : memref<128xi32, #tpu.memory_space<vmem>>) semaphore(%arg17 : memref<!tpu.dma_semaphore, #tpu.memory_space<semaphore_mem>>)
      } else {
      }
      %lt3A_206 = arith.cmpi slt, %add3A_193, %select_n3A : i32
      %convert_element_type3A_207 = arith.extui %lt3A_206 : i1 to i32
      %cond3A_208 = arith.constant 0 : i32
      %cond3A_209 = arith.cmpi ne, %convert_element_type3A_207, %cond3A_208 : i32
      scf.if %cond3A_209 {
        %dma_wait3A_251 = arith.constant 0 : i32
        %dma_wait3A_252 = arith.constant 0 : i32
        %dma_wait3A_253 = tpu.memref_slice %arg2[%dma_wait3A_251, %dma_wait3A_252] : memref<10000x128xf32, #tpu.memory_space<hbm>> -> memref<10000x128xf32, #tpu.memory_space<hbm>>
        tpu.wait_indirect_dma semaphore(%arg16 : memref<!tpu.dma_semaphore, #tpu.memory_space<semaphore_mem>>) src(%dma_wait3A_253 : memref<10000x128xf32, #tpu.memory_space<hbm>>) dst(%arg12 : memref<128x128xf32, #tpu.memory_space<vmem>>)
        "tpu.region"() ({
          %run_scoped3A = tpu.sem_alloc : memref<!tpu.dma_semaphore, #tpu.memory_space<semaphore_mem>>
          %dma_start3A_254 = arith.constant 0 : i32
          %dma_start3A_255 = arith.constant 0 : i32
          %dma_start3A_256 = tpu.memref_slice %arg15[%dma_start3A_254, %dma_start3A_255] : memref<10112x128xf32, #tpu.memory_space<vmem_shared>> -> memref<10112x128xf32, #tpu.memory_space<vmem_shared>>
          tpu.enqueue_indirect_dma source(%arg12 : memref<128x128xf32, #tpu.memory_space<vmem>>) target(%dma_start3A_256 : memref<10112x128xf32, #tpu.memory_space<vmem_shared>>) offsets(%arg9 : memref<128xi32, #tpu.memory_space<vmem>>) semaphore(%run_scoped3A : memref<!tpu.dma_semaphore, #tpu.memory_space<semaphore_mem>>) {add = true}
          %dma_wait3A_257 = arith.constant 0 : i32
          %dma_wait3A_258 = arith.constant 0 : i32
          %dma_wait3A_259 = tpu.memref_slice %arg15[%dma_wait3A_257, %dma_wait3A_258] : memref<10112x128xf32, #tpu.memory_space<vmem_shared>> -> memref<10112x128xf32, #tpu.memory_space<vmem_shared>>
          tpu.wait_indirect_dma semaphore(%run_scoped3A : memref<!tpu.dma_semaphore, #tpu.memory_space<semaphore_mem>>) src(%arg12 : memref<128x128xf32, #tpu.memory_space<vmem>>) dst(%dma_wait3A_259 : memref<10112x128xf32, #tpu.memory_space<vmem_shared>>)
          tpu.yield
        }) : () -> ()
      } else {
      }
      %mul3A_210 = arith.constant 3 : i32
      %mul3A_211 = arith.muli %mul3A_210, %scan3A_188 : i32
      %add3A_212 = arith.constant 1 : i32
      %add3A_213 = arith.addi %mul3A_211, %add3A_212 : i32
      %add3A_214 = arith.constant 2 : i32
      %add3A_215 = arith.addi %add3A_213, %add3A_214 : i32
      %lt3A_216 = arith.cmpi slt, %add3A_215, %select_n3A : i32
      %convert_element_type3A_217 = arith.extui %lt3A_216 : i1 to i32
      %cond3A_218 = arith.constant 0 : i32
      %cond3A_219 = arith.cmpi ne, %convert_element_type3A_217, %cond3A_218 : i32
      scf.if %cond3A_219 {
        %add3A_251 = arith.constant 2 : i32
        %add3A_252 = arith.addi %add3A_213, %add3A_251 : i32
        %mul3A_253 = arith.constant 128 : i32
        %mul3A_254 = arith.muli %add3A_252, %mul3A_253 : i32
        %add3A_255 = arith.addi %mul3A_17, %mul3A_254 : i32
        %dma_start3A_256 = tpu.memref_slice %arg3[%add3A_255] : memref<323584xi32, #tpu.memory_space<hbm>> -> memref<128xi32, #tpu.memory_space<hbm>>
        %dma_start3A_257 = tpu.memref_slice %arg3[%add3A_255] : memref<323584xi32, #tpu.memory_space<hbm>> -> memref<128xi32, #tpu.memory_space<hbm>>
        tpu.enqueue_dma source(%dma_start3A_257 : memref<128xi32, #tpu.memory_space<hbm>>) target(%arg6 : memref<128xi32, #tpu.memory_space<vmem>>) target_semaphore(%arg19 : memref<!tpu.dma_semaphore, #tpu.memory_space<semaphore_mem>>)
        %mul3A_258 = arith.constant 128 : i32
        %mul3A_259 = arith.muli %add3A_252, %mul3A_258 : i32
        %add3A_260 = arith.addi %mul3A_17, %mul3A_259 : i32
        %dma_start3A_261 = tpu.memref_slice %arg4[%add3A_260] : memref<323584xi32, #tpu.memory_space<hbm>> -> memref<128xi32, #tpu.memory_space<hbm>>
        %dma_start3A_262 = tpu.memref_slice %arg4[%add3A_260] : memref<323584xi32, #tpu.memory_space<hbm>> -> memref<128xi32, #tpu.memory_space<hbm>>
        tpu.enqueue_dma source(%dma_start3A_262 : memref<128xi32, #tpu.memory_space<hbm>>) target(%arg9 : memref<128xi32, #tpu.memory_space<vmem>>) target_semaphore(%arg19 : memref<!tpu.dma_semaphore, #tpu.memory_space<semaphore_mem>>)
      } else {
      }
      %add3A_220 = arith.constant 1 : i32
      %add3A_221 = arith.addi %add3A_213, %add3A_220 : i32
      %lt3A_222 = arith.cmpi slt, %add3A_221, %select_n3A : i32
      %convert_element_type3A_223 = arith.extui %lt3A_222 : i1 to i32
      %cond3A_224 = arith.constant 0 : i32
      %cond3A_225 = arith.cmpi ne, %convert_element_type3A_223, %cond3A_224 : i32
      scf.if %cond3A_225 {
        %add3A_251 = arith.constant 1 : i32
        %add3A_252 = arith.addi %add3A_213, %add3A_251 : i32
        %mul3A_253 = arith.constant 128 : i32
        %mul3A_254 = arith.muli %add3A_252, %mul3A_253 : i32
        %add3A_255 = arith.addi %mul3A_17, %mul3A_254 : i32
        %dma_wait3A_256 = tpu.memref_slice %arg3[%add3A_255] : memref<323584xi32, #tpu.memory_space<hbm>> -> memref<128xi32, #tpu.memory_space<hbm>>
        %dma_wait3A_257 = tpu.memref_slice %arg3[%add3A_255] : memref<323584xi32, #tpu.memory_space<hbm>> -> memref<128xi32, #tpu.memory_space<hbm>>
        tpu.wait_dma2 semaphore(%arg21 : memref<!tpu.dma_semaphore, #tpu.memory_space<semaphore_mem>>) src(%dma_wait3A_257 : memref<128xi32, #tpu.memory_space<hbm>>) dst(%arg8 : memref<128xi32, #tpu.memory_space<vmem>>)
        %mul3A_258 = arith.constant 128 : i32
        %mul3A_259 = arith.muli %add3A_252, %mul3A_258 : i32
        %add3A_260 = arith.addi %mul3A_17, %mul3A_259 : i32
        %dma_wait3A_261 = tpu.memref_slice %arg4[%add3A_260] : memref<323584xi32, #tpu.memory_space<hbm>> -> memref<128xi32, #tpu.memory_space<hbm>>
        %dma_wait3A_262 = tpu.memref_slice %arg4[%add3A_260] : memref<323584xi32, #tpu.memory_space<hbm>> -> memref<128xi32, #tpu.memory_space<hbm>>
        tpu.wait_dma2 semaphore(%arg21 : memref<!tpu.dma_semaphore, #tpu.memory_space<semaphore_mem>>) src(%dma_wait3A_262 : memref<128xi32, #tpu.memory_space<hbm>>) dst(%arg11 : memref<128xi32, #tpu.memory_space<vmem>>)
        %dma_start3A_263 = arith.constant 0 : i32
        %dma_start3A_264 = arith.constant 0 : i32
        %dma_start3A_265 = tpu.memref_slice %arg2[%dma_start3A_263, %dma_start3A_264] : memref<10000x128xf32, #tpu.memory_space<hbm>> -> memref<10000x128xf32, #tpu.memory_space<hbm>>
        tpu.enqueue_indirect_dma source(%dma_start3A_265 : memref<10000x128xf32, #tpu.memory_space<hbm>>) target(%arg14 : memref<128x128xf32, #tpu.memory_space<vmem>>) offsets(%arg8 : memref<128xi32, #tpu.memory_space<vmem>>) semaphore(%arg18 : memref<!tpu.dma_semaphore, #tpu.memory_space<semaphore_mem>>)
      } else {
      }
      %lt3A_226 = arith.cmpi slt, %add3A_213, %select_n3A : i32
      %convert_element_type3A_227 = arith.extui %lt3A_226 : i1 to i32
      %cond3A_228 = arith.constant 0 : i32
      %cond3A_229 = arith.cmpi ne, %convert_element_type3A_227, %cond3A_228 : i32
      scf.if %cond3A_229 {
        %dma_wait3A_251 = arith.constant 0 : i32
        %dma_wait3A_252 = arith.constant 0 : i32
        %dma_wait3A_253 = tpu.memref_slice %arg2[%dma_wait3A_251, %dma_wait3A_252] : memref<10000x128xf32, #tpu.memory_space<hbm>> -> memref<10000x128xf32, #tpu.memory_space<hbm>>
        tpu.wait_indirect_dma semaphore(%arg17 : memref<!tpu.dma_semaphore, #tpu.memory_space<semaphore_mem>>) src(%dma_wait3A_253 : memref<10000x128xf32, #tpu.memory_space<hbm>>) dst(%arg13 : memref<128x128xf32, #tpu.memory_space<vmem>>)
        "tpu.region"() ({
          %run_scoped3A = tpu.sem_alloc : memref<!tpu.dma_semaphore, #tpu.memory_space<semaphore_mem>>
          %dma_start3A_254 = arith.constant 0 : i32
          %dma_start3A_255 = arith.constant 0 : i32
          %dma_start3A_256 = tpu.memref_slice %arg15[%dma_start3A_254, %dma_start3A_255] : memref<10112x128xf32, #tpu.memory_space<vmem_shared>> -> memref<10112x128xf32, #tpu.memory_space<vmem_shared>>
          tpu.enqueue_indirect_dma source(%arg13 : memref<128x128xf32, #tpu.memory_space<vmem>>) target(%dma_start3A_256 : memref<10112x128xf32, #tpu.memory_space<vmem_shared>>) offsets(%arg10 : memref<128xi32, #tpu.memory_space<vmem>>) semaphore(%run_scoped3A : memref<!tpu.dma_semaphore, #tpu.memory_space<semaphore_mem>>) {add = true}
          %dma_wait3A_257 = arith.constant 0 : i32
          %dma_wait3A_258 = arith.constant 0 : i32
          %dma_wait3A_259 = tpu.memref_slice %arg15[%dma_wait3A_257, %dma_wait3A_258] : memref<10112x128xf32, #tpu.memory_space<vmem_shared>> -> memref<10112x128xf32, #tpu.memory_space<vmem_shared>>
          tpu.wait_indirect_dma semaphore(%run_scoped3A : memref<!tpu.dma_semaphore, #tpu.memory_space<semaphore_mem>>) src(%arg13 : memref<128x128xf32, #tpu.memory_space<vmem>>) dst(%dma_wait3A_259 : memref<10112x128xf32, #tpu.memory_space<vmem_shared>>)
          tpu.yield
        }) : () -> ()
      } else {
      }
      %mul3A_230 = arith.constant 3 : i32
      %mul3A_231 = arith.muli %mul3A_230, %scan3A_188 : i32
      %add3A_232 = arith.constant 2 : i32
      %add3A_233 = arith.addi %mul3A_231, %add3A_232 : i32
      %add3A_234 = arith.constant 2 : i32
      %add3A_235 = arith.addi %add3A_233, %add3A_234 : i32
      %lt3A_236 = arith.cmpi slt, %add3A_235, %select_n3A : i32
      %convert_element_type3A_237 = arith.extui %lt3A_236 : i1 to i32
      %cond3A_238 = arith.constant 0 : i32
      %cond3A_239 = arith.cmpi ne, %convert_element_type3A_237, %cond3A_238 : i32
      scf.if %cond3A_239 {
        %add3A_251 = arith.constant 2 : i32
        %add3A_252 = arith.addi %add3A_233, %add3A_251 : i32
        %mul3A_253 = arith.constant 128 : i32
        %mul3A_254 = arith.muli %add3A_252, %mul3A_253 : i32
        %add3A_255 = arith.addi %mul3A_17, %mul3A_254 : i32
        %dma_start3A_256 = tpu.memref_slice %arg3[%add3A_255] : memref<323584xi32, #tpu.memory_space<hbm>> -> memref<128xi32, #tpu.memory_space<hbm>>
        %dma_start3A_257 = tpu.memref_slice %arg3[%add3A_255] : memref<323584xi32, #tpu.memory_space<hbm>> -> memref<128xi32, #tpu.memory_space<hbm>>
        tpu.enqueue_dma source(%dma_start3A_257 : memref<128xi32, #tpu.memory_space<hbm>>) target(%arg7 : memref<128xi32, #tpu.memory_space<vmem>>) target_semaphore(%arg20 : memref<!tpu.dma_semaphore, #tpu.memory_space<semaphore_mem>>)
        %mul3A_258 = arith.constant 128 : i32
        %mul3A_259 = arith.muli %add3A_252, %mul3A_258 : i32
        %add3A_260 = arith.addi %mul3A_17, %mul3A_259 : i32
        %dma_start3A_261 = tpu.memref_slice %arg4[%add3A_260] : memref<323584xi32, #tpu.memory_space<hbm>> -> memref<128xi32, #tpu.memory_space<hbm>>
        %dma_start3A_262 = tpu.memref_slice %arg4[%add3A_260] : memref<323584xi32, #tpu.memory_space<hbm>> -> memref<128xi32, #tpu.memory_space<hbm>>
        tpu.enqueue_dma source(%dma_start3A_262 : memref<128xi32, #tpu.memory_space<hbm>>) target(%arg10 : memref<128xi32, #tpu.memory_space<vmem>>) target_semaphore(%arg20 : memref<!tpu.dma_semaphore, #tpu.memory_space<semaphore_mem>>)
      } else {
      }
      %add3A_240 = arith.constant 1 : i32
      %add3A_241 = arith.addi %add3A_233, %add3A_240 : i32
      %lt3A_242 = arith.cmpi slt, %add3A_241, %select_n3A : i32
      %convert_element_type3A_243 = arith.extui %lt3A_242 : i1 to i32
      %cond3A_244 = arith.constant 0 : i32
      %cond3A_245 = arith.cmpi ne, %convert_element_type3A_243, %cond3A_244 : i32
      scf.if %cond3A_245 {
        %add3A_251 = arith.constant 1 : i32
        %add3A_252 = arith.addi %add3A_233, %add3A_251 : i32
        %mul3A_253 = arith.constant 128 : i32
        %mul3A_254 = arith.muli %add3A_252, %mul3A_253 : i32
        %add3A_255 = arith.addi %mul3A_17, %mul3A_254 : i32
        %dma_wait3A_256 = tpu.memref_slice %arg3[%add3A_255] : memref<323584xi32, #tpu.memory_space<hbm>> -> memref<128xi32, #tpu.memory_space<hbm>>
        %dma_wait3A_257 = tpu.memref_slice %arg3[%add3A_255] : memref<323584xi32, #tpu.memory_space<hbm>> -> memref<128xi32, #tpu.memory_space<hbm>>
        tpu.wait_dma2 semaphore(%arg19 : memref<!tpu.dma_semaphore, #tpu.memory_space<semaphore_mem>>) src(%dma_wait3A_257 : memref<128xi32, #tpu.memory_space<hbm>>) dst(%arg6 : memref<128xi32, #tpu.memory_space<vmem>>)
        %mul3A_258 = arith.constant 128 : i32
        %mul3A_259 = arith.muli %add3A_252, %mul3A_258 : i32
        %add3A_260 = arith.addi %mul3A_17, %mul3A_259 : i32
        %dma_wait3A_261 = tpu.memref_slice %arg4[%add3A_260] : memref<323584xi32, #tpu.memory_space<hbm>> -> memref<128xi32, #tpu.memory_space<hbm>>
        %dma_wait3A_262 = tpu.memref_slice %arg4[%add3A_260] : memref<323584xi32, #tpu.memory_space<hbm>> -> memref<128xi32, #tpu.memory_space<hbm>>
        tpu.wait_dma2 semaphore(%arg19 : memref<!tpu.dma_semaphore, #tpu.memory_space<semaphore_mem>>) src(%dma_wait3A_262 : memref<128xi32, #tpu.memory_space<hbm>>) dst(%arg9 : memref<128xi32, #tpu.memory_space<vmem>>)
        %dma_start3A_263 = arith.constant 0 : i32
        %dma_start3A_264 = arith.constant 0 : i32
        %dma_start3A_265 = tpu.memref_slice %arg2[%dma_start3A_263, %dma_start3A_264] : memref<10000x128xf32, #tpu.memory_space<hbm>> -> memref<10000x128xf32, #tpu.memory_space<hbm>>
        tpu.enqueue_indirect_dma source(%dma_start3A_265 : memref<10000x128xf32, #tpu.memory_space<hbm>>) target(%arg12 : memref<128x128xf32, #tpu.memory_space<vmem>>) offsets(%arg6 : memref<128xi32, #tpu.memory_space<vmem>>) semaphore(%arg16 : memref<!tpu.dma_semaphore, #tpu.memory_space<semaphore_mem>>)
      } else {
      }
      %lt3A_246 = arith.cmpi slt, %add3A_233, %select_n3A : i32
      %convert_element_type3A_247 = arith.extui %lt3A_246 : i1 to i32
      %cond3A_248 = arith.constant 0 : i32
      %cond3A_249 = arith.cmpi ne, %convert_element_type3A_247, %cond3A_248 : i32
      scf.if %cond3A_249 {
        %dma_wait3A_251 = arith.constant 0 : i32
        %dma_wait3A_252 = arith.constant 0 : i32
        %dma_wait3A_253 = tpu.memref_slice %arg2[%dma_wait3A_251, %dma_wait3A_252] : memref<10000x128xf32, #tpu.memory_space<hbm>> -> memref<10000x128xf32, #tpu.memory_space<hbm>>
        tpu.wait_indirect_dma semaphore(%arg18 : memref<!tpu.dma_semaphore, #tpu.memory_space<semaphore_mem>>) src(%dma_wait3A_253 : memref<10000x128xf32, #tpu.memory_space<hbm>>) dst(%arg14 : memref<128x128xf32, #tpu.memory_space<vmem>>)
        "tpu.region"() ({
          %run_scoped3A = tpu.sem_alloc : memref<!tpu.dma_semaphore, #tpu.memory_space<semaphore_mem>>
          %dma_start3A_254 = arith.constant 0 : i32
          %dma_start3A_255 = arith.constant 0 : i32
          %dma_start3A_256 = tpu.memref_slice %arg15[%dma_start3A_254, %dma_start3A_255] : memref<10112x128xf32, #tpu.memory_space<vmem_shared>> -> memref<10112x128xf32, #tpu.memory_space<vmem_shared>>
          tpu.enqueue_indirect_dma source(%arg14 : memref<128x128xf32, #tpu.memory_space<vmem>>) target(%dma_start3A_256 : memref<10112x128xf32, #tpu.memory_space<vmem_shared>>) offsets(%arg11 : memref<128xi32, #tpu.memory_space<vmem>>) semaphore(%run_scoped3A : memref<!tpu.dma_semaphore, #tpu.memory_space<semaphore_mem>>) {add = true}
          %dma_wait3A_257 = arith.constant 0 : i32
          %dma_wait3A_258 = arith.constant 0 : i32
          %dma_wait3A_259 = tpu.memref_slice %arg15[%dma_wait3A_257, %dma_wait3A_258] : memref<10112x128xf32, #tpu.memory_space<vmem_shared>> -> memref<10112x128xf32, #tpu.memory_space<vmem_shared>>
          tpu.wait_indirect_dma semaphore(%run_scoped3A : memref<!tpu.dma_semaphore, #tpu.memory_space<semaphore_mem>>) src(%arg14 : memref<128x128xf32, #tpu.memory_space<vmem>>) dst(%dma_wait3A_259 : memref<10112x128xf32, #tpu.memory_space<vmem_shared>>)
          tpu.yield
        }) : () -> ()
      } else {
      }
      %scan3A_250 = arith.constant 0 : i32
      scf.yield %scan3A_250 : i32
    }
    %scan3A_116 = arith.constant 49 : i32
    %barrier3A_117 = arith.constant 0 : index
    tpu.barrier barrier_id(%barrier3A_117)
    %add3A_118 = arith.constant 0 : i32
    %add3A_119 = arith.addi %arg1, %add3A_118 : i32
    %lt3A_120 = arith.constant 79 : i32
    %lt3A_121 = arith.cmpi slt, %add3A_119, %lt3A_120 : i32
    %convert_element_type3A_122 = arith.extui %lt3A_121 : i1 to i32
    %cond3A_123 = arith.constant 0 : i32
    %cond3A_124 = arith.cmpi ne, %convert_element_type3A_122, %cond3A_123 : i32
    scf.if %cond3A_124 {
      %mul3A_188 = arith.constant 128 : i32
      %mul3A_189 = arith.muli %add3A_119, %mul3A_188 : i32
      %dma_start3A_190 = arith.constant 0 : i32
      %dma_start3A_191 = tpu.memref_slice %arg15[%mul3A_189, %dma_start3A_190] : memref<10112x128xf32, #tpu.memory_space<vmem_shared>> -> memref<128x128xf32, #tpu.memory_space<vmem_shared>>
      %dma_start3A_192 = arith.constant 0 : i32
      %dma_start3A_193 = tpu.memref_slice %arg15[%mul3A_189, %dma_start3A_192] : memref<10112x128xf32, #tpu.memory_space<vmem_shared>> -> memref<128x128xf32, #tpu.memory_space<vmem_shared>>
      tpu.enqueue_dma source(%dma_start3A_193 : memref<128x128xf32, #tpu.memory_space<vmem_shared>>) target(%arg12 : memref<128x128xf32, #tpu.memory_space<vmem>>) target_semaphore(%arg19 : memref<!tpu.dma_semaphore, #tpu.memory_space<semaphore_mem>>)
      %mul3A_194 = arith.constant 128 : i32
      %mul3A_195 = arith.muli %add3A_119, %mul3A_194 : i32
      %dma_wait3A_196 = arith.constant 0 : i32
      %dma_wait3A_197 = tpu.memref_slice %arg15[%mul3A_195, %dma_wait3A_196] : memref<10112x128xf32, #tpu.memory_space<vmem_shared>> -> memref<128x128xf32, #tpu.memory_space<vmem_shared>>
      %dma_wait3A_198 = arith.constant 0 : i32
      %dma_wait3A_199 = tpu.memref_slice %arg15[%mul3A_195, %dma_wait3A_198] : memref<10112x128xf32, #tpu.memory_space<vmem_shared>> -> memref<128x128xf32, #tpu.memory_space<vmem_shared>>
      tpu.wait_dma2 semaphore(%arg19 : memref<!tpu.dma_semaphore, #tpu.memory_space<semaphore_mem>>) src(%dma_wait3A_199 : memref<128x128xf32, #tpu.memory_space<vmem_shared>>) dst(%arg12 : memref<128x128xf32, #tpu.memory_space<vmem>>)
      %mul3A_200 = arith.constant 10112 : i32
      %mul3A_201 = arith.muli %arg0, %mul3A_200 : i32
      %mul3A_202 = arith.constant 128 : i32
      %mul3A_203 = arith.muli %add3A_119, %mul3A_202 : i32
      %add3A_204 = arith.addi %mul3A_201, %mul3A_203 : i32
      %dma_start3A_205 = arith.constant 0 : i32
      %dma_start3A_206 = tpu.memref_slice %arg5[%add3A_204, %dma_start3A_205] : memref<20224x128xf32, #tpu.memory_space<hbm>> -> memref<128x128xf32, #tpu.memory_space<hbm>>
      %dma_start3A_207 = arith.constant 0 : i32
      %dma_start3A_208 = tpu.memref_slice %arg5[%add3A_204, %dma_start3A_207] : memref<20224x128xf32, #tpu.memory_space<hbm>> -> memref<128x128xf32, #tpu.memory_space<hbm>>
      tpu.enqueue_dma source(%arg12 : memref<128x128xf32, #tpu.memory_space<vmem>>) target(%dma_start3A_208 : memref<128x128xf32, #tpu.memory_space<hbm>>) target_semaphore(%arg16 : memref<!tpu.dma_semaphore, #tpu.memory_space<semaphore_mem>>)
    } else {
    }
    %add3A_125 = arith.constant 16 : i32
    %add3A_126 = arith.addi %arg1, %add3A_125 : i32
    %lt3A_127 = arith.constant 79 : i32
    %lt3A_128 = arith.cmpi slt, %add3A_126, %lt3A_127 : i32
    %convert_element_type3A_129 = arith.extui %lt3A_128 : i1 to i32
    %cond3A_130 = arith.constant 0 : i32
    %cond3A_131 = arith.cmpi ne, %convert_element_type3A_129, %cond3A_130 : i32
    scf.if %cond3A_131 {
      %mul3A_188 = arith.constant 128 : i32
      %mul3A_189 = arith.muli %add3A_126, %mul3A_188 : i32
      %dma_start3A_190 = arith.constant 0 : i32
      %dma_start3A_191 = tpu.memref_slice %arg15[%mul3A_189, %dma_start3A_190] : memref<10112x128xf32, #tpu.memory_space<vmem_shared>> -> memref<128x128xf32, #tpu.memory_space<vmem_shared>>
      %dma_start3A_192 = arith.constant 0 : i32
      %dma_start3A_193 = tpu.memref_slice %arg15[%mul3A_189, %dma_start3A_192] : memref<10112x128xf32, #tpu.memory_space<vmem_shared>> -> memref<128x128xf32, #tpu.memory_space<vmem_shared>>
      tpu.enqueue_dma source(%dma_start3A_193 : memref<128x128xf32, #tpu.memory_space<vmem_shared>>) target(%arg13 : memref<128x128xf32, #tpu.memory_space<vmem>>) target_semaphore(%arg19 : memref<!tpu.dma_semaphore, #tpu.memory_space<semaphore_mem>>)
      %mul3A_194 = arith.constant 128 : i32
      %mul3A_195 = arith.muli %add3A_126, %mul3A_194 : i32
      %dma_wait3A_196 = arith.constant 0 : i32
      %dma_wait3A_197 = tpu.memref_slice %arg15[%mul3A_195, %dma_wait3A_196] : memref<10112x128xf32, #tpu.memory_space<vmem_shared>> -> memref<128x128xf32, #tpu.memory_space<vmem_shared>>
      %dma_wait3A_198 = arith.constant 0 : i32
      %dma_wait3A_199 = tpu.memref_slice %arg15[%mul3A_195, %dma_wait3A_198] : memref<10112x128xf32, #tpu.memory_space<vmem_shared>> -> memref<128x128xf32, #tpu.memory_space<vmem_shared>>
      tpu.wait_dma2 semaphore(%arg19 : memref<!tpu.dma_semaphore, #tpu.memory_space<semaphore_mem>>) src(%dma_wait3A_199 : memref<128x128xf32, #tpu.memory_space<vmem_shared>>) dst(%arg13 : memref<128x128xf32, #tpu.memory_space<vmem>>)
      %mul3A_200 = arith.constant 10112 : i32
      %mul3A_201 = arith.muli %arg0, %mul3A_200 : i32
      %mul3A_202 = arith.constant 128 : i32
      %mul3A_203 = arith.muli %add3A_126, %mul3A_202 : i32
      %add3A_204 = arith.addi %mul3A_201, %mul3A_203 : i32
      %dma_start3A_205 = arith.constant 0 : i32
      %dma_start3A_206 = tpu.memref_slice %arg5[%add3A_204, %dma_start3A_205] : memref<20224x128xf32, #tpu.memory_space<hbm>> -> memref<128x128xf32, #tpu.memory_space<hbm>>
      %dma_start3A_207 = arith.constant 0 : i32
      %dma_start3A_208 = tpu.memref_slice %arg5[%add3A_204, %dma_start3A_207] : memref<20224x128xf32, #tpu.memory_space<hbm>> -> memref<128x128xf32, #tpu.memory_space<hbm>>
      tpu.enqueue_dma source(%arg13 : memref<128x128xf32, #tpu.memory_space<vmem>>) target(%dma_start3A_208 : memref<128x128xf32, #tpu.memory_space<hbm>>) target_semaphore(%arg17 : memref<!tpu.dma_semaphore, #tpu.memory_space<semaphore_mem>>)
    } else {
    }
    %add3A_132 = arith.constant 32 : i32
    %add3A_133 = arith.addi %arg1, %add3A_132 : i32
    %lt3A_134 = arith.constant 79 : i32
    %lt3A_135 = arith.cmpi slt, %add3A_133, %lt3A_134 : i32
    %convert_element_type3A_136 = arith.extui %lt3A_135 : i1 to i32
    %cond3A_137 = arith.constant 0 : i32
    %cond3A_138 = arith.cmpi ne, %convert_element_type3A_136, %cond3A_137 : i32
    scf.if %cond3A_138 {
      %mul3A_188 = arith.constant 128 : i32
      %mul3A_189 = arith.muli %add3A_133, %mul3A_188 : i32
      %dma_start3A_190 = arith.constant 0 : i32
      %dma_start3A_191 = tpu.memref_slice %arg15[%mul3A_189, %dma_start3A_190] : memref<10112x128xf32, #tpu.memory_space<vmem_shared>> -> memref<128x128xf32, #tpu.memory_space<vmem_shared>>
      %dma_start3A_192 = arith.constant 0 : i32
      %dma_start3A_193 = tpu.memref_slice %arg15[%mul3A_189, %dma_start3A_192] : memref<10112x128xf32, #tpu.memory_space<vmem_shared>> -> memref<128x128xf32, #tpu.memory_space<vmem_shared>>
      tpu.enqueue_dma source(%dma_start3A_193 : memref<128x128xf32, #tpu.memory_space<vmem_shared>>) target(%arg14 : memref<128x128xf32, #tpu.memory_space<vmem>>) target_semaphore(%arg19 : memref<!tpu.dma_semaphore, #tpu.memory_space<semaphore_mem>>)
      %mul3A_194 = arith.constant 128 : i32
      %mul3A_195 = arith.muli %add3A_133, %mul3A_194 : i32
      %dma_wait3A_196 = arith.constant 0 : i32
      %dma_wait3A_197 = tpu.memref_slice %arg15[%mul3A_195, %dma_wait3A_196] : memref<10112x128xf32, #tpu.memory_space<vmem_shared>> -> memref<128x128xf32, #tpu.memory_space<vmem_shared>>
      %dma_wait3A_198 = arith.constant 0 : i32
      %dma_wait3A_199 = tpu.memref_slice %arg15[%mul3A_195, %dma_wait3A_198] : memref<10112x128xf32, #tpu.memory_space<vmem_shared>> -> memref<128x128xf32, #tpu.memory_space<vmem_shared>>
      tpu.wait_dma2 semaphore(%arg19 : memref<!tpu.dma_semaphore, #tpu.memory_space<semaphore_mem>>) src(%dma_wait3A_199 : memref<128x128xf32, #tpu.memory_space<vmem_shared>>) dst(%arg14 : memref<128x128xf32, #tpu.memory_space<vmem>>)
      %mul3A_200 = arith.constant 10112 : i32
      %mul3A_201 = arith.muli %arg0, %mul3A_200 : i32
      %mul3A_202 = arith.constant 128 : i32
      %mul3A_203 = arith.muli %add3A_133, %mul3A_202 : i32
      %add3A_204 = arith.addi %mul3A_201, %mul3A_203 : i32
      %dma_start3A_205 = arith.constant 0 : i32
      %dma_start3A_206 = tpu.memref_slice %arg5[%add3A_204, %dma_start3A_205] : memref<20224x128xf32, #tpu.memory_space<hbm>> -> memref<128x128xf32, #tpu.memory_space<hbm>>
      %dma_start3A_207 = arith.constant 0 : i32
      %dma_start3A_208 = tpu.memref_slice %arg5[%add3A_204, %dma_start3A_207] : memref<20224x128xf32, #tpu.memory_space<hbm>> -> memref<128x128xf32, #tpu.memory_space<hbm>>
      tpu.enqueue_dma source(%arg14 : memref<128x128xf32, #tpu.memory_space<vmem>>) target(%dma_start3A_208 : memref<128x128xf32, #tpu.memory_space<hbm>>) target_semaphore(%arg18 : memref<!tpu.dma_semaphore, #tpu.memory_space<semaphore_mem>>)
    } else {
    }
    %add3A_139 = arith.constant 0 : i32
    %add3A_140 = arith.addi %arg1, %add3A_139 : i32
    %lt3A_141 = arith.constant 79 : i32
    %lt3A_142 = arith.cmpi slt, %add3A_140, %lt3A_141 : i32
    %convert_element_type3A_143 = arith.extui %lt3A_142 : i1 to i32
    %cond3A_144 = arith.constant 0 : i32
    %cond3A_145 = arith.cmpi ne, %convert_element_type3A_143, %cond3A_144 : i32
    scf.if %cond3A_145 {
      %mul3A_188 = arith.constant 10112 : i32
      %mul3A_189 = arith.muli %arg0, %mul3A_188 : i32
      %mul3A_190 = arith.constant 128 : i32
      %mul3A_191 = arith.muli %add3A_140, %mul3A_190 : i32
      %add3A_192 = arith.addi %mul3A_189, %mul3A_191 : i32
      %dma_wait3A_193 = arith.constant 0 : i32
      %dma_wait3A_194 = tpu.memref_slice %arg5[%add3A_192, %dma_wait3A_193] : memref<20224x128xf32, #tpu.memory_space<hbm>> -> memref<128x128xf32, #tpu.memory_space<hbm>>
      %dma_wait3A_195 = arith.constant 0 : i32
      %dma_wait3A_196 = tpu.memref_slice %arg5[%add3A_192, %dma_wait3A_195] : memref<20224x128xf32, #tpu.memory_space<hbm>> -> memref<128x128xf32, #tpu.memory_space<hbm>>
      tpu.wait_dma2 semaphore(%arg16 : memref<!tpu.dma_semaphore, #tpu.memory_space<semaphore_mem>>) src(%arg12 : memref<128x128xf32, #tpu.memory_space<vmem>>) dst(%dma_wait3A_196 : memref<128x128xf32, #tpu.memory_space<hbm>>)
    } else {
    }
    %add3A_146 = arith.constant 48 : i32
    %add3A_147 = arith.addi %arg1, %add3A_146 : i32
    %lt3A_148 = arith.constant 79 : i32
    %lt3A_149 = arith.cmpi slt, %add3A_147, %lt3A_148 : i32
    %convert_element_type3A_150 = arith.extui %lt3A_149 : i1 to i32
    %cond3A_151 = arith.constant 0 : i32
    %cond3A_152 = arith.cmpi ne, %convert_element_type3A_150, %cond3A_151 : i32
    scf.if %cond3A_152 {
      %mul3A_188 = arith.constant 128 : i32
      %mul3A_189 = arith.muli %add3A_147, %mul3A_188 : i32
      %dma_start3A_190 = arith.constant 0 : i32
      %dma_start3A_191 = tpu.memref_slice %arg15[%mul3A_189, %dma_start3A_190] : memref<10112x128xf32, #tpu.memory_space<vmem_shared>> -> memref<128x128xf32, #tpu.memory_space<vmem_shared>>
      %dma_start3A_192 = arith.constant 0 : i32
      %dma_start3A_193 = tpu.memref_slice %arg15[%mul3A_189, %dma_start3A_192] : memref<10112x128xf32, #tpu.memory_space<vmem_shared>> -> memref<128x128xf32, #tpu.memory_space<vmem_shared>>
      tpu.enqueue_dma source(%dma_start3A_193 : memref<128x128xf32, #tpu.memory_space<vmem_shared>>) target(%arg12 : memref<128x128xf32, #tpu.memory_space<vmem>>) target_semaphore(%arg19 : memref<!tpu.dma_semaphore, #tpu.memory_space<semaphore_mem>>)
      %mul3A_194 = arith.constant 128 : i32
      %mul3A_195 = arith.muli %add3A_147, %mul3A_194 : i32
      %dma_wait3A_196 = arith.constant 0 : i32
      %dma_wait3A_197 = tpu.memref_slice %arg15[%mul3A_195, %dma_wait3A_196] : memref<10112x128xf32, #tpu.memory_space<vmem_shared>> -> memref<128x128xf32, #tpu.memory_space<vmem_shared>>
      %dma_wait3A_198 = arith.constant 0 : i32
      %dma_wait3A_199 = tpu.memref_slice %arg15[%mul3A_195, %dma_wait3A_198] : memref<10112x128xf32, #tpu.memory_space<vmem_shared>> -> memref<128x128xf32, #tpu.memory_space<vmem_shared>>
      tpu.wait_dma2 semaphore(%arg19 : memref<!tpu.dma_semaphore, #tpu.memory_space<semaphore_mem>>) src(%dma_wait3A_199 : memref<128x128xf32, #tpu.memory_space<vmem_shared>>) dst(%arg12 : memref<128x128xf32, #tpu.memory_space<vmem>>)
      %mul3A_200 = arith.constant 10112 : i32
      %mul3A_201 = arith.muli %arg0, %mul3A_200 : i32
      %mul3A_202 = arith.constant 128 : i32
      %mul3A_203 = arith.muli %add3A_147, %mul3A_202 : i32
      %add3A_204 = arith.addi %mul3A_201, %mul3A_203 : i32
      %dma_start3A_205 = arith.constant 0 : i32
      %dma_start3A_206 = tpu.memref_slice %arg5[%add3A_204, %dma_start3A_205] : memref<20224x128xf32, #tpu.memory_space<hbm>> -> memref<128x128xf32, #tpu.memory_space<hbm>>
      %dma_start3A_207 = arith.constant 0 : i32
      %dma_start3A_208 = tpu.memref_slice %arg5[%add3A_204, %dma_start3A_207] : memref<20224x128xf32, #tpu.memory_space<hbm>> -> memref<128x128xf32, #tpu.memory_space<hbm>>
      tpu.enqueue_dma source(%arg12 : memref<128x128xf32, #tpu.memory_space<vmem>>) target(%dma_start3A_208 : memref<128x128xf32, #tpu.memory_space<hbm>>) target_semaphore(%arg16 : memref<!tpu.dma_semaphore, #tpu.memory_space<semaphore_mem>>)
    } else {
    }
    %add3A_153 = arith.constant 16 : i32
    %add3A_154 = arith.addi %arg1, %add3A_153 : i32
    %lt3A_155 = arith.constant 79 : i32
    %lt3A_156 = arith.cmpi slt, %add3A_154, %lt3A_155 : i32
    %convert_element_type3A_157 = arith.extui %lt3A_156 : i1 to i32
    %cond3A_158 = arith.constant 0 : i32
    %cond3A_159 = arith.cmpi ne, %convert_element_type3A_157, %cond3A_158 : i32
    scf.if %cond3A_159 {
      %mul3A_188 = arith.constant 10112 : i32
      %mul3A_189 = arith.muli %arg0, %mul3A_188 : i32
      %mul3A_190 = arith.constant 128 : i32
      %mul3A_191 = arith.muli %add3A_154, %mul3A_190 : i32
      %add3A_192 = arith.addi %mul3A_189, %mul3A_191 : i32
      %dma_wait3A_193 = arith.constant 0 : i32
      %dma_wait3A_194 = tpu.memref_slice %arg5[%add3A_192, %dma_wait3A_193] : memref<20224x128xf32, #tpu.memory_space<hbm>> -> memref<128x128xf32, #tpu.memory_space<hbm>>
      %dma_wait3A_195 = arith.constant 0 : i32
      %dma_wait3A_196 = tpu.memref_slice %arg5[%add3A_192, %dma_wait3A_195] : memref<20224x128xf32, #tpu.memory_space<hbm>> -> memref<128x128xf32, #tpu.memory_space<hbm>>
      tpu.wait_dma2 semaphore(%arg17 : memref<!tpu.dma_semaphore, #tpu.memory_space<semaphore_mem>>) src(%arg13 : memref<128x128xf32, #tpu.memory_space<vmem>>) dst(%dma_wait3A_196 : memref<128x128xf32, #tpu.memory_space<hbm>>)
    } else {
    }
    %add3A_160 = arith.constant 64 : i32
    %add3A_161 = arith.addi %arg1, %add3A_160 : i32
    %lt3A_162 = arith.constant 79 : i32
    %lt3A_163 = arith.cmpi slt, %add3A_161, %lt3A_162 : i32
    %convert_element_type3A_164 = arith.extui %lt3A_163 : i1 to i32
    %cond3A_165 = arith.constant 0 : i32
    %cond3A_166 = arith.cmpi ne, %convert_element_type3A_164, %cond3A_165 : i32
    scf.if %cond3A_166 {
      %mul3A_188 = arith.constant 128 : i32
      %mul3A_189 = arith.muli %add3A_161, %mul3A_188 : i32
      %dma_start3A_190 = arith.constant 0 : i32
      %dma_start3A_191 = tpu.memref_slice %arg15[%mul3A_189, %dma_start3A_190] : memref<10112x128xf32, #tpu.memory_space<vmem_shared>> -> memref<128x128xf32, #tpu.memory_space<vmem_shared>>
      %dma_start3A_192 = arith.constant 0 : i32
      %dma_start3A_193 = tpu.memref_slice %arg15[%mul3A_189, %dma_start3A_192] : memref<10112x128xf32, #tpu.memory_space<vmem_shared>> -> memref<128x128xf32, #tpu.memory_space<vmem_shared>>
      tpu.enqueue_dma source(%dma_start3A_193 : memref<128x128xf32, #tpu.memory_space<vmem_shared>>) target(%arg13 : memref<128x128xf32, #tpu.memory_space<vmem>>) target_semaphore(%arg19 : memref<!tpu.dma_semaphore, #tpu.memory_space<semaphore_mem>>)
      %mul3A_194 = arith.constant 128 : i32
      %mul3A_195 = arith.muli %add3A_161, %mul3A_194 : i32
      %dma_wait3A_196 = arith.constant 0 : i32
      %dma_wait3A_197 = tpu.memref_slice %arg15[%mul3A_195, %dma_wait3A_196] : memref<10112x128xf32, #tpu.memory_space<vmem_shared>> -> memref<128x128xf32, #tpu.memory_space<vmem_shared>>
      %dma_wait3A_198 = arith.constant 0 : i32
      %dma_wait3A_199 = tpu.memref_slice %arg15[%mul3A_195, %dma_wait3A_198] : memref<10112x128xf32, #tpu.memory_space<vmem_shared>> -> memref<128x128xf32, #tpu.memory_space<vmem_shared>>
      tpu.wait_dma2 semaphore(%arg19 : memref<!tpu.dma_semaphore, #tpu.memory_space<semaphore_mem>>) src(%dma_wait3A_199 : memref<128x128xf32, #tpu.memory_space<vmem_shared>>) dst(%arg13 : memref<128x128xf32, #tpu.memory_space<vmem>>)
      %mul3A_200 = arith.constant 10112 : i32
      %mul3A_201 = arith.muli %arg0, %mul3A_200 : i32
      %mul3A_202 = arith.constant 128 : i32
      %mul3A_203 = arith.muli %add3A_161, %mul3A_202 : i32
      %add3A_204 = arith.addi %mul3A_201, %mul3A_203 : i32
      %dma_start3A_205 = arith.constant 0 : i32
      %dma_start3A_206 = tpu.memref_slice %arg5[%add3A_204, %dma_start3A_205] : memref<20224x128xf32, #tpu.memory_space<hbm>> -> memref<128x128xf32, #tpu.memory_space<hbm>>
      %dma_start3A_207 = arith.constant 0 : i32
      %dma_start3A_208 = tpu.memref_slice %arg5[%add3A_204, %dma_start3A_207] : memref<20224x128xf32, #tpu.memory_space<hbm>> -> memref<128x128xf32, #tpu.memory_space<hbm>>
      tpu.enqueue_dma source(%arg13 : memref<128x128xf32, #tpu.memory_space<vmem>>) target(%dma_start3A_208 : memref<128x128xf32, #tpu.memory_space<hbm>>) target_semaphore(%arg17 : memref<!tpu.dma_semaphore, #tpu.memory_space<semaphore_mem>>)
    } else {
    }
    %add3A_167 = arith.constant 32 : i32
    %add3A_168 = arith.addi %arg1, %add3A_167 : i32
    %lt3A_169 = arith.constant 79 : i32
    %lt3A_170 = arith.cmpi slt, %add3A_168, %lt3A_169 : i32
    %convert_element_type3A_171 = arith.extui %lt3A_170 : i1 to i32
    %cond3A_172 = arith.constant 0 : i32
    %cond3A_173 = arith.cmpi ne, %convert_element_type3A_171, %cond3A_172 : i32
    scf.if %cond3A_173 {
      %mul3A_188 = arith.constant 10112 : i32
      %mul3A_189 = arith.muli %arg0, %mul3A_188 : i32
      %mul3A_190 = arith.constant 128 : i32
      %mul3A_191 = arith.muli %add3A_168, %mul3A_190 : i32
      %add3A_192 = arith.addi %mul3A_189, %mul3A_191 : i32
      %dma_wait3A_193 = arith.constant 0 : i32
      %dma_wait3A_194 = tpu.memref_slice %arg5[%add3A_192, %dma_wait3A_193] : memref<20224x128xf32, #tpu.memory_space<hbm>> -> memref<128x128xf32, #tpu.memory_space<hbm>>
      %dma_wait3A_195 = arith.constant 0 : i32
      %dma_wait3A_196 = tpu.memref_slice %arg5[%add3A_192, %dma_wait3A_195] : memref<20224x128xf32, #tpu.memory_space<hbm>> -> memref<128x128xf32, #tpu.memory_space<hbm>>
      tpu.wait_dma2 semaphore(%arg18 : memref<!tpu.dma_semaphore, #tpu.memory_space<semaphore_mem>>) src(%arg14 : memref<128x128xf32, #tpu.memory_space<vmem>>) dst(%dma_wait3A_196 : memref<128x128xf32, #tpu.memory_space<hbm>>)
    } else {
    }
    %add3A_174 = arith.constant 48 : i32
    %add3A_175 = arith.addi %arg1, %add3A_174 : i32
    %lt3A_176 = arith.constant 79 : i32
    %lt3A_177 = arith.cmpi slt, %add3A_175, %lt3A_176 : i32
    %convert_element_type3A_178 = arith.extui %lt3A_177 : i1 to i32
    %cond3A_179 = arith.constant 0 : i32
    %cond3A_180 = arith.cmpi ne, %convert_element_type3A_178, %cond3A_179 : i32
    scf.if %cond3A_180 {
      %mul3A_188 = arith.constant 10112 : i32
      %mul3A_189 = arith.muli %arg0, %mul3A_188 : i32
      %mul3A_190 = arith.constant 128 : i32
      %mul3A_191 = arith.muli %add3A_175, %mul3A_190 : i32
      %add3A_192 = arith.addi %mul3A_189, %mul3A_191 : i32
      %dma_wait3A_193 = arith.constant 0 : i32
      %dma_wait3A_194 = tpu.memref_slice %arg5[%add3A_192, %dma_wait3A_193] : memref<20224x128xf32, #tpu.memory_space<hbm>> -> memref<128x128xf32, #tpu.memory_space<hbm>>
      %dma_wait3A_195 = arith.constant 0 : i32
      %dma_wait3A_196 = tpu.memref_slice %arg5[%add3A_192, %dma_wait3A_195] : memref<20224x128xf32, #tpu.memory_space<hbm>> -> memref<128x128xf32, #tpu.memory_space<hbm>>
      tpu.wait_dma2 semaphore(%arg16 : memref<!tpu.dma_semaphore, #tpu.memory_space<semaphore_mem>>) src(%arg12 : memref<128x128xf32, #tpu.memory_space<vmem>>) dst(%dma_wait3A_196 : memref<128x128xf32, #tpu.memory_space<hbm>>)
    } else {
    }
    %add3A_181 = arith.constant 64 : i32
    %add3A_182 = arith.addi %arg1, %add3A_181 : i32
    %lt3A_183 = arith.constant 79 : i32
    %lt3A_184 = arith.cmpi slt, %add3A_182, %lt3A_183 : i32
    %convert_element_type3A_185 = arith.extui %lt3A_184 : i1 to i32
    %cond3A_186 = arith.constant 0 : i32
    %cond3A_187 = arith.cmpi ne, %convert_element_type3A_185, %cond3A_186 : i32
    scf.if %cond3A_187 {
      %mul3A_188 = arith.constant 10112 : i32
      %mul3A_189 = arith.muli %arg0, %mul3A_188 : i32
      %mul3A_190 = arith.constant 128 : i32
      %mul3A_191 = arith.muli %add3A_182, %mul3A_190 : i32
      %add3A_192 = arith.addi %mul3A_189, %mul3A_191 : i32
      %dma_wait3A_193 = arith.constant 0 : i32
      %dma_wait3A_194 = tpu.memref_slice %arg5[%add3A_192, %dma_wait3A_193] : memref<20224x128xf32, #tpu.memory_space<hbm>> -> memref<128x128xf32, #tpu.memory_space<hbm>>
      %dma_wait3A_195 = arith.constant 0 : i32
      %dma_wait3A_196 = tpu.memref_slice %arg5[%add3A_192, %dma_wait3A_195] : memref<20224x128xf32, #tpu.memory_space<hbm>> -> memref<128x128xf32, #tpu.memory_space<hbm>>
      tpu.wait_dma2 semaphore(%arg17 : memref<!tpu.dma_semaphore, #tpu.memory_space<semaphore_mem>>) src(%arg13 : memref<128x128xf32, #tpu.memory_space<vmem>>) dst(%dma_wait3A_196 : memref<128x128xf32, #tpu.memory_space<hbm>>)
    } else {
    }
    return
  }
}

#map = affine_map<(d0, d1) -> (0, 0)>
#map1 = affine_map<(d0, d1) -> (0)>
module attributes {stable_mosaic.version = 14 : i64} {
  func.func @_scatter_kernel(%arg0: i32, %arg1: i32, %arg2: memref<10000x128xf32, #tpu.memory_space<hbm>>, %arg3: memref<323584xi32, #tpu.memory_space<hbm>>, %arg4: memref<323584xi32, #tpu.memory_space<hbm>>, %arg5: memref<20224x128xf32, #tpu.memory_space<hbm>>, %arg6: memref<128xi32, #tpu.memory_space<vmem>>, %arg7: memref<128xi32, #tpu.memory_space<vmem>>, %arg8: memref<128xi32, #tpu.memory_space<vmem>>, %arg9: memref<128xi32, #tpu.memory_space<vmem>>, %arg10: memref<128xi32, #tpu.memory_space<vmem>>, %arg11: memref<128xi32, #tpu.memory_space<vmem>>, %arg12: memref<128x128xf32, #tpu.memory_space<vmem>>, %arg13: memref<128x128xf32, #tpu.memory_space<vmem>>, %arg14: memref<128x128xf32, #tpu.memory_space<vmem>>, %arg15: memref<10112x128xf32, #tpu.memory_space<vmem_shared>>, %arg16: memref<!tpu.dma_semaphore, #tpu.memory_space<semaphore_mem>>, %arg17: memref<!tpu.dma_semaphore, #tpu.memory_space<semaphore_mem>>, %arg18: memref<!tpu.dma_semaphore, #tpu.memory_space<semaphore_mem>>, %arg19: memref<!tpu.dma_semaphore, #tpu.memory_space<semaphore_mem>>, %arg20: memref<!tpu.dma_semaphore, #tpu.memory_space<semaphore_mem>>, %arg21: memref<!tpu.dma_semaphore, #tpu.memory_space<semaphore_mem>>) attributes {dimension_semantics = [#tpu.dimension_semantics<core_parallel>, #tpu.dimension_semantics<subcore_parallel>], iteration_bounds = array<i64: 2, 16>, scalar_prefetch = 0 : i64, scratch_operands = 16 : i64, tpu.core_type = #tpu.core_type<sc_vector_subcore>, window_params = [{transform_indices = #map}, {transform_indices = #map1}, {transform_indices = #map1}, {transform_indices = #map}]} {
    %broadcast_in_dim3A = arith.constant 0.000000e+00 : f32
    %broadcast_in_dim3A_0 = vector.broadcast %broadcast_in_dim3A : f32 to vector<16xf32>
    %scan3A = arith.constant 0 : i32
    %scan3A_1 = arith.constant 0 : i32
    %scan3A_2 = arith.constant 128 : i32
    %scan3A_3 = arith.addi %scan3A_1, %scan3A_2 : i32
    %scan3A_4 = arith.constant 1 : i32
    %scan3A_5 = scf.for %scan3A_188 = %scan3A_1 to %scan3A_3 step %scan3A_4 iter_args(%scan3A_189 = %scan3A) -> (i32)  : i32 {
      %swap3A = arith.index_cast %scan3A_188 : i32 to index
      %swap3A_190 = arith.constant 0 : index
      %swap3A_191 = tpu.vector_load %arg12[%swap3A, %swap3A_190] {strides = array<i32>} : memref<128x128xf32, #tpu.memory_space<vmem>>, vector<1x16xf32>,
      %swap3A_192 = vector.shape_cast %swap3A_191 : vector<1x16xf32> to vector<16xf32>
      %swap3A_193 = vector.shape_cast %broadcast_in_dim3A_0 : vector<16xf32> to vector<1x16xf32>
      tpu.vector_store %arg12[%swap3A, %swap3A_190], %swap3A_193 {strides = array<i32>} : memref<128x128xf32, #tpu.memory_space<vmem>>, vector<1x16xf32>,
      %swap3A_194 = arith.index_cast %scan3A_188 : i32 to index
      %swap3A_195 = arith.constant 16 : index
      %swap3A_196 = tpu.vector_load %arg12[%swap3A_194, %swap3A_195] {strides = array<i32>} : memref<128x128xf32, #tpu.memory_space<vmem>>, vector<1x16xf32>,
      %swap3A_197 = vector.shape_cast %swap3A_196 : vector<1x16xf32> to vector<16xf32>
      %swap3A_198 = vector.shape_cast %broadcast_in_dim3A_0 : vector<16xf32> to vector<1x16xf32>
      tpu.vector_store %arg12[%swap3A_194, %swap3A_195], %swap3A_198 {strides = array<i32>} : memref<128x128xf32, #tpu.memory_space<vmem>>, vector<1x16xf32>,
      %swap3A_199 = arith.index_cast %scan3A_188 : i32 to index
      %swap3A_200 = arith.constant 32 : index
      %swap3A_201 = tpu.vector_load %arg12[%swap3A_199, %swap3A_200] {strides = array<i32>} : memref<128x128xf32, #tpu.memory_space<vmem>>, vector<1x16xf32>,
      %swap3A_202 = vector.shape_cast %swap3A_201 : vector<1x16xf32> to vector<16xf32>
      %swap3A_203 = vector.shape_cast %broadcast_in_dim3A_0 : vector<16xf32> to vector<1x16xf32>
      tpu.vector_store %arg12[%swap3A_199, %swap3A_200], %swap3A_203 {strides = array<i32>} : memref<128x128xf32, #tpu.memory_space<vmem>>, vector<1x16xf32>,
      %swap3A_204 = arith.index_cast %scan3A_188 : i32 to index
      %swap3A_205 = arith.constant 48 : index
      %swap3A_206 = tpu.vector_load %arg12[%swap3A_204, %swap3A_205] {strides = array<i32>} : memref<128x128xf32, #tpu.memory_space<vmem>>, vector<1x16xf32>,
      %swap3A_207 = vector.shape_cast %swap3A_206 : vector<1x16xf32> to vector<16xf32>
      %swap3A_208 = vector.shape_cast %broadcast_in_dim3A_0 : vector<16xf32> to vector<1x16xf32>
      tpu.vector_store %arg12[%swap3A_204, %swap3A_205], %swap3A_208 {strides = array<i32>} : memref<128x128xf32, #tpu.memory_space<vmem>>, vector<1x16xf32>,
      %swap3A_209 = arith.index_cast %scan3A_188 : i32 to index
      %swap3A_210 = arith.constant 64 : index
      %swap3A_211 = tpu.vector_load %arg12[%swap3A_209, %swap3A_210] {strides = array<i32>} : memref<128x128xf32, #tpu.memory_space<vmem>>, vector<1x16xf32>,
      %swap3A_212 = vector.shape_cast %swap3A_211 : vector<1x16xf32> to vector<16xf32>
      %swap3A_213 = vector.shape_cast %broadcast_in_dim3A_0 : vector<16xf32> to vector<1x16xf32>
      tpu.vector_store %arg12[%swap3A_209, %swap3A_210], %swap3A_213 {strides = array<i32>} : memref<128x128xf32, #tpu.memory_space<vmem>>, vector<1x16xf32>,
      %swap3A_214 = arith.index_cast %scan3A_188 : i32 to index
      %swap3A_215 = arith.constant 80 : index
      %swap3A_216 = tpu.vector_load %arg12[%swap3A_214, %swap3A_215] {strides = array<i32>} : memref<128x128xf32, #tpu.memory_space<vmem>>, vector<1x16xf32>,
      %swap3A_217 = vector.shape_cast %swap3A_216 : vector<1x16xf32> to vector<16xf32>
      %swap3A_218 = vector.shape_cast %broadcast_in_dim3A_0 : vector<16xf32> to vector<1x16xf32>
      tpu.vector_store %arg12[%swap3A_214, %swap3A_215], %swap3A_218 {strides = array<i32>} : memref<128x128xf32, #tpu.memory_space<vmem>>, vector<1x16xf32>,
      %swap3A_219 = arith.index_cast %scan3A_188 : i32 to index
      %swap3A_220 = arith.constant 96 : index
      %swap3A_221 = tpu.vector_load %arg12[%swap3A_219, %swap3A_220] {strides = array<i32>} : memref<128x128xf32, #tpu.memory_space<vmem>>, vector<1x16xf32>,
      %swap3A_222 = vector.shape_cast %swap3A_221 : vector<1x16xf32> to vector<16xf32>
      %swap3A_223 = vector.shape_cast %broadcast_in_dim3A_0 : vector<16xf32> to vector<1x16xf32>
      tpu.vector_store %arg12[%swap3A_219, %swap3A_220], %swap3A_223 {strides = array<i32>} : memref<128x128xf32, #tpu.memory_space<vmem>>, vector<1x16xf32>,
      %swap3A_224 = arith.index_cast %scan3A_188 : i32 to index
      %swap3A_225 = arith.constant 112 : index
      %swap3A_226 = tpu.vector_load %arg12[%swap3A_224, %swap3A_225] {strides = array<i32>} : memref<128x128xf32, #tpu.memory_space<vmem>>, vector<1x16xf32>,
      %swap3A_227 = vector.shape_cast %swap3A_226 : vector<1x16xf32> to vector<16xf32>
      %swap3A_228 = vector.shape_cast %broadcast_in_dim3A_0 : vector<16xf32> to vector<1x16xf32>
      tpu.vector_store %arg12[%swap3A_224, %swap3A_225], %swap3A_228 {strides = array<i32>} : memref<128x128xf32, #tpu.memory_space<vmem>>, vector<1x16xf32>,
      %scan3A_229 = arith.constant 0 : i32
      scf.yield %scan3A_229 : i32
    }
    %scan3A_6 = arith.constant 128 : i32
    %eq3A = arith.constant 0 : i32
    %eq3A_7 = arith.cmpi eq, %arg0, %eq3A : i32
    %jit3A = arith.constant 146 : i32
    %jit3A_8 = arith.constant 12 : i32
    %select_n3A = arith.select %eq3A_7, %jit3A, %jit3A_8 : i32
    %eq3A_9 = arith.constant 0 : i32
    %eq3A_10 = arith.cmpi eq, %arg0, %eq3A_9 : i32
    %mul3A = arith.constant 146 : i32
    %mul3A_11 = arith.muli %arg1, %mul3A : i32
    %mul3A_12 = arith.constant 12 : i32
    %mul3A_13 = arith.muli %arg1, %mul3A_12 : i32
    %add3A = arith.constant 2336 : i32
    %add3A_14 = arith.addi %add3A, %mul3A_13 : i32
    %select_n3A_15 = arith.select %eq3A_10, %mul3A_11, %add3A_14 : i32
    %mul3A_16 = arith.constant 128 : i32
    %mul3A_17 = arith.muli %select_n3A_15, %mul3A_16 : i32
    %add3A_18 = arith.constant 0 : i32
    %add3A_19 = arith.addi %arg1, %add3A_18 : i32
    %lt3A = arith.constant 79 : i32
    %lt3A_20 = arith.cmpi slt, %add3A_19, %lt3A : i32
    %convert_element_type3A = arith.extui %lt3A_20 : i1 to i32
    %cond3A = arith.constant 0 : i32
    %cond3A_21 = arith.cmpi ne, %convert_element_type3A, %cond3A : i32
    scf.if %cond3A_21 {
      %mul3A_188 = arith.constant 128 : i32
      %mul3A_189 = arith.muli %add3A_19, %mul3A_188 : i32
      %dma_start3A_190 = arith.constant 0 : i32
      %dma_start3A_191 = tpu.memref_slice %arg15[%mul3A_189, %dma_start3A_190] : memref<10112x128xf32, #tpu.memory_space<vmem_shared>> -> memref<128x128xf32, #tpu.memory_space<vmem_shared>>
      %dma_start3A_192 = arith.constant 0 : i32
      %dma_start3A_193 = tpu.memref_slice %arg15[%mul3A_189, %dma_start3A_192] : memref<10112x128xf32, #tpu.memory_space<vmem_shared>> -> memref<128x128xf32, #tpu.memory_space<vmem_shared>>
      tpu.enqueue_dma source(%arg12 : memref<128x128xf32, #tpu.memory_space<vmem>>) target(%dma_start3A_193 : memref<128x128xf32, #tpu.memory_space<vmem_shared>>) target_semaphore(%arg16 : memref<!tpu.dma_semaphore, #tpu.memory_space<semaphore_mem>>)
    } else {
    }
    %add3A_22 = arith.constant 16 : i32
    %add3A_23 = arith.addi %arg1, %add3A_22 : i32
    %lt3A_24 = arith.constant 79 : i32
    %lt3A_25 = arith.cmpi slt, %add3A_23, %lt3A_24 : i32
    %convert_element_type3A_26 = arith.extui %lt3A_25 : i1 to i32
    %cond3A_27 = arith.constant 0 : i32
    %cond3A_28 = arith.cmpi ne, %convert_element_type3A_26, %cond3A_27 : i32
    scf.if %cond3A_28 {
      %mul3A_188 = arith.constant 128 : i32
      %mul3A_189 = arith.muli %add3A_23, %mul3A_188 : i32
      %dma_start3A_190 = arith.constant 0 : i32
      %dma_start3A_191 = tpu.memref_slice %arg15[%mul3A_189, %dma_start3A_190] : memref<10112x128xf32, #tpu.memory_space<vmem_shared>> -> memref<128x128xf32, #tpu.memory_space<vmem_shared>>
      %dma_start3A_192 = arith.constant 0 : i32
      %dma_start3A_193 = tpu.memref_slice %arg15[%mul3A_189, %dma_start3A_192] : memref<10112x128xf32, #tpu.memory_space<vmem_shared>> -> memref<128x128xf32, #tpu.memory_space<vmem_shared>>
      tpu.enqueue_dma source(%arg12 : memref<128x128xf32, #tpu.memory_space<vmem>>) target(%dma_start3A_193 : memref<128x128xf32, #tpu.memory_space<vmem_shared>>) target_semaphore(%arg16 : memref<!tpu.dma_semaphore, #tpu.memory_space<semaphore_mem>>)
    } else {
    }
    %add3A_29 = arith.constant 32 : i32
    %add3A_30 = arith.addi %arg1, %add3A_29 : i32
    %lt3A_31 = arith.constant 79 : i32
    %lt3A_32 = arith.cmpi slt, %add3A_30, %lt3A_31 : i32
    %convert_element_type3A_33 = arith.extui %lt3A_32 : i1 to i32
    %cond3A_34 = arith.constant 0 : i32
    %cond3A_35 = arith.cmpi ne, %convert_element_type3A_33, %cond3A_34 : i32
    scf.if %cond3A_35 {
      %mul3A_188 = arith.constant 128 : i32
      %mul3A_189 = arith.muli %add3A_30, %mul3A_188 : i32
      %dma_start3A_190 = arith.constant 0 : i32
      %dma_start3A_191 = tpu.memref_slice %arg15[%mul3A_189, %dma_start3A_190] : memref<10112x128xf32, #tpu.memory_space<vmem_shared>> -> memref<128x128xf32, #tpu.memory_space<vmem_shared>>
      %dma_start3A_192 = arith.constant 0 : i32
      %dma_start3A_193 = tpu.memref_slice %arg15[%mul3A_189, %dma_start3A_192] : memref<10112x128xf32, #tpu.memory_space<vmem_shared>> -> memref<128x128xf32, #tpu.memory_space<vmem_shared>>
      tpu.enqueue_dma source(%arg12 : memref<128x128xf32, #tpu.memory_space<vmem>>) target(%dma_start3A_193 : memref<128x128xf32, #tpu.memory_space<vmem_shared>>) target_semaphore(%arg16 : memref<!tpu.dma_semaphore, #tpu.memory_space<semaphore_mem>>)
    } else {
    }
    %add3A_36 = arith.constant 48 : i32
    %add3A_37 = arith.addi %arg1, %add3A_36 : i32
    %lt3A_38 = arith.constant 79 : i32
    %lt3A_39 = arith.cmpi slt, %add3A_37, %lt3A_38 : i32
    %convert_element_type3A_40 = arith.extui %lt3A_39 : i1 to i32
    %cond3A_41 = arith.constant 0 : i32
    %cond3A_42 = arith.cmpi ne, %convert_element_type3A_40, %cond3A_41 : i32
    scf.if %cond3A_42 {
      %mul3A_188 = arith.constant 128 : i32
      %mul3A_189 = arith.muli %add3A_37, %mul3A_188 : i32
      %dma_start3A_190 = arith.constant 0 : i32
      %dma_start3A_191 = tpu.memref_slice %arg15[%mul3A_189, %dma_start3A_190] : memref<10112x128xf32, #tpu.memory_space<vmem_shared>> -> memref<128x128xf32, #tpu.memory_space<vmem_shared>>
      %dma_start3A_192 = arith.constant 0 : i32
      %dma_start3A_193 = tpu.memref_slice %arg15[%mul3A_189, %dma_start3A_192] : memref<10112x128xf32, #tpu.memory_space<vmem_shared>> -> memref<128x128xf32, #tpu.memory_space<vmem_shared>>
      tpu.enqueue_dma source(%arg12 : memref<128x128xf32, #tpu.memory_space<vmem>>) target(%dma_start3A_193 : memref<128x128xf32, #tpu.memory_space<vmem_shared>>) target_semaphore(%arg16 : memref<!tpu.dma_semaphore, #tpu.memory_space<semaphore_mem>>)
    } else {
    }
    %add3A_43 = arith.constant 64 : i32
    %add3A_44 = arith.addi %arg1, %add3A_43 : i32
    %lt3A_45 = arith.constant 79 : i32
    %lt3A_46 = arith.cmpi slt, %add3A_44, %lt3A_45 : i32
    %convert_element_type3A_47 = arith.extui %lt3A_46 : i1 to i32
    %cond3A_48 = arith.constant 0 : i32
    %cond3A_49 = arith.cmpi ne, %convert_element_type3A_47, %cond3A_48 : i32
    scf.if %cond3A_49 {
      %mul3A_188 = arith.constant 128 : i32
      %mul3A_189 = arith.muli %add3A_44, %mul3A_188 : i32
      %dma_start3A_190 = arith.constant 0 : i32
      %dma_start3A_191 = tpu.memref_slice %arg15[%mul3A_189, %dma_start3A_190] : memref<10112x128xf32, #tpu.memory_space<vmem_shared>> -> memref<128x128xf32, #tpu.memory_space<vmem_shared>>
      %dma_start3A_192 = arith.constant 0 : i32
      %dma_start3A_193 = tpu.memref_slice %arg15[%mul3A_189, %dma_start3A_192] : memref<10112x128xf32, #tpu.memory_space<vmem_shared>> -> memref<128x128xf32, #tpu.memory_space<vmem_shared>>
      tpu.enqueue_dma source(%arg12 : memref<128x128xf32, #tpu.memory_space<vmem>>) target(%dma_start3A_193 : memref<128x128xf32, #tpu.memory_space<vmem_shared>>) target_semaphore(%arg16 : memref<!tpu.dma_semaphore, #tpu.memory_space<semaphore_mem>>)
    } else {
    }
    %add3A_50 = arith.constant 0 : i32
    %add3A_51 = arith.addi %arg1, %add3A_50 : i32
    %lt3A_52 = arith.constant 79 : i32
    %lt3A_53 = arith.cmpi slt, %add3A_51, %lt3A_52 : i32
    %convert_element_type3A_54 = arith.extui %lt3A_53 : i1 to i32
    %cond3A_55 = arith.constant 0 : i32
    %cond3A_56 = arith.cmpi ne, %convert_element_type3A_54, %cond3A_55 : i32
    scf.if %cond3A_56 {
      %mul3A_188 = arith.constant 128 : i32
      %mul3A_189 = arith.muli %add3A_51, %mul3A_188 : i32
      %dma_wait3A_190 = arith.constant 0 : i32
      %dma_wait3A_191 = tpu.memref_slice %arg15[%mul3A_189, %dma_wait3A_190] : memref<10112x128xf32, #tpu.memory_space<vmem_shared>> -> memref<128x128xf32, #tpu.memory_space<vmem_shared>>
      %dma_wait3A_192 = arith.constant 0 : i32
      %dma_wait3A_193 = tpu.memref_slice %arg15[%mul3A_189, %dma_wait3A_192] : memref<10112x128xf32, #tpu.memory_space<vmem_shared>> -> memref<128x128xf32, #tpu.memory_space<vmem_shared>>
      tpu.wait_dma2 semaphore(%arg16 : memref<!tpu.dma_semaphore, #tpu.memory_space<semaphore_mem>>) src(%arg12 : memref<128x128xf32, #tpu.memory_space<vmem>>) dst(%dma_wait3A_193 : memref<128x128xf32, #tpu.memory_space<vmem_shared>>)
    } else {
    }
    %add3A_57 = arith.constant 16 : i32
    %add3A_58 = arith.addi %arg1, %add3A_57 : i32
    %lt3A_59 = arith.constant 79 : i32
    %lt3A_60 = arith.cmpi slt, %add3A_58, %lt3A_59 : i32
    %convert_element_type3A_61 = arith.extui %lt3A_60 : i1 to i32
    %cond3A_62 = arith.constant 0 : i32
    %cond3A_63 = arith.cmpi ne, %convert_element_type3A_61, %cond3A_62 : i32
    scf.if %cond3A_63 {
      %mul3A_188 = arith.constant 128 : i32
      %mul3A_189 = arith.muli %add3A_58, %mul3A_188 : i32
      %dma_wait3A_190 = arith.constant 0 : i32
      %dma_wait3A_191 = tpu.memref_slice %arg15[%mul3A_189, %dma_wait3A_190] : memref<10112x128xf32, #tpu.memory_space<vmem_shared>> -> memref<128x128xf32, #tpu.memory_space<vmem_shared>>
      %dma_wait3A_192 = arith.constant 0 : i32
      %dma_wait3A_193 = tpu.memref_slice %arg15[%mul3A_189, %dma_wait3A_192] : memref<10112x128xf32, #tpu.memory_space<vmem_shared>> -> memref<128x128xf32, #tpu.memory_space<vmem_shared>>
      tpu.wait_dma2 semaphore(%arg16 : memref<!tpu.dma_semaphore, #tpu.memory_space<semaphore_mem>>) src(%arg12 : memref<128x128xf32, #tpu.memory_space<vmem>>) dst(%dma_wait3A_193 : memref<128x128xf32, #tpu.memory_space<vmem_shared>>)
    } else {
    }
    %add3A_64 = arith.constant 32 : i32
    %add3A_65 = arith.addi %arg1, %add3A_64 : i32
    %lt3A_66 = arith.constant 79 : i32
    %lt3A_67 = arith.cmpi slt, %add3A_65, %lt3A_66 : i32
    %convert_element_type3A_68 = arith.extui %lt3A_67 : i1 to i32
    %cond3A_69 = arith.constant 0 : i32
    %cond3A_70 = arith.cmpi ne, %convert_element_type3A_68, %cond3A_69 : i32
    scf.if %cond3A_70 {
      %mul3A_188 = arith.constant 128 : i32
      %mul3A_189 = arith.muli %add3A_65, %mul3A_188 : i32
      %dma_wait3A_190 = arith.constant 0 : i32
      %dma_wait3A_191 = tpu.memref_slice %arg15[%mul3A_189, %dma_wait3A_190] : memref<10112x128xf32, #tpu.memory_space<vmem_shared>> -> memref<128x128xf32, #tpu.memory_space<vmem_shared>>
      %dma_wait3A_192 = arith.constant 0 : i32
      %dma_wait3A_193 = tpu.memref_slice %arg15[%mul3A_189, %dma_wait3A_192] : memref<10112x128xf32, #tpu.memory_space<vmem_shared>> -> memref<128x128xf32, #tpu.memory_space<vmem_shared>>
      tpu.wait_dma2 semaphore(%arg16 : memref<!tpu.dma_semaphore, #tpu.memory_space<semaphore_mem>>) src(%arg12 : memref<128x128xf32, #tpu.memory_space<vmem>>) dst(%dma_wait3A_193 : memref<128x128xf32, #tpu.memory_space<vmem_shared>>)
    } else {
    }
    %add3A_71 = arith.constant 48 : i32
    %add3A_72 = arith.addi %arg1, %add3A_71 : i32
    %lt3A_73 = arith.constant 79 : i32
    %lt3A_74 = arith.cmpi slt, %add3A_72, %lt3A_73 : i32
    %convert_element_type3A_75 = arith.extui %lt3A_74 : i1 to i32
    %cond3A_76 = arith.constant 0 : i32
    %cond3A_77 = arith.cmpi ne, %convert_element_type3A_75, %cond3A_76 : i32
    scf.if %cond3A_77 {
      %mul3A_188 = arith.constant 128 : i32
      %mul3A_189 = arith.muli %add3A_72, %mul3A_188 : i32
      %dma_wait3A_190 = arith.constant 0 : i32
      %dma_wait3A_191 = tpu.memref_slice %arg15[%mul3A_189, %dma_wait3A_190] : memref<10112x128xf32, #tpu.memory_space<vmem_shared>> -> memref<128x128xf32, #tpu.memory_space<vmem_shared>>
      %dma_wait3A_192 = arith.constant 0 : i32
      %dma_wait3A_193 = tpu.memref_slice %arg15[%mul3A_189, %dma_wait3A_192] : memref<10112x128xf32, #tpu.memory_space<vmem_shared>> -> memref<128x128xf32, #tpu.memory_space<vmem_shared>>
      tpu.wait_dma2 semaphore(%arg16 : memref<!tpu.dma_semaphore, #tpu.memory_space<semaphore_mem>>) src(%arg12 : memref<128x128xf32, #tpu.memory_space<vmem>>) dst(%dma_wait3A_193 : memref<128x128xf32, #tpu.memory_space<vmem_shared>>)
    } else {
    }
    %add3A_78 = arith.constant 64 : i32
    %add3A_79 = arith.addi %arg1, %add3A_78 : i32
    %lt3A_80 = arith.constant 79 : i32
    %lt3A_81 = arith.cmpi slt, %add3A_79, %lt3A_80 : i32
    %convert_element_type3A_82 = arith.extui %lt3A_81 : i1 to i32
    %cond3A_83 = arith.constant 0 : i32
    %cond3A_84 = arith.cmpi ne, %convert_element_type3A_82, %cond3A_83 : i32
    scf.if %cond3A_84 {
      %mul3A_188 = arith.constant 128 : i32
      %mul3A_189 = arith.muli %add3A_79, %mul3A_188 : i32
      %dma_wait3A_190 = arith.constant 0 : i32
      %dma_wait3A_191 = tpu.memref_slice %arg15[%mul3A_189, %dma_wait3A_190] : memref<10112x128xf32, #tpu.memory_space<vmem_shared>> -> memref<128x128xf32, #tpu.memory_space<vmem_shared>>
      %dma_wait3A_192 = arith.constant 0 : i32
      %dma_wait3A_193 = tpu.memref_slice %arg15[%mul3A_189, %dma_wait3A_192] : memref<10112x128xf32, #tpu.memory_space<vmem_shared>> -> memref<128x128xf32, #tpu.memory_space<vmem_shared>>
      tpu.wait_dma2 semaphore(%arg16 : memref<!tpu.dma_semaphore, #tpu.memory_space<semaphore_mem>>) src(%arg12 : memref<128x128xf32, #tpu.memory_space<vmem>>) dst(%dma_wait3A_193 : memref<128x128xf32, #tpu.memory_space<vmem_shared>>)
    } else {
    }
    %barrier3A = arith.constant 0 : index
    tpu.barrier barrier_id(%barrier3A)
    %add3A_85 = arith.constant 0 : i32
    %add3A_86 = arith.addi %mul3A_17, %add3A_85 : i32
    %dma_start3A = tpu.memref_slice %arg3[%add3A_86] : memref<323584xi32, #tpu.memory_space<hbm>> -> memref<128xi32, #tpu.memory_space<hbm>>
    %dma_start3A_87 = tpu.memref_slice %arg3[%add3A_86] : memref<323584xi32, #tpu.memory_space<hbm>> -> memref<128xi32, #tpu.memory_space<hbm>>
    tpu.enqueue_dma source(%dma_start3A_87 : memref<128xi32, #tpu.memory_space<hbm>>) target(%arg6 : memref<128xi32, #tpu.memory_space<vmem>>) target_semaphore(%arg19 : memref<!tpu.dma_semaphore, #tpu.memory_space<semaphore_mem>>)
    %add3A_88 = arith.constant 0 : i32
    %add3A_89 = arith.addi %mul3A_17, %add3A_88 : i32
    %dma_start3A_90 = tpu.memref_slice %arg4[%add3A_89] : memref<323584xi32, #tpu.memory_space<hbm>> -> memref<128xi32, #tpu.memory_space<hbm>>
    %dma_start3A_91 = tpu.memref_slice %arg4[%add3A_89] : memref<323584xi32, #tpu.memory_space<hbm>> -> memref<128xi32, #tpu.memory_space<hbm>>
    tpu.enqueue_dma source(%dma_start3A_91 : memref<128xi32, #tpu.memory_space<hbm>>) target(%arg9 : memref<128xi32, #tpu.memory_space<vmem>>) target_semaphore(%arg19 : memref<!tpu.dma_semaphore, #tpu.memory_space<semaphore_mem>>)
    %add3A_92 = arith.constant 128 : i32
    %add3A_93 = arith.addi %mul3A_17, %add3A_92 : i32
    %dma_start3A_94 = tpu.memref_slice %arg3[%add3A_93] : memref<323584xi32, #tpu.memory_space<hbm>> -> memref<128xi32, #tpu.memory_space<hbm>>
    %dma_start3A_95 = tpu.memref_slice %arg3[%add3A_93] : memref<323584xi32, #tpu.memory_space<hbm>> -> memref<128xi32, #tpu.memory_space<hbm>>
    tpu.enqueue_dma source(%dma_start3A_95 : memref<128xi32, #tpu.memory_space<hbm>>) target(%arg7 : memref<128xi32, #tpu.memory_space<vmem>>) target_semaphore(%arg20 : memref<!tpu.dma_semaphore, #tpu.memory_space<semaphore_mem>>)
    %add3A_96 = arith.constant 128 : i32
    %add3A_97 = arith.addi %mul3A_17, %add3A_96 : i32
    %dma_start3A_98 = tpu.memref_slice %arg4[%add3A_97] : memref<323584xi32, #tpu.memory_space<hbm>> -> memref<128xi32, #tpu.memory_space<hbm>>
    %dma_start3A_99 = tpu.memref_slice %arg4[%add3A_97] : memref<323584xi32, #tpu.memory_space<hbm>> -> memref<128xi32, #tpu.memory_space<hbm>>
    tpu.enqueue_dma source(%dma_start3A_99 : memref<128xi32, #tpu.memory_space<hbm>>) target(%arg10 : memref<128xi32, #tpu.memory_space<vmem>>) target_semaphore(%arg20 : memref<!tpu.dma_semaphore, #tpu.memory_space<semaphore_mem>>)
    %add3A_100 = arith.constant 0 : i32
    %add3A_101 = arith.addi %mul3A_17, %add3A_100 : i32
    %dma_wait3A = tpu.memref_slice %arg3[%add3A_101] : memref<323584xi32, #tpu.memory_space<hbm>> -> memref<128xi32, #tpu.memory_space<hbm>>
    %dma_wait3A_102 = tpu.memref_slice %arg3[%add3A_101] : memref<323584xi32, #tpu.memory_space<hbm>> -> memref<128xi32, #tpu.memory_space<hbm>>
    tpu.wait_dma2 semaphore(%arg19 : memref<!tpu.dma_semaphore, #tpu.memory_space<semaphore_mem>>) src(%dma_wait3A_102 : memref<128xi32, #tpu.memory_space<hbm>>) dst(%arg6 : memref<128xi32, #tpu.memory_space<vmem>>)
    %add3A_103 = arith.constant 0 : i32
    %add3A_104 = arith.addi %mul3A_17, %add3A_103 : i32
    %dma_wait3A_105 = tpu.memref_slice %arg4[%add3A_104] : memref<323584xi32, #tpu.memory_space<hbm>> -> memref<128xi32, #tpu.memory_space<hbm>>
    %dma_wait3A_106 = tpu.memref_slice %arg4[%add3A_104] : memref<323584xi32, #tpu.memory_space<hbm>> -> memref<128xi32, #tpu.memory_space<hbm>>
    tpu.wait_dma2 semaphore(%arg19 : memref<!tpu.dma_semaphore, #tpu.memory_space<semaphore_mem>>) src(%dma_wait3A_106 : memref<128xi32, #tpu.memory_space<hbm>>) dst(%arg9 : memref<128xi32, #tpu.memory_space<vmem>>)
    %dma_start3A_107 = arith.constant 0 : i32
    %dma_start3A_108 = arith.constant 0 : i32
    %dma_start3A_109 = tpu.memref_slice %arg2[%dma_start3A_107, %dma_start3A_108] : memref<10000x128xf32, #tpu.memory_space<hbm>> -> memref<10000x128xf32, #tpu.memory_space<hbm>>
    tpu.enqueue_indirect_dma source(%dma_start3A_109 : memref<10000x128xf32, #tpu.memory_space<hbm>>) target(%arg12 : memref<128x128xf32, #tpu.memory_space<vmem>>) offsets(%arg6 : memref<128xi32, #tpu.memory_space<vmem>>) semaphore(%arg16 : memref<!tpu.dma_semaphore, #tpu.memory_space<semaphore_mem>>)
    %scan3A_110 = arith.constant 0 : i32
    %scan3A_111 = arith.constant 0 : i32
    %scan3A_112 = arith.constant 49 : i32
    %scan3A_113 = arith.addi %scan3A_111, %scan3A_112 : i32
    %scan3A_114 = arith.constant 1 : i32
    %scan3A_115 = scf.for %scan3A_188 = %scan3A_111 to %scan3A_113 step %scan3A_114 iter_args(%scan3A_189 = %scan3A_110) -> (i32)  : i32 {
      %mul3A_190 = arith.constant 3 : i32
      %mul3A_191 = arith.muli %mul3A_190, %scan3A_188 : i32
      %add3A_192 = arith.constant 0 : i32
      %add3A_193 = arith.addi %mul3A_191, %add3A_192 : i32
      %add3A_194 = arith.constant 2 : i32
      %add3A_195 = arith.addi %add3A_193, %add3A_194 : i32
      %lt3A_196 = arith.cmpi slt, %add3A_195, %select_n3A : i32
      %convert_element_type3A_197 = arith.extui %lt3A_196 : i1 to i32
      %cond3A_198 = arith.constant 0 : i32
      %cond3A_199 = arith.cmpi ne, %convert_element_type3A_197, %cond3A_198 : i32
      scf.if %cond3A_199 {
        %add3A_251 = arith.constant 2 : i32
        %add3A_252 = arith.addi %add3A_193, %add3A_251 : i32
        %mul3A_253 = arith.constant 128 : i32
        %mul3A_254 = arith.muli %add3A_252, %mul3A_253 : i32
        %add3A_255 = arith.addi %mul3A_17, %mul3A_254 : i32
        %dma_start3A_256 = tpu.memref_slice %arg3[%add3A_255] : memref<323584xi32, #tpu.memory_space<hbm>> -> memref<128xi32, #tpu.memory_space<hbm>>
        %dma_start3A_257 = tpu.memref_slice %arg3[%add3A_255] : memref<323584xi32, #tpu.memory_space<hbm>> -> memref<128xi32, #tpu.memory_space<hbm>>
        tpu.enqueue_dma source(%dma_start3A_257 : memref<128xi32, #tpu.memory_space<hbm>>) target(%arg8 : memref<128xi32, #tpu.memory_space<vmem>>) target_semaphore(%arg21 : memref<!tpu.dma_semaphore, #tpu.memory_space<semaphore_mem>>)
        %mul3A_258 = arith.constant 128 : i32
        %mul3A_259 = arith.muli %add3A_252, %mul3A_258 : i32
        %add3A_260 = arith.addi %mul3A_17, %mul3A_259 : i32
        %dma_start3A_261 = tpu.memref_slice %arg4[%add3A_260] : memref<323584xi32, #tpu.memory_space<hbm>> -> memref<128xi32, #tpu.memory_space<hbm>>
        %dma_start3A_262 = tpu.memref_slice %arg4[%add3A_260] : memref<323584xi32, #tpu.memory_space<hbm>> -> memref<128xi32, #tpu.memory_space<hbm>>
        tpu.enqueue_dma source(%dma_start3A_262 : memref<128xi32, #tpu.memory_space<hbm>>) target(%arg11 : memref<128xi32, #tpu.memory_space<vmem>>) target_semaphore(%arg21 : memref<!tpu.dma_semaphore, #tpu.memory_space<semaphore_mem>>)
      } else {
      }
      %add3A_200 = arith.constant 1 : i32
      %add3A_201 = arith.addi %add3A_193, %add3A_200 : i32
      %lt3A_202 = arith.cmpi slt, %add3A_201, %select_n3A : i32
      %convert_element_type3A_203 = arith.extui %lt3A_202 : i1 to i32
      %cond3A_204 = arith.constant 0 : i32
      %cond3A_205 = arith.cmpi ne, %convert_element_type3A_203, %cond3A_204 : i32
      scf.if %cond3A_205 {
        %add3A_251 = arith.constant 1 : i32
        %add3A_252 = arith.addi %add3A_193, %add3A_251 : i32
        %mul3A_253 = arith.constant 128 : i32
        %mul3A_254 = arith.muli %add3A_252, %mul3A_253 : i32
        %add3A_255 = arith.addi %mul3A_17, %mul3A_254 : i32
        %dma_wait3A_256 = tpu.memref_slice %arg3[%add3A_255] : memref<323584xi32, #tpu.memory_space<hbm>> -> memref<128xi32, #tpu.memory_space<hbm>>
        %dma_wait3A_257 = tpu.memref_slice %arg3[%add3A_255] : memref<323584xi32, #tpu.memory_space<hbm>> -> memref<128xi32, #tpu.memory_space<hbm>>
        tpu.wait_dma2 semaphore(%arg20 : memref<!tpu.dma_semaphore, #tpu.memory_space<semaphore_mem>>) src(%dma_wait3A_257 : memref<128xi32, #tpu.memory_space<hbm>>) dst(%arg7 : memref<128xi32, #tpu.memory_space<vmem>>)
        %mul3A_258 = arith.constant 128 : i32
        %mul3A_259 = arith.muli %add3A_252, %mul3A_258 : i32
        %add3A_260 = arith.addi %mul3A_17, %mul3A_259 : i32
        %dma_wait3A_261 = tpu.memref_slice %arg4[%add3A_260] : memref<323584xi32, #tpu.memory_space<hbm>> -> memref<128xi32, #tpu.memory_space<hbm>>
        %dma_wait3A_262 = tpu.memref_slice %arg4[%add3A_260] : memref<323584xi32, #tpu.memory_space<hbm>> -> memref<128xi32, #tpu.memory_space<hbm>>
        tpu.wait_dma2 semaphore(%arg20 : memref<!tpu.dma_semaphore, #tpu.memory_space<semaphore_mem>>) src(%dma_wait3A_262 : memref<128xi32, #tpu.memory_space<hbm>>) dst(%arg10 : memref<128xi32, #tpu.memory_space<vmem>>)
        %dma_start3A_263 = arith.constant 0 : i32
        %dma_start3A_264 = arith.constant 0 : i32
        %dma_start3A_265 = tpu.memref_slice %arg2[%dma_start3A_263, %dma_start3A_264] : memref<10000x128xf32, #tpu.memory_space<hbm>> -> memref<10000x128xf32, #tpu.memory_space<hbm>>
        tpu.enqueue_indirect_dma source(%dma_start3A_265 : memref<10000x128xf32, #tpu.memory_space<hbm>>) target(%arg13 : memref<128x128xf32, #tpu.memory_space<vmem>>) offsets(%arg7 : memref<128xi32, #tpu.memory_space<vmem>>) semaphore(%arg17 : memref<!tpu.dma_semaphore, #tpu.memory_space<semaphore_mem>>)
      } else {
      }
      %lt3A_206 = arith.cmpi slt, %add3A_193, %select_n3A : i32
      %convert_element_type3A_207 = arith.extui %lt3A_206 : i1 to i32
      %cond3A_208 = arith.constant 0 : i32
      %cond3A_209 = arith.cmpi ne, %convert_element_type3A_207, %cond3A_208 : i32
      scf.if %cond3A_209 {
        %dma_wait3A_251 = arith.constant 0 : i32
        %dma_wait3A_252 = arith.constant 0 : i32
        %dma_wait3A_253 = tpu.memref_slice %arg2[%dma_wait3A_251, %dma_wait3A_252] : memref<10000x128xf32, #tpu.memory_space<hbm>> -> memref<10000x128xf32, #tpu.memory_space<hbm>>
        tpu.wait_indirect_dma semaphore(%arg16 : memref<!tpu.dma_semaphore, #tpu.memory_space<semaphore_mem>>) src(%dma_wait3A_253 : memref<10000x128xf32, #tpu.memory_space<hbm>>) dst(%arg12 : memref<128x128xf32, #tpu.memory_space<vmem>>)
        "tpu.region"() ({
          %run_scoped3A = tpu.sem_alloc : memref<!tpu.dma_semaphore, #tpu.memory_space<semaphore_mem>>
          %dma_start3A_254 = arith.constant 0 : i32
          %dma_start3A_255 = arith.constant 0 : i32
          %dma_start3A_256 = tpu.memref_slice %arg15[%dma_start3A_254, %dma_start3A_255] : memref<10112x128xf32, #tpu.memory_space<vmem_shared>> -> memref<10112x128xf32, #tpu.memory_space<vmem_shared>>
          tpu.enqueue_indirect_dma source(%arg12 : memref<128x128xf32, #tpu.memory_space<vmem>>) target(%dma_start3A_256 : memref<10112x128xf32, #tpu.memory_space<vmem_shared>>) offsets(%arg9 : memref<128xi32, #tpu.memory_space<vmem>>) semaphore(%run_scoped3A : memref<!tpu.dma_semaphore, #tpu.memory_space<semaphore_mem>>) {add = true}
          %dma_wait3A_257 = arith.constant 0 : i32
          %dma_wait3A_258 = arith.constant 0 : i32
          %dma_wait3A_259 = tpu.memref_slice %arg15[%dma_wait3A_257, %dma_wait3A_258] : memref<10112x128xf32, #tpu.memory_space<vmem_shared>> -> memref<10112x128xf32, #tpu.memory_space<vmem_shared>>
          tpu.wait_indirect_dma semaphore(%run_scoped3A : memref<!tpu.dma_semaphore, #tpu.memory_space<semaphore_mem>>) src(%arg12 : memref<128x128xf32, #tpu.memory_space<vmem>>) dst(%dma_wait3A_259 : memref<10112x128xf32, #tpu.memory_space<vmem_shared>>)
          tpu.yield
        }) : () -> ()
      } else {
      }
      %mul3A_210 = arith.constant 3 : i32
      %mul3A_211 = arith.muli %mul3A_210, %scan3A_188 : i32
      %add3A_212 = arith.constant 1 : i32
      %add3A_213 = arith.addi %mul3A_211, %add3A_212 : i32
      %add3A_214 = arith.constant 2 : i32
      %add3A_215 = arith.addi %add3A_213, %add3A_214 : i32
      %lt3A_216 = arith.cmpi slt, %add3A_215, %select_n3A : i32
      %convert_element_type3A_217 = arith.extui %lt3A_216 : i1 to i32
      %cond3A_218 = arith.constant 0 : i32
      %cond3A_219 = arith.cmpi ne, %convert_element_type3A_217, %cond3A_218 : i32
      scf.if %cond3A_219 {
        %add3A_251 = arith.constant 2 : i32
        %add3A_252 = arith.addi %add3A_213, %add3A_251 : i32
        %mul3A_253 = arith.constant 128 : i32
        %mul3A_254 = arith.muli %add3A_252, %mul3A_253 : i32
        %add3A_255 = arith.addi %mul3A_17, %mul3A_254 : i32
        %dma_start3A_256 = tpu.memref_slice %arg3[%add3A_255] : memref<323584xi32, #tpu.memory_space<hbm>> -> memref<128xi32, #tpu.memory_space<hbm>>
        %dma_start3A_257 = tpu.memref_slice %arg3[%add3A_255] : memref<323584xi32, #tpu.memory_space<hbm>> -> memref<128xi32, #tpu.memory_space<hbm>>
        tpu.enqueue_dma source(%dma_start3A_257 : memref<128xi32, #tpu.memory_space<hbm>>) target(%arg6 : memref<128xi32, #tpu.memory_space<vmem>>) target_semaphore(%arg19 : memref<!tpu.dma_semaphore, #tpu.memory_space<semaphore_mem>>)
        %mul3A_258 = arith.constant 128 : i32
        %mul3A_259 = arith.muli %add3A_252, %mul3A_258 : i32
        %add3A_260 = arith.addi %mul3A_17, %mul3A_259 : i32
        %dma_start3A_261 = tpu.memref_slice %arg4[%add3A_260] : memref<323584xi32, #tpu.memory_space<hbm>> -> memref<128xi32, #tpu.memory_space<hbm>>
        %dma_start3A_262 = tpu.memref_slice %arg4[%add3A_260] : memref<323584xi32, #tpu.memory_space<hbm>> -> memref<128xi32, #tpu.memory_space<hbm>>
        tpu.enqueue_dma source(%dma_start3A_262 : memref<128xi32, #tpu.memory_space<hbm>>) target(%arg9 : memref<128xi32, #tpu.memory_space<vmem>>) target_semaphore(%arg19 : memref<!tpu.dma_semaphore, #tpu.memory_space<semaphore_mem>>)
      } else {
      }
      %add3A_220 = arith.constant 1 : i32
      %add3A_221 = arith.addi %add3A_213, %add3A_220 : i32
      %lt3A_222 = arith.cmpi slt, %add3A_221, %select_n3A : i32
      %convert_element_type3A_223 = arith.extui %lt3A_222 : i1 to i32
      %cond3A_224 = arith.constant 0 : i32
      %cond3A_225 = arith.cmpi ne, %convert_element_type3A_223, %cond3A_224 : i32
      scf.if %cond3A_225 {
        %add3A_251 = arith.constant 1 : i32
        %add3A_252 = arith.addi %add3A_213, %add3A_251 : i32
        %mul3A_253 = arith.constant 128 : i32
        %mul3A_254 = arith.muli %add3A_252, %mul3A_253 : i32
        %add3A_255 = arith.addi %mul3A_17, %mul3A_254 : i32
        %dma_wait3A_256 = tpu.memref_slice %arg3[%add3A_255] : memref<323584xi32, #tpu.memory_space<hbm>> -> memref<128xi32, #tpu.memory_space<hbm>>
        %dma_wait3A_257 = tpu.memref_slice %arg3[%add3A_255] : memref<323584xi32, #tpu.memory_space<hbm>> -> memref<128xi32, #tpu.memory_space<hbm>>
        tpu.wait_dma2 semaphore(%arg21 : memref<!tpu.dma_semaphore, #tpu.memory_space<semaphore_mem>>) src(%dma_wait3A_257 : memref<128xi32, #tpu.memory_space<hbm>>) dst(%arg8 : memref<128xi32, #tpu.memory_space<vmem>>)
        %mul3A_258 = arith.constant 128 : i32
        %mul3A_259 = arith.muli %add3A_252, %mul3A_258 : i32
        %add3A_260 = arith.addi %mul3A_17, %mul3A_259 : i32
        %dma_wait3A_261 = tpu.memref_slice %arg4[%add3A_260] : memref<323584xi32, #tpu.memory_space<hbm>> -> memref<128xi32, #tpu.memory_space<hbm>>
        %dma_wait3A_262 = tpu.memref_slice %arg4[%add3A_260] : memref<323584xi32, #tpu.memory_space<hbm>> -> memref<128xi32, #tpu.memory_space<hbm>>
        tpu.wait_dma2 semaphore(%arg21 : memref<!tpu.dma_semaphore, #tpu.memory_space<semaphore_mem>>) src(%dma_wait3A_262 : memref<128xi32, #tpu.memory_space<hbm>>) dst(%arg11 : memref<128xi32, #tpu.memory_space<vmem>>)
        %dma_start3A_263 = arith.constant 0 : i32
        %dma_start3A_264 = arith.constant 0 : i32
        %dma_start3A_265 = tpu.memref_slice %arg2[%dma_start3A_263, %dma_start3A_264] : memref<10000x128xf32, #tpu.memory_space<hbm>> -> memref<10000x128xf32, #tpu.memory_space<hbm>>
        tpu.enqueue_indirect_dma source(%dma_start3A_265 : memref<10000x128xf32, #tpu.memory_space<hbm>>) target(%arg14 : memref<128x128xf32, #tpu.memory_space<vmem>>) offsets(%arg8 : memref<128xi32, #tpu.memory_space<vmem>>) semaphore(%arg18 : memref<!tpu.dma_semaphore, #tpu.memory_space<semaphore_mem>>)
      } else {
      }
      %lt3A_226 = arith.cmpi slt, %add3A_213, %select_n3A : i32
      %convert_element_type3A_227 = arith.extui %lt3A_226 : i1 to i32
      %cond3A_228 = arith.constant 0 : i32
      %cond3A_229 = arith.cmpi ne, %convert_element_type3A_227, %cond3A_228 : i32
      scf.if %cond3A_229 {
        %dma_wait3A_251 = arith.constant 0 : i32
        %dma_wait3A_252 = arith.constant 0 : i32
        %dma_wait3A_253 = tpu.memref_slice %arg2[%dma_wait3A_251, %dma_wait3A_252] : memref<10000x128xf32, #tpu.memory_space<hbm>> -> memref<10000x128xf32, #tpu.memory_space<hbm>>
        tpu.wait_indirect_dma semaphore(%arg17 : memref<!tpu.dma_semaphore, #tpu.memory_space<semaphore_mem>>) src(%dma_wait3A_253 : memref<10000x128xf32, #tpu.memory_space<hbm>>) dst(%arg13 : memref<128x128xf32, #tpu.memory_space<vmem>>)
        "tpu.region"() ({
          %run_scoped3A = tpu.sem_alloc : memref<!tpu.dma_semaphore, #tpu.memory_space<semaphore_mem>>
          %dma_start3A_254 = arith.constant 0 : i32
          %dma_start3A_255 = arith.constant 0 : i32
          %dma_start3A_256 = tpu.memref_slice %arg15[%dma_start3A_254, %dma_start3A_255] : memref<10112x128xf32, #tpu.memory_space<vmem_shared>> -> memref<10112x128xf32, #tpu.memory_space<vmem_shared>>
          tpu.enqueue_indirect_dma source(%arg13 : memref<128x128xf32, #tpu.memory_space<vmem>>) target(%dma_start3A_256 : memref<10112x128xf32, #tpu.memory_space<vmem_shared>>) offsets(%arg10 : memref<128xi32, #tpu.memory_space<vmem>>) semaphore(%run_scoped3A : memref<!tpu.dma_semaphore, #tpu.memory_space<semaphore_mem>>) {add = true}
          %dma_wait3A_257 = arith.constant 0 : i32
          %dma_wait3A_258 = arith.constant 0 : i32
          %dma_wait3A_259 = tpu.memref_slice %arg15[%dma_wait3A_257, %dma_wait3A_258] : memref<10112x128xf32, #tpu.memory_space<vmem_shared>> -> memref<10112x128xf32, #tpu.memory_space<vmem_shared>>
          tpu.wait_indirect_dma semaphore(%run_scoped3A : memref<!tpu.dma_semaphore, #tpu.memory_space<semaphore_mem>>) src(%arg13 : memref<128x128xf32, #tpu.memory_space<vmem>>) dst(%dma_wait3A_259 : memref<10112x128xf32, #tpu.memory_space<vmem_shared>>)
          tpu.yield
        }) : () -> ()
      } else {
      }
      %mul3A_230 = arith.constant 3 : i32
      %mul3A_231 = arith.muli %mul3A_230, %scan3A_188 : i32
      %add3A_232 = arith.constant 2 : i32
      %add3A_233 = arith.addi %mul3A_231, %add3A_232 : i32
      %add3A_234 = arith.constant 2 : i32
      %add3A_235 = arith.addi %add3A_233, %add3A_234 : i32
      %lt3A_236 = arith.cmpi slt, %add3A_235, %select_n3A : i32
      %convert_element_type3A_237 = arith.extui %lt3A_236 : i1 to i32
      %cond3A_238 = arith.constant 0 : i32
      %cond3A_239 = arith.cmpi ne, %convert_element_type3A_237, %cond3A_238 : i32
      scf.if %cond3A_239 {
        %add3A_251 = arith.constant 2 : i32
        %add3A_252 = arith.addi %add3A_233, %add3A_251 : i32
        %mul3A_253 = arith.constant 128 : i32
        %mul3A_254 = arith.muli %add3A_252, %mul3A_253 : i32
        %add3A_255 = arith.addi %mul3A_17, %mul3A_254 : i32
        %dma_start3A_256 = tpu.memref_slice %arg3[%add3A_255] : memref<323584xi32, #tpu.memory_space<hbm>> -> memref<128xi32, #tpu.memory_space<hbm>>
        %dma_start3A_257 = tpu.memref_slice %arg3[%add3A_255] : memref<323584xi32, #tpu.memory_space<hbm>> -> memref<128xi32, #tpu.memory_space<hbm>>
        tpu.enqueue_dma source(%dma_start3A_257 : memref<128xi32, #tpu.memory_space<hbm>>) target(%arg7 : memref<128xi32, #tpu.memory_space<vmem>>) target_semaphore(%arg20 : memref<!tpu.dma_semaphore, #tpu.memory_space<semaphore_mem>>)
        %mul3A_258 = arith.constant 128 : i32
        %mul3A_259 = arith.muli %add3A_252, %mul3A_258 : i32
        %add3A_260 = arith.addi %mul3A_17, %mul3A_259 : i32
        %dma_start3A_261 = tpu.memref_slice %arg4[%add3A_260] : memref<323584xi32, #tpu.memory_space<hbm>> -> memref<128xi32, #tpu.memory_space<hbm>>
        %dma_start3A_262 = tpu.memref_slice %arg4[%add3A_260] : memref<323584xi32, #tpu.memory_space<hbm>> -> memref<128xi32, #tpu.memory_space<hbm>>
        tpu.enqueue_dma source(%dma_start3A_262 : memref<128xi32, #tpu.memory_space<hbm>>) target(%arg10 : memref<128xi32, #tpu.memory_space<vmem>>) target_semaphore(%arg20 : memref<!tpu.dma_semaphore, #tpu.memory_space<semaphore_mem>>)
      } else {
      }
      %add3A_240 = arith.constant 1 : i32
      %add3A_241 = arith.addi %add3A_233, %add3A_240 : i32
      %lt3A_242 = arith.cmpi slt, %add3A_241, %select_n3A : i32
      %convert_element_type3A_243 = arith.extui %lt3A_242 : i1 to i32
      %cond3A_244 = arith.constant 0 : i32
      %cond3A_245 = arith.cmpi ne, %convert_element_type3A_243, %cond3A_244 : i32
      scf.if %cond3A_245 {
        %add3A_251 = arith.constant 1 : i32
        %add3A_252 = arith.addi %add3A_233, %add3A_251 : i32
        %mul3A_253 = arith.constant 128 : i32
        %mul3A_254 = arith.muli %add3A_252, %mul3A_253 : i32
        %add3A_255 = arith.addi %mul3A_17, %mul3A_254 : i32
        %dma_wait3A_256 = tpu.memref_slice %arg3[%add3A_255] : memref<323584xi32, #tpu.memory_space<hbm>> -> memref<128xi32, #tpu.memory_space<hbm>>
        %dma_wait3A_257 = tpu.memref_slice %arg3[%add3A_255] : memref<323584xi32, #tpu.memory_space<hbm>> -> memref<128xi32, #tpu.memory_space<hbm>>
        tpu.wait_dma2 semaphore(%arg19 : memref<!tpu.dma_semaphore, #tpu.memory_space<semaphore_mem>>) src(%dma_wait3A_257 : memref<128xi32, #tpu.memory_space<hbm>>) dst(%arg6 : memref<128xi32, #tpu.memory_space<vmem>>)
        %mul3A_258 = arith.constant 128 : i32
        %mul3A_259 = arith.muli %add3A_252, %mul3A_258 : i32
        %add3A_260 = arith.addi %mul3A_17, %mul3A_259 : i32
        %dma_wait3A_261 = tpu.memref_slice %arg4[%add3A_260] : memref<323584xi32, #tpu.memory_space<hbm>> -> memref<128xi32, #tpu.memory_space<hbm>>
        %dma_wait3A_262 = tpu.memref_slice %arg4[%add3A_260] : memref<323584xi32, #tpu.memory_space<hbm>> -> memref<128xi32, #tpu.memory_space<hbm>>
        tpu.wait_dma2 semaphore(%arg19 : memref<!tpu.dma_semaphore, #tpu.memory_space<semaphore_mem>>) src(%dma_wait3A_262 : memref<128xi32, #tpu.memory_space<hbm>>) dst(%arg9 : memref<128xi32, #tpu.memory_space<vmem>>)
        %dma_start3A_263 = arith.constant 0 : i32
        %dma_start3A_264 = arith.constant 0 : i32
        %dma_start3A_265 = tpu.memref_slice %arg2[%dma_start3A_263, %dma_start3A_264] : memref<10000x128xf32, #tpu.memory_space<hbm>> -> memref<10000x128xf32, #tpu.memory_space<hbm>>
        tpu.enqueue_indirect_dma source(%dma_start3A_265 : memref<10000x128xf32, #tpu.memory_space<hbm>>) target(%arg12 : memref<128x128xf32, #tpu.memory_space<vmem>>) offsets(%arg6 : memref<128xi32, #tpu.memory_space<vmem>>) semaphore(%arg16 : memref<!tpu.dma_semaphore, #tpu.memory_space<semaphore_mem>>)
      } else {
      }
      %lt3A_246 = arith.cmpi slt, %add3A_233, %select_n3A : i32
      %convert_element_type3A_247 = arith.extui %lt3A_246 : i1 to i32
      %cond3A_248 = arith.constant 0 : i32
      %cond3A_249 = arith.cmpi ne, %convert_element_type3A_247, %cond3A_248 : i32
      scf.if %cond3A_249 {
        %dma_wait3A_251 = arith.constant 0 : i32
        %dma_wait3A_252 = arith.constant 0 : i32
        %dma_wait3A_253 = tpu.memref_slice %arg2[%dma_wait3A_251, %dma_wait3A_252] : memref<10000x128xf32, #tpu.memory_space<hbm>> -> memref<10000x128xf32, #tpu.memory_space<hbm>>
        tpu.wait_indirect_dma semaphore(%arg18 : memref<!tpu.dma_semaphore, #tpu.memory_space<semaphore_mem>>) src(%dma_wait3A_253 : memref<10000x128xf32, #tpu.memory_space<hbm>>) dst(%arg14 : memref<128x128xf32, #tpu.memory_space<vmem>>)
        "tpu.region"() ({
          %run_scoped3A = tpu.sem_alloc : memref<!tpu.dma_semaphore, #tpu.memory_space<semaphore_mem>>
          %dma_start3A_254 = arith.constant 0 : i32
          %dma_start3A_255 = arith.constant 0 : i32
          %dma_start3A_256 = tpu.memref_slice %arg15[%dma_start3A_254, %dma_start3A_255] : memref<10112x128xf32, #tpu.memory_space<vmem_shared>> -> memref<10112x128xf32, #tpu.memory_space<vmem_shared>>
          tpu.enqueue_indirect_dma source(%arg14 : memref<128x128xf32, #tpu.memory_space<vmem>>) target(%dma_start3A_256 : memref<10112x128xf32, #tpu.memory_space<vmem_shared>>) offsets(%arg11 : memref<128xi32, #tpu.memory_space<vmem>>) semaphore(%run_scoped3A : memref<!tpu.dma_semaphore, #tpu.memory_space<semaphore_mem>>) {add = true}
          %dma_wait3A_257 = arith.constant 0 : i32
          %dma_wait3A_258 = arith.constant 0 : i32
          %dma_wait3A_259 = tpu.memref_slice %arg15[%dma_wait3A_257, %dma_wait3A_258] : memref<10112x128xf32, #tpu.memory_space<vmem_shared>> -> memref<10112x128xf32, #tpu.memory_space<vmem_shared>>
          tpu.wait_indirect_dma semaphore(%run_scoped3A : memref<!tpu.dma_semaphore, #tpu.memory_space<semaphore_mem>>) src(%arg14 : memref<128x128xf32, #tpu.memory_space<vmem>>) dst(%dma_wait3A_259 : memref<10112x128xf32, #tpu.memory_space<vmem_shared>>)
          tpu.yield
        }) : () -> ()
      } else {
      }
      %scan3A_250 = arith.constant 0 : i32
      scf.yield %scan3A_250 : i32
    }
    %scan3A_116 = arith.constant 49 : i32
    %barrier3A_117 = arith.constant 0 : index
    tpu.barrier barrier_id(%barrier3A_117)
    %add3A_118 = arith.constant 0 : i32
    %add3A_119 = arith.addi %arg1, %add3A_118 : i32
    %lt3A_120 = arith.constant 79 : i32
    %lt3A_121 = arith.cmpi slt, %add3A_119, %lt3A_120 : i32
    %convert_element_type3A_122 = arith.extui %lt3A_121 : i1 to i32
    %cond3A_123 = arith.constant 0 : i32
    %cond3A_124 = arith.cmpi ne, %convert_element_type3A_122, %cond3A_123 : i32
    scf.if %cond3A_124 {
      %mul3A_188 = arith.constant 128 : i32
      %mul3A_189 = arith.muli %add3A_119, %mul3A_188 : i32
      %dma_start3A_190 = arith.constant 0 : i32
      %dma_start3A_191 = tpu.memref_slice %arg15[%mul3A_189, %dma_start3A_190] : memref<10112x128xf32, #tpu.memory_space<vmem_shared>> -> memref<128x128xf32, #tpu.memory_space<vmem_shared>>
      %dma_start3A_192 = arith.constant 0 : i32
      %dma_start3A_193 = tpu.memref_slice %arg15[%mul3A_189, %dma_start3A_192] : memref<10112x128xf32, #tpu.memory_space<vmem_shared>> -> memref<128x128xf32, #tpu.memory_space<vmem_shared>>
      tpu.enqueue_dma source(%dma_start3A_193 : memref<128x128xf32, #tpu.memory_space<vmem_shared>>) target(%arg12 : memref<128x128xf32, #tpu.memory_space<vmem>>) target_semaphore(%arg19 : memref<!tpu.dma_semaphore, #tpu.memory_space<semaphore_mem>>)
      %mul3A_194 = arith.constant 128 : i32
      %mul3A_195 = arith.muli %add3A_119, %mul3A_194 : i32
      %dma_wait3A_196 = arith.constant 0 : i32
      %dma_wait3A_197 = tpu.memref_slice %arg15[%mul3A_195, %dma_wait3A_196] : memref<10112x128xf32, #tpu.memory_space<vmem_shared>> -> memref<128x128xf32, #tpu.memory_space<vmem_shared>>
      %dma_wait3A_198 = arith.constant 0 : i32
      %dma_wait3A_199 = tpu.memref_slice %arg15[%mul3A_195, %dma_wait3A_198] : memref<10112x128xf32, #tpu.memory_space<vmem_shared>> -> memref<128x128xf32, #tpu.memory_space<vmem_shared>>
      tpu.wait_dma2 semaphore(%arg19 : memref<!tpu.dma_semaphore, #tpu.memory_space<semaphore_mem>>) src(%dma_wait3A_199 : memref<128x128xf32, #tpu.memory_space<vmem_shared>>) dst(%arg12 : memref<128x128xf32, #tpu.memory_space<vmem>>)
      %mul3A_200 = arith.constant 10112 : i32
      %mul3A_201 = arith.muli %arg0, %mul3A_200 : i32
      %mul3A_202 = arith.constant 128 : i32
      %mul3A_203 = arith.muli %add3A_119, %mul3A_202 : i32
      %add3A_204 = arith.addi %mul3A_201, %mul3A_203 : i32
      %dma_start3A_205 = arith.constant 0 : i32
      %dma_start3A_206 = tpu.memref_slice %arg5[%add3A_204, %dma_start3A_205] : memref<20224x128xf32, #tpu.memory_space<hbm>> -> memref<128x128xf32, #tpu.memory_space<hbm>>
      %dma_start3A_207 = arith.constant 0 : i32
      %dma_start3A_208 = tpu.memref_slice %arg5[%add3A_204, %dma_start3A_207] : memref<20224x128xf32, #tpu.memory_space<hbm>> -> memref<128x128xf32, #tpu.memory_space<hbm>>
      tpu.enqueue_dma source(%arg12 : memref<128x128xf32, #tpu.memory_space<vmem>>) target(%dma_start3A_208 : memref<128x128xf32, #tpu.memory_space<hbm>>) target_semaphore(%arg16 : memref<!tpu.dma_semaphore, #tpu.memory_space<semaphore_mem>>)
    } else {
    }
    %add3A_125 = arith.constant 16 : i32
    %add3A_126 = arith.addi %arg1, %add3A_125 : i32
    %lt3A_127 = arith.constant 79 : i32
    %lt3A_128 = arith.cmpi slt, %add3A_126, %lt3A_127 : i32
    %convert_element_type3A_129 = arith.extui %lt3A_128 : i1 to i32
    %cond3A_130 = arith.constant 0 : i32
    %cond3A_131 = arith.cmpi ne, %convert_element_type3A_129, %cond3A_130 : i32
    scf.if %cond3A_131 {
      %mul3A_188 = arith.constant 128 : i32
      %mul3A_189 = arith.muli %add3A_126, %mul3A_188 : i32
      %dma_start3A_190 = arith.constant 0 : i32
      %dma_start3A_191 = tpu.memref_slice %arg15[%mul3A_189, %dma_start3A_190] : memref<10112x128xf32, #tpu.memory_space<vmem_shared>> -> memref<128x128xf32, #tpu.memory_space<vmem_shared>>
      %dma_start3A_192 = arith.constant 0 : i32
      %dma_start3A_193 = tpu.memref_slice %arg15[%mul3A_189, %dma_start3A_192] : memref<10112x128xf32, #tpu.memory_space<vmem_shared>> -> memref<128x128xf32, #tpu.memory_space<vmem_shared>>
      tpu.enqueue_dma source(%dma_start3A_193 : memref<128x128xf32, #tpu.memory_space<vmem_shared>>) target(%arg13 : memref<128x128xf32, #tpu.memory_space<vmem>>) target_semaphore(%arg19 : memref<!tpu.dma_semaphore, #tpu.memory_space<semaphore_mem>>)
      %mul3A_194 = arith.constant 128 : i32
      %mul3A_195 = arith.muli %add3A_126, %mul3A_194 : i32
      %dma_wait3A_196 = arith.constant 0 : i32
      %dma_wait3A_197 = tpu.memref_slice %arg15[%mul3A_195, %dma_wait3A_196] : memref<10112x128xf32, #tpu.memory_space<vmem_shared>> -> memref<128x128xf32, #tpu.memory_space<vmem_shared>>
      %dma_wait3A_198 = arith.constant 0 : i32
      %dma_wait3A_199 = tpu.memref_slice %arg15[%mul3A_195, %dma_wait3A_198] : memref<10112x128xf32, #tpu.memory_space<vmem_shared>> -> memref<128x128xf32, #tpu.memory_space<vmem_shared>>
      tpu.wait_dma2 semaphore(%arg19 : memref<!tpu.dma_semaphore, #tpu.memory_space<semaphore_mem>>) src(%dma_wait3A_199 : memref<128x128xf32, #tpu.memory_space<vmem_shared>>) dst(%arg13 : memref<128x128xf32, #tpu.memory_space<vmem>>)
      %mul3A_200 = arith.constant 10112 : i32
      %mul3A_201 = arith.muli %arg0, %mul3A_200 : i32
      %mul3A_202 = arith.constant 128 : i32
      %mul3A_203 = arith.muli %add3A_126, %mul3A_202 : i32
      %add3A_204 = arith.addi %mul3A_201, %mul3A_203 : i32
      %dma_start3A_205 = arith.constant 0 : i32
      %dma_start3A_206 = tpu.memref_slice %arg5[%add3A_204, %dma_start3A_205] : memref<20224x128xf32, #tpu.memory_space<hbm>> -> memref<128x128xf32, #tpu.memory_space<hbm>>
      %dma_start3A_207 = arith.constant 0 : i32
      %dma_start3A_208 = tpu.memref_slice %arg5[%add3A_204, %dma_start3A_207] : memref<20224x128xf32, #tpu.memory_space<hbm>> -> memref<128x128xf32, #tpu.memory_space<hbm>>
      tpu.enqueue_dma source(%arg13 : memref<128x128xf32, #tpu.memory_space<vmem>>) target(%dma_start3A_208 : memref<128x128xf32, #tpu.memory_space<hbm>>) target_semaphore(%arg17 : memref<!tpu.dma_semaphore, #tpu.memory_space<semaphore_mem>>)
    } else {
    }
    %add3A_132 = arith.constant 32 : i32
    %add3A_133 = arith.addi %arg1, %add3A_132 : i32
    %lt3A_134 = arith.constant 79 : i32
    %lt3A_135 = arith.cmpi slt, %add3A_133, %lt3A_134 : i32
    %convert_element_type3A_136 = arith.extui %lt3A_135 : i1 to i32
    %cond3A_137 = arith.constant 0 : i32
    %cond3A_138 = arith.cmpi ne, %convert_element_type3A_136, %cond3A_137 : i32
    scf.if %cond3A_138 {
      %mul3A_188 = arith.constant 128 : i32
      %mul3A_189 = arith.muli %add3A_133, %mul3A_188 : i32
      %dma_start3A_190 = arith.constant 0 : i32
      %dma_start3A_191 = tpu.memref_slice %arg15[%mul3A_189, %dma_start3A_190] : memref<10112x128xf32, #tpu.memory_space<vmem_shared>> -> memref<128x128xf32, #tpu.memory_space<vmem_shared>>
      %dma_start3A_192 = arith.constant 0 : i32
      %dma_start3A_193 = tpu.memref_slice %arg15[%mul3A_189, %dma_start3A_192] : memref<10112x128xf32, #tpu.memory_space<vmem_shared>> -> memref<128x128xf32, #tpu.memory_space<vmem_shared>>
      tpu.enqueue_dma source(%dma_start3A_193 : memref<128x128xf32, #tpu.memory_space<vmem_shared>>) target(%arg14 : memref<128x128xf32, #tpu.memory_space<vmem>>) target_semaphore(%arg19 : memref<!tpu.dma_semaphore, #tpu.memory_space<semaphore_mem>>)
      %mul3A_194 = arith.constant 128 : i32
      %mul3A_195 = arith.muli %add3A_133, %mul3A_194 : i32
      %dma_wait3A_196 = arith.constant 0 : i32
      %dma_wait3A_197 = tpu.memref_slice %arg15[%mul3A_195, %dma_wait3A_196] : memref<10112x128xf32, #tpu.memory_space<vmem_shared>> -> memref<128x128xf32, #tpu.memory_space<vmem_shared>>
      %dma_wait3A_198 = arith.constant 0 : i32
      %dma_wait3A_199 = tpu.memref_slice %arg15[%mul3A_195, %dma_wait3A_198] : memref<10112x128xf32, #tpu.memory_space<vmem_shared>> -> memref<128x128xf32, #tpu.memory_space<vmem_shared>>
      tpu.wait_dma2 semaphore(%arg19 : memref<!tpu.dma_semaphore, #tpu.memory_space<semaphore_mem>>) src(%dma_wait3A_199 : memref<128x128xf32, #tpu.memory_space<vmem_shared>>) dst(%arg14 : memref<128x128xf32, #tpu.memory_space<vmem>>)
      %mul3A_200 = arith.constant 10112 : i32
      %mul3A_201 = arith.muli %arg0, %mul3A_200 : i32
      %mul3A_202 = arith.constant 128 : i32
      %mul3A_203 = arith.muli %add3A_133, %mul3A_202 : i32
      %add3A_204 = arith.addi %mul3A_201, %mul3A_203 : i32
      %dma_start3A_205 = arith.constant 0 : i32
      %dma_start3A_206 = tpu.memref_slice %arg5[%add3A_204, %dma_start3A_205] : memref<20224x128xf32, #tpu.memory_space<hbm>> -> memref<128x128xf32, #tpu.memory_space<hbm>>
      %dma_start3A_207 = arith.constant 0 : i32
      %dma_start3A_208 = tpu.memref_slice %arg5[%add3A_204, %dma_start3A_207] : memref<20224x128xf32, #tpu.memory_space<hbm>> -> memref<128x128xf32, #tpu.memory_space<hbm>>
      tpu.enqueue_dma source(%arg14 : memref<128x128xf32, #tpu.memory_space<vmem>>) target(%dma_start3A_208 : memref<128x128xf32, #tpu.memory_space<hbm>>) target_semaphore(%arg18 : memref<!tpu.dma_semaphore, #tpu.memory_space<semaphore_mem>>)
    } else {
    }
    %add3A_139 = arith.constant 0 : i32
    %add3A_140 = arith.addi %arg1, %add3A_139 : i32
    %lt3A_141 = arith.constant 79 : i32
    %lt3A_142 = arith.cmpi slt, %add3A_140, %lt3A_141 : i32
    %convert_element_type3A_143 = arith.extui %lt3A_142 : i1 to i32
    %cond3A_144 = arith.constant 0 : i32
    %cond3A_145 = arith.cmpi ne, %convert_element_type3A_143, %cond3A_144 : i32
    scf.if %cond3A_145 {
      %mul3A_188 = arith.constant 10112 : i32
      %mul3A_189 = arith.muli %arg0, %mul3A_188 : i32
      %mul3A_190 = arith.constant 128 : i32
      %mul3A_191 = arith.muli %add3A_140, %mul3A_190 : i32
      %add3A_192 = arith.addi %mul3A_189, %mul3A_191 : i32
      %dma_wait3A_193 = arith.constant 0 : i32
      %dma_wait3A_194 = tpu.memref_slice %arg5[%add3A_192, %dma_wait3A_193] : memref<20224x128xf32, #tpu.memory_space<hbm>> -> memref<128x128xf32, #tpu.memory_space<hbm>>
      %dma_wait3A_195 = arith.constant 0 : i32
      %dma_wait3A_196 = tpu.memref_slice %arg5[%add3A_192, %dma_wait3A_195] : memref<20224x128xf32, #tpu.memory_space<hbm>> -> memref<128x128xf32, #tpu.memory_space<hbm>>
      tpu.wait_dma2 semaphore(%arg16 : memref<!tpu.dma_semaphore, #tpu.memory_space<semaphore_mem>>) src(%arg12 : memref<128x128xf32, #tpu.memory_space<vmem>>) dst(%dma_wait3A_196 : memref<128x128xf32, #tpu.memory_space<hbm>>)
    } else {
    }
    %add3A_146 = arith.constant 48 : i32
    %add3A_147 = arith.addi %arg1, %add3A_146 : i32
    %lt3A_148 = arith.constant 79 : i32
    %lt3A_149 = arith.cmpi slt, %add3A_147, %lt3A_148 : i32
    %convert_element_type3A_150 = arith.extui %lt3A_149 : i1 to i32
    %cond3A_151 = arith.constant 0 : i32
    %cond3A_152 = arith.cmpi ne, %convert_element_type3A_150, %cond3A_151 : i32
    scf.if %cond3A_152 {
      %mul3A_188 = arith.constant 128 : i32
      %mul3A_189 = arith.muli %add3A_147, %mul3A_188 : i32
      %dma_start3A_190 = arith.constant 0 : i32
      %dma_start3A_191 = tpu.memref_slice %arg15[%mul3A_189, %dma_start3A_190] : memref<10112x128xf32, #tpu.memory_space<vmem_shared>> -> memref<128x128xf32, #tpu.memory_space<vmem_shared>>
      %dma_start3A_192 = arith.constant 0 : i32
      %dma_start3A_193 = tpu.memref_slice %arg15[%mul3A_189, %dma_start3A_192] : memref<10112x128xf32, #tpu.memory_space<vmem_shared>> -> memref<128x128xf32, #tpu.memory_space<vmem_shared>>
      tpu.enqueue_dma source(%dma_start3A_193 : memref<128x128xf32, #tpu.memory_space<vmem_shared>>) target(%arg12 : memref<128x128xf32, #tpu.memory_space<vmem>>) target_semaphore(%arg19 : memref<!tpu.dma_semaphore, #tpu.memory_space<semaphore_mem>>)
      %mul3A_194 = arith.constant 128 : i32
      %mul3A_195 = arith.muli %add3A_147, %mul3A_194 : i32
      %dma_wait3A_196 = arith.constant 0 : i32
      %dma_wait3A_197 = tpu.memref_slice %arg15[%mul3A_195, %dma_wait3A_196] : memref<10112x128xf32, #tpu.memory_space<vmem_shared>> -> memref<128x128xf32, #tpu.memory_space<vmem_shared>>
      %dma_wait3A_198 = arith.constant 0 : i32
      %dma_wait3A_199 = tpu.memref_slice %arg15[%mul3A_195, %dma_wait3A_198] : memref<10112x128xf32, #tpu.memory_space<vmem_shared>> -> memref<128x128xf32, #tpu.memory_space<vmem_shared>>
      tpu.wait_dma2 semaphore(%arg19 : memref<!tpu.dma_semaphore, #tpu.memory_space<semaphore_mem>>) src(%dma_wait3A_199 : memref<128x128xf32, #tpu.memory_space<vmem_shared>>) dst(%arg12 : memref<128x128xf32, #tpu.memory_space<vmem>>)
      %mul3A_200 = arith.constant 10112 : i32
      %mul3A_201 = arith.muli %arg0, %mul3A_200 : i32
      %mul3A_202 = arith.constant 128 : i32
      %mul3A_203 = arith.muli %add3A_147, %mul3A_202 : i32
      %add3A_204 = arith.addi %mul3A_201, %mul3A_203 : i32
      %dma_start3A_205 = arith.constant 0 : i32
      %dma_start3A_206 = tpu.memref_slice %arg5[%add3A_204, %dma_start3A_205] : memref<20224x128xf32, #tpu.memory_space<hbm>> -> memref<128x128xf32, #tpu.memory_space<hbm>>
      %dma_start3A_207 = arith.constant 0 : i32
      %dma_start3A_208 = tpu.memref_slice %arg5[%add3A_204, %dma_start3A_207] : memref<20224x128xf32, #tpu.memory_space<hbm>> -> memref<128x128xf32, #tpu.memory_space<hbm>>
      tpu.enqueue_dma source(%arg12 : memref<128x128xf32, #tpu.memory_space<vmem>>) target(%dma_start3A_208 : memref<128x128xf32, #tpu.memory_space<hbm>>) target_semaphore(%arg16 : memref<!tpu.dma_semaphore, #tpu.memory_space<semaphore_mem>>)
    } else {
    }
    %add3A_153 = arith.constant 16 : i32
    %add3A_154 = arith.addi %arg1, %add3A_153 : i32
    %lt3A_155 = arith.constant 79 : i32
    %lt3A_156 = arith.cmpi slt, %add3A_154, %lt3A_155 : i32
    %convert_element_type3A_157 = arith.extui %lt3A_156 : i1 to i32
    %cond3A_158 = arith.constant 0 : i32
    %cond3A_159 = arith.cmpi ne, %convert_element_type3A_157, %cond3A_158 : i32
    scf.if %cond3A_159 {
      %mul3A_188 = arith.constant 10112 : i32
      %mul3A_189 = arith.muli %arg0, %mul3A_188 : i32
      %mul3A_190 = arith.constant 128 : i32
      %mul3A_191 = arith.muli %add3A_154, %mul3A_190 : i32
      %add3A_192 = arith.addi %mul3A_189, %mul3A_191 : i32
      %dma_wait3A_193 = arith.constant 0 : i32
      %dma_wait3A_194 = tpu.memref_slice %arg5[%add3A_192, %dma_wait3A_193] : memref<20224x128xf32, #tpu.memory_space<hbm>> -> memref<128x128xf32, #tpu.memory_space<hbm>>
      %dma_wait3A_195 = arith.constant 0 : i32
      %dma_wait3A_196 = tpu.memref_slice %arg5[%add3A_192, %dma_wait3A_195] : memref<20224x128xf32, #tpu.memory_space<hbm>> -> memref<128x128xf32, #tpu.memory_space<hbm>>
      tpu.wait_dma2 semaphore(%arg17 : memref<!tpu.dma_semaphore, #tpu.memory_space<semaphore_mem>>) src(%arg13 : memref<128x128xf32, #tpu.memory_space<vmem>>) dst(%dma_wait3A_196 : memref<128x128xf32, #tpu.memory_space<hbm>>)
    } else {
    }
    %add3A_160 = arith.constant 64 : i32
    %add3A_161 = arith.addi %arg1, %add3A_160 : i32
    %lt3A_162 = arith.constant 79 : i32
    %lt3A_163 = arith.cmpi slt, %add3A_161, %lt3A_162 : i32
    %convert_element_type3A_164 = arith.extui %lt3A_163 : i1 to i32
    %cond3A_165 = arith.constant 0 : i32
    %cond3A_166 = arith.cmpi ne, %convert_element_type3A_164, %cond3A_165 : i32
    scf.if %cond3A_166 {
      %mul3A_188 = arith.constant 128 : i32
      %mul3A_189 = arith.muli %add3A_161, %mul3A_188 : i32
      %dma_start3A_190 = arith.constant 0 : i32
      %dma_start3A_191 = tpu.memref_slice %arg15[%mul3A_189, %dma_start3A_190] : memref<10112x128xf32, #tpu.memory_space<vmem_shared>> -> memref<128x128xf32, #tpu.memory_space<vmem_shared>>
      %dma_start3A_192 = arith.constant 0 : i32
      %dma_start3A_193 = tpu.memref_slice %arg15[%mul3A_189, %dma_start3A_192] : memref<10112x128xf32, #tpu.memory_space<vmem_shared>> -> memref<128x128xf32, #tpu.memory_space<vmem_shared>>
      tpu.enqueue_dma source(%dma_start3A_193 : memref<128x128xf32, #tpu.memory_space<vmem_shared>>) target(%arg13 : memref<128x128xf32, #tpu.memory_space<vmem>>) target_semaphore(%arg19 : memref<!tpu.dma_semaphore, #tpu.memory_space<semaphore_mem>>)
      %mul3A_194 = arith.constant 128 : i32
      %mul3A_195 = arith.muli %add3A_161, %mul3A_194 : i32
      %dma_wait3A_196 = arith.constant 0 : i32
      %dma_wait3A_197 = tpu.memref_slice %arg15[%mul3A_195, %dma_wait3A_196] : memref<10112x128xf32, #tpu.memory_space<vmem_shared>> -> memref<128x128xf32, #tpu.memory_space<vmem_shared>>
      %dma_wait3A_198 = arith.constant 0 : i32
      %dma_wait3A_199 = tpu.memref_slice %arg15[%mul3A_195, %dma_wait3A_198] : memref<10112x128xf32, #tpu.memory_space<vmem_shared>> -> memref<128x128xf32, #tpu.memory_space<vmem_shared>>
      tpu.wait_dma2 semaphore(%arg19 : memref<!tpu.dma_semaphore, #tpu.memory_space<semaphore_mem>>) src(%dma_wait3A_199 : memref<128x128xf32, #tpu.memory_space<vmem_shared>>) dst(%arg13 : memref<128x128xf32, #tpu.memory_space<vmem>>)
      %mul3A_200 = arith.constant 10112 : i32
      %mul3A_201 = arith.muli %arg0, %mul3A_200 : i32
      %mul3A_202 = arith.constant 128 : i32
      %mul3A_203 = arith.muli %add3A_161, %mul3A_202 : i32
      %add3A_204 = arith.addi %mul3A_201, %mul3A_203 : i32
      %dma_start3A_205 = arith.constant 0 : i32
      %dma_start3A_206 = tpu.memref_slice %arg5[%add3A_204, %dma_start3A_205] : memref<20224x128xf32, #tpu.memory_space<hbm>> -> memref<128x128xf32, #tpu.memory_space<hbm>>
      %dma_start3A_207 = arith.constant 0 : i32
      %dma_start3A_208 = tpu.memref_slice %arg5[%add3A_204, %dma_start3A_207] : memref<20224x128xf32, #tpu.memory_space<hbm>> -> memref<128x128xf32, #tpu.memory_space<hbm>>
      tpu.enqueue_dma source(%arg13 : memref<128x128xf32, #tpu.memory_space<vmem>>) target(%dma_start3A_208 : memref<128x128xf32, #tpu.memory_space<hbm>>) target_semaphore(%arg17 : memref<!tpu.dma_semaphore, #tpu.memory_space<semaphore_mem>>)
    } else {
    }
    %add3A_167 = arith.constant 32 : i32
    %add3A_168 = arith.addi %arg1, %add3A_167 : i32
    %lt3A_169 = arith.constant 79 : i32
    %lt3A_170 = arith.cmpi slt, %add3A_168, %lt3A_169 : i32
    %convert_element_type3A_171 = arith.extui %lt3A_170 : i1 to i32
    %cond3A_172 = arith.constant 0 : i32
    %cond3A_173 = arith.cmpi ne, %convert_element_type3A_171, %cond3A_172 : i32
    scf.if %cond3A_173 {
      %mul3A_188 = arith.constant 10112 : i32
      %mul3A_189 = arith.muli %arg0, %mul3A_188 : i32
      %mul3A_190 = arith.constant 128 : i32
      %mul3A_191 = arith.muli %add3A_168, %mul3A_190 : i32
      %add3A_192 = arith.addi %mul3A_189, %mul3A_191 : i32
      %dma_wait3A_193 = arith.constant 0 : i32
      %dma_wait3A_194 = tpu.memref_slice %arg5[%add3A_192, %dma_wait3A_193] : memref<20224x128xf32, #tpu.memory_space<hbm>> -> memref<128x128xf32, #tpu.memory_space<hbm>>
      %dma_wait3A_195 = arith.constant 0 : i32
      %dma_wait3A_196 = tpu.memref_slice %arg5[%add3A_192, %dma_wait3A_195] : memref<20224x128xf32, #tpu.memory_space<hbm>> -> memref<128x128xf32, #tpu.memory_space<hbm>>
      tpu.wait_dma2 semaphore(%arg18 : memref<!tpu.dma_semaphore, #tpu.memory_space<semaphore_mem>>) src(%arg14 : memref<128x128xf32, #tpu.memory_space<vmem>>) dst(%dma_wait3A_196 : memref<128x128xf32, #tpu.memory_space<hbm>>)
    } else {
    }
    %add3A_174 = arith.constant 48 : i32
    %add3A_175 = arith.addi %arg1, %add3A_174 : i32
    %lt3A_176 = arith.constant 79 : i32
    %lt3A_177 = arith.cmpi slt, %add3A_175, %lt3A_176 : i32
    %convert_element_type3A_178 = arith.extui %lt3A_177 : i1 to i32
    %cond3A_179 = arith.constant 0 : i32
    %cond3A_180 = arith.cmpi ne, %convert_element_type3A_178, %cond3A_179 : i32
    scf.if %cond3A_180 {
      %mul3A_188 = arith.constant 10112 : i32
      %mul3A_189 = arith.muli %arg0, %mul3A_188 : i32
      %mul3A_190 = arith.constant 128 : i32
      %mul3A_191 = arith.muli %add3A_175, %mul3A_190 : i32
      %add3A_192 = arith.addi %mul3A_189, %mul3A_191 : i32
      %dma_wait3A_193 = arith.constant 0 : i32
      %dma_wait3A_194 = tpu.memref_slice %arg5[%add3A_192, %dma_wait3A_193] : memref<20224x128xf32, #tpu.memory_space<hbm>> -> memref<128x128xf32, #tpu.memory_space<hbm>>
      %dma_wait3A_195 = arith.constant 0 : i32
      %dma_wait3A_196 = tpu.memref_slice %arg5[%add3A_192, %dma_wait3A_195] : memref<20224x128xf32, #tpu.memory_space<hbm>> -> memref<128x128xf32, #tpu.memory_space<hbm>>
      tpu.wait_dma2 semaphore(%arg16 : memref<!tpu.dma_semaphore, #tpu.memory_space<semaphore_mem>>) src(%arg12 : memref<128x128xf32, #tpu.memory_space<vmem>>) dst(%dma_wait3A_196 : memref<128x128xf32, #tpu.memory_space<hbm>>)
    } else {
    }
    %add3A_181 = arith.constant 64 : i32
    %add3A_182 = arith.addi %arg1, %add3A_181 : i32
    %lt3A_183 = arith.constant 79 : i32
    %lt3A_184 = arith.cmpi slt, %add3A_182, %lt3A_183 : i32
    %convert_element_type3A_185 = arith.extui %lt3A_184 : i1 to i32
    %cond3A_186 = arith.constant 0 : i32
    %cond3A_187 = arith.cmpi ne, %convert_element_type3A_185, %cond3A_186 : i32
    scf.if %cond3A_187 {
      %mul3A_188 = arith.constant 10112 : i32
      %mul3A_189 = arith.muli %arg0, %mul3A_188 : i32
      %mul3A_190 = arith.constant 128 : i32
      %mul3A_191 = arith.muli %add3A_182, %mul3A_190 : i32
      %add3A_192 = arith.addi %mul3A_189, %mul3A_191 : i32
      %dma_wait3A_193 = arith.constant 0 : i32
      %dma_wait3A_194 = tpu.memref_slice %arg5[%add3A_192, %dma_wait3A_193] : memref<20224x128xf32, #tpu.memory_space<hbm>> -> memref<128x128xf32, #tpu.memory_space<hbm>>
      %dma_wait3A_195 = arith.constant 0 : i32
      %dma_wait3A_196 = tpu.memref_slice %arg5[%add3A_192, %dma_wait3A_195] : memref<20224x128xf32, #tpu.memory_space<hbm>> -> memref<128x128xf32, #tpu.memory_space<hbm>>
      tpu.wait_dma2 semaphore(%arg17 : memref<!tpu.dma_semaphore, #tpu.memory_space<semaphore_mem>>) src(%arg13 : memref<128x128xf32, #tpu.memory_space<vmem>>) dst(%dma_wait3A_196 : memref<128x128xf32, #tpu.memory_space<hbm>>)
    } else {
    }
    return
  }
}

module attributes {stable_mosaic.version = 14 : i64} {
  func.func @_mm_scale_body(%arg0: i32, %arg1: memref<400x128xf32, #tpu.memory_space<vmem>>, %arg2: memref<128x128xf32, #tpu.memory_space<vmem>>, %arg3: memref<400x1xf32, #tpu.memory_space<vmem>>, %arg4: memref<400x128xf32, #tpu.memory_space<vmem>>) attributes {dimension_semantics = [#tpu.dimension_semantics<arbitrary>], iteration_bounds = array<i64: 25>, scalar_prefetch = 0 : i64, scratch_operands = 0 : i64, tpu.core_type = #tpu.core_type<tc>, window_params = [{transform_indices = @transform_0, window_bounds = array<i64: 400, 128>}, {pipeline_mode = #tpu.pipeline_mode<synchronous>, transform_indices = @transform_1, window_bounds = array<i64: 128, 128>}, {transform_indices = @transform_2, window_bounds = array<i64: 400, 1>}, {transform_indices = @transform_3, window_bounds = array<i64: 400, 128>}]} {
    %get3A = arith.constant 0 : index
    %get3A_0 = arith.constant 0 : index
    %get3A_1 = vector.load %arg1[%get3A, %get3A_0] : memref<400x128xf32, #tpu.memory_space<vmem>>, vector<400x128xf32>
    %get3A_2 = arith.constant 0 : index
    %get3A_3 = arith.constant 0 : index
    %get3A_4 = vector.load %arg2[%get3A_2, %get3A_3] : memref<128x128xf32, #tpu.memory_space<vmem>>, vector<128x128xf32>
    %dot_general3A = arith.constant dense<0.000000e+00> : vector<400x128xf32>
    %dot_general3A_5 = tpu.matmul %get3A_1, %get3A_4, %dot_general3A {dimension_numbers = #tpu.dot_dimension_numbers<[1], [0], [0], [1], [0, 0, 1, 1], [], []>, transpose_lhs_hint = false} : vector<400x128xf32>, vector<128x128xf32>, vector<400x128xf32> -> vector<400x128xf32>
    %get3A_6 = arith.constant 0 : index
    %get3A_7 = arith.constant 0 : index
    %get3A_8 = vector.load %arg3[%get3A_6, %get3A_7] : memref<400x1xf32, #tpu.memory_space<vmem>>, vector<400x1xf32>
    %mul3A = vector.broadcast %get3A_8 : vector<400x1xf32> to vector<400x128xf32>
    %mul3A_9 = arith.mulf %dot_general3A_5, %mul3A : vector<400x128xf32>
    %swap3A = arith.constant 0 : index
    %swap3A_10 = arith.constant 0 : index
    %swap3A_11 = vector.load %arg4[%swap3A, %swap3A_10] : memref<400x128xf32, #tpu.memory_space<vmem>>, vector<400x128xf32>
    tpu.vector_store %arg4[%swap3A, %swap3A_10], %mul3A_9 {strides = array<i32>} : memref<400x128xf32, #tpu.memory_space<vmem>>, vector<400x128xf32>,
    return
  }
  func.func @transform_0(%arg0: i32) -> (i32, i32) {
    %c0_i32 = arith.constant 0 : i32
    %c0_i32_0 = arith.constant 0 : i32
    return %arg0, %c0_i32 : i32, i32
  }
  func.func @transform_1(%arg0: i32) -> (i32, i32) {
    %c0_i32 = arith.constant 0 : i32
    %c0_i32_0 = arith.constant 0 : i32
    %c0_i32_1 = arith.constant 0 : i32
    return %c0_i32, %c0_i32_0 : i32, i32
  }
  func.func @transform_2(%arg0: i32) -> (i32, i32) {
    %c0_i32 = arith.constant 0 : i32
    %c0_i32_0 = arith.constant 0 : i32
    return %arg0, %c0_i32 : i32, i32
  }
  func.func @transform_3(%arg0: i32) -> (i32, i32) {
    %c0_i32 = arith.constant 0 : i32
    %c0_i32_0 = arith.constant 0 : i32
    return %arg0, %c0_i32 : i32, i32
  }
}

module attributes {stable_mosaic.version = 14 : i64} {
  func.func @_layer_body(%arg0: i32, %arg1: memref<400x128xf32, #tpu.memory_space<vmem>>, %arg2: memref<400x128xf32, #tpu.memory_space<vmem>>, %arg3: memref<400x128xf32, #tpu.memory_space<vmem>>, %arg4: memref<400x1xf32, #tpu.memory_space<vmem>>, %arg5: memref<1x128xf32, #tpu.memory_space<vmem>>, %arg6: memref<128x128xf32, #tpu.memory_space<vmem>>, %arg7: memref<400x128xf32, #tpu.memory_space<vmem>>) attributes {dimension_semantics = [#tpu.dimension_semantics<arbitrary>], iteration_bounds = array<i64: 25>, scalar_prefetch = 0 : i64, scratch_operands = 0 : i64, tpu.core_type = #tpu.core_type<tc>, window_params = [{transform_indices = @transform_0, window_bounds = array<i64: 400, 128>}, {transform_indices = @transform_1, window_bounds = array<i64: 400, 128>}, {transform_indices = @transform_2, window_bounds = array<i64: 400, 128>}, {transform_indices = @transform_3, window_bounds = array<i64: 400, 1>}, {pipeline_mode = #tpu.pipeline_mode<synchronous>, transform_indices = @transform_4, window_bounds = array<i64: 1, 128>}, {pipeline_mode = #tpu.pipeline_mode<synchronous>, transform_indices = @transform_5, window_bounds = array<i64: 128, 128>}, {transform_indices = @transform_6, window_bounds = array<i64: 400, 128>}]} {
    %get3A = arith.constant 0 : index
    %get3A_0 = arith.constant 0 : index
    %get3A_1 = vector.load %arg1[%get3A, %get3A_0] : memref<400x128xf32, #tpu.memory_space<vmem>>, vector<400x128xf32>
    %get3A_2 = arith.constant 0 : index
    %get3A_3 = arith.constant 0 : index
    %get3A_4 = vector.load %arg2[%get3A_2, %get3A_3] : memref<400x128xf32, #tpu.memory_space<vmem>>, vector<400x128xf32>
    %add3A = arith.addf %get3A_1, %get3A_4 : vector<400x128xf32>
    %get3A_5 = arith.constant 0 : index
    %get3A_6 = arith.constant 0 : index
    %get3A_7 = vector.load %arg3[%get3A_5, %get3A_6] : memref<400x128xf32, #tpu.memory_space<vmem>>, vector<400x128xf32>
    %add3A_8 = arith.addf %add3A, %get3A_7 : vector<400x128xf32>
    %get3A_9 = arith.constant 0 : index
    %get3A_10 = arith.constant 0 : index
    %get3A_11 = vector.load %arg4[%get3A_9, %get3A_10] : memref<400x1xf32, #tpu.memory_space<vmem>>, vector<400x1xf32>
    %mul3A = vector.broadcast %get3A_11 : vector<400x1xf32> to vector<400x128xf32>
    %mul3A_12 = arith.mulf %add3A_8, %mul3A : vector<400x128xf32>
    %get3A_13 = arith.constant 0 : index
    %get3A_14 = arith.constant 0 : index
    %get3A_15 = vector.load %arg5[%get3A_13, %get3A_14] : memref<1x128xf32, #tpu.memory_space<vmem>>, vector<1x128xf32>
    %add3A_16 = vector.broadcast %get3A_15 : vector<1x128xf32> to vector<400x128xf32>
    %add3A_17 = arith.addf %mul3A_12, %add3A_16 : vector<400x128xf32>
    %max3A = arith.constant 0.000000e+00 : f32
    %max3A_18 = vector.broadcast %max3A : f32 to vector<400x128xf32>
    %max3A_19 = arith.maximumf %add3A_17, %max3A_18 : vector<400x128xf32>
    %get3A_20 = arith.constant 0 : index
    %get3A_21 = arith.constant 0 : index
    %get3A_22 = vector.load %arg6[%get3A_20, %get3A_21] : memref<128x128xf32, #tpu.memory_space<vmem>>, vector<128x128xf32>
    %dot_general3A = arith.constant dense<0.000000e+00> : vector<400x128xf32>
    %dot_general3A_23 = tpu.matmul %max3A_19, %get3A_22, %dot_general3A {dimension_numbers = #tpu.dot_dimension_numbers<[1], [0], [0], [1], [0, 0, 1, 1], [], []>, transpose_lhs_hint = false} : vector<400x128xf32>, vector<128x128xf32>, vector<400x128xf32> -> vector<400x128xf32>
    %get3A_24 = arith.constant 0 : index
    %get3A_25 = arith.constant 0 : index
    %get3A_26 = vector.load %arg4[%get3A_24, %get3A_25] : memref<400x1xf32, #tpu.memory_space<vmem>>, vector<400x1xf32>
    %mul3A_27 = vector.broadcast %get3A_26 : vector<400x1xf32> to vector<400x128xf32>
    %mul3A_28 = arith.mulf %dot_general3A_23, %mul3A_27 : vector<400x128xf32>
    %swap3A = arith.constant 0 : index
    %swap3A_29 = arith.constant 0 : index
    %swap3A_30 = vector.load %arg7[%swap3A, %swap3A_29] : memref<400x128xf32, #tpu.memory_space<vmem>>, vector<400x128xf32>
    tpu.vector_store %arg7[%swap3A, %swap3A_29], %mul3A_28 {strides = array<i32>} : memref<400x128xf32, #tpu.memory_space<vmem>>, vector<400x128xf32>,
    return
  }
  func.func @transform_0(%arg0: i32) -> (i32, i32) {
    %c0_i32 = arith.constant 0 : i32
    %c0_i32_0 = arith.constant 0 : i32
    return %arg0, %c0_i32 : i32, i32
  }
  func.func @transform_1(%arg0: i32) -> (i32, i32) {
    %c0_i32 = arith.constant 0 : i32
    %c0_i32_0 = arith.constant 0 : i32
    return %arg0, %c0_i32 : i32, i32
  }
  func.func @transform_2(%arg0: i32) -> (i32, i32) {
    %c0_i32 = arith.constant 0 : i32
    %c0_i32_0 = arith.constant 0 : i32
    return %arg0, %c0_i32 : i32, i32
  }
  func.func @transform_3(%arg0: i32) -> (i32, i32) {
    %c0_i32 = arith.constant 0 : i32
    %c0_i32_0 = arith.constant 0 : i32
    return %arg0, %c0_i32 : i32, i32
  }
  func.func @transform_4(%arg0: i32) -> (i32, i32) {
    %c0_i32 = arith.constant 0 : i32
    %c0_i32_0 = arith.constant 0 : i32
    %c0_i32_1 = arith.constant 0 : i32
    return %c0_i32, %c0_i32_0 : i32, i32
  }
  func.func @transform_5(%arg0: i32) -> (i32, i32) {
    %c0_i32 = arith.constant 0 : i32
    %c0_i32_0 = arith.constant 0 : i32
    %c0_i32_1 = arith.constant 0 : i32
    return %c0_i32, %c0_i32_0 : i32, i32
  }
  func.func @transform_6(%arg0: i32) -> (i32, i32) {
    %c0_i32 = arith.constant 0 : i32
    %c0_i32_0 = arith.constant 0 : i32
    return %arg0, %c0_i32 : i32, i32
  }
}

module attributes {stable_mosaic.version = 14 : i64} {
  func.func @_final_body(%arg0: i32, %arg1: memref<400x128xf32, #tpu.memory_space<vmem>>, %arg2: memref<400x128xf32, #tpu.memory_space<vmem>>, %arg3: memref<400x128xf32, #tpu.memory_space<vmem>>, %arg4: memref<400x1xf32, #tpu.memory_space<vmem>>, %arg5: memref<1x128xf32, #tpu.memory_space<vmem>>, %arg6: memref<400x128xf32, #tpu.memory_space<vmem>>) attributes {dimension_semantics = [#tpu.dimension_semantics<arbitrary>], iteration_bounds = array<i64: 25>, scalar_prefetch = 0 : i64, scratch_operands = 0 : i64, tpu.core_type = #tpu.core_type<tc>, window_params = [{transform_indices = @transform_0, window_bounds = array<i64: 400, 128>}, {transform_indices = @transform_1, window_bounds = array<i64: 400, 128>}, {transform_indices = @transform_2, window_bounds = array<i64: 400, 128>}, {transform_indices = @transform_3, window_bounds = array<i64: 400, 1>}, {pipeline_mode = #tpu.pipeline_mode<synchronous>, transform_indices = @transform_4, window_bounds = array<i64: 1, 128>}, {transform_indices = @transform_5, window_bounds = array<i64: 400, 128>}]} {
    %get3A = arith.constant 0 : index
    %get3A_0 = arith.constant 0 : index
    %get3A_1 = vector.load %arg1[%get3A, %get3A_0] : memref<400x128xf32, #tpu.memory_space<vmem>>, vector<400x128xf32>
    %get3A_2 = arith.constant 0 : index
    %get3A_3 = arith.constant 0 : index
    %get3A_4 = vector.load %arg2[%get3A_2, %get3A_3] : memref<400x128xf32, #tpu.memory_space<vmem>>, vector<400x128xf32>
    %add3A = arith.addf %get3A_1, %get3A_4 : vector<400x128xf32>
    %get3A_5 = arith.constant 0 : index
    %get3A_6 = arith.constant 0 : index
    %get3A_7 = vector.load %arg3[%get3A_5, %get3A_6] : memref<400x128xf32, #tpu.memory_space<vmem>>, vector<400x128xf32>
    %add3A_8 = arith.addf %add3A, %get3A_7 : vector<400x128xf32>
    %get3A_9 = arith.constant 0 : index
    %get3A_10 = arith.constant 0 : index
    %get3A_11 = vector.load %arg4[%get3A_9, %get3A_10] : memref<400x1xf32, #tpu.memory_space<vmem>>, vector<400x1xf32>
    %mul3A = vector.broadcast %get3A_11 : vector<400x1xf32> to vector<400x128xf32>
    %mul3A_12 = arith.mulf %add3A_8, %mul3A : vector<400x128xf32>
    %get3A_13 = arith.constant 0 : index
    %get3A_14 = arith.constant 0 : index
    %get3A_15 = vector.load %arg5[%get3A_13, %get3A_14] : memref<1x128xf32, #tpu.memory_space<vmem>>, vector<1x128xf32>
    %add3A_16 = vector.broadcast %get3A_15 : vector<1x128xf32> to vector<400x128xf32>
    %add3A_17 = arith.addf %mul3A_12, %add3A_16 : vector<400x128xf32>
    %swap3A = arith.constant 0 : index
    %swap3A_18 = arith.constant 0 : index
    %swap3A_19 = vector.load %arg6[%swap3A, %swap3A_18] : memref<400x128xf32, #tpu.memory_space<vmem>>, vector<400x128xf32>
    tpu.vector_store %arg6[%swap3A, %swap3A_18], %add3A_17 {strides = array<i32>} : memref<400x128xf32, #tpu.memory_space<vmem>>, vector<400x128xf32>,
    return
  }
  func.func @transform_0(%arg0: i32) -> (i32, i32) {
    %c0_i32 = arith.constant 0 : i32
    %c0_i32_0 = arith.constant 0 : i32
    return %arg0, %c0_i32 : i32, i32
  }
  func.func @transform_1(%arg0: i32) -> (i32, i32) {
    %c0_i32 = arith.constant 0 : i32
    %c0_i32_0 = arith.constant 0 : i32
    return %arg0, %c0_i32 : i32, i32
  }
  func.func @transform_2(%arg0: i32) -> (i32, i32) {
    %c0_i32 = arith.constant 0 : i32
    %c0_i32_0 = arith.constant 0 : i32
    return %arg0, %c0_i32 : i32, i32
  }
  func.func @transform_3(%arg0: i32) -> (i32, i32) {
    %c0_i32 = arith.constant 0 : i32
    %c0_i32_0 = arith.constant 0 : i32
    return %arg0, %c0_i32 : i32, i32
  }
  func.func @transform_4(%arg0: i32) -> (i32, i32) {
    %c0_i32 = arith.constant 0 : i32
    %c0_i32_0 = arith.constant 0 : i32
    %c0_i32_1 = arith.constant 0 : i32
    return %c0_i32, %c0_i32_0 : i32, i32
  }
  func.func @transform_5(%arg0: i32) -> (i32, i32) {
    %c0_i32 = arith.constant 0 : i32
    %c0_i32_0 = arith.constant 0 : i32
    return %arg0, %c0_i32 : i32, i32
  }
}

</mosaic_0001>

<sc_bundles>
// kernel: kernel.11.cloned.1.call-start
scs
__scs_entry_jumppad:
0x0: {  	(pc) =	sbr.rel $0x88, $3  }
0x1: {  	(tag) =	ssettag $0x0;
	lr =	simm.s32 $0x1  }
0x2: {  	[smem:$0x3F9B] =	sst lr;
	_ =	strace $0xD0000000  }
0x3: {  	_ = 	snop  }
0x4: {  	_ = 	snop  }
0x5: {  	_ = 	snop  }
0x6: {  	_ = 	snop  }
0x7: {  	_ = 	snop  }
__scs_overlays_trampoline_lowered:
0x8: {  	[smem:$0x3FAA] =	sst s0  }
0x9: {  	[smem:$0x3FAB] =	sst s1  }
0xa: {  	[smem:$0x3FAC] =	sst s2  }
0xb: {  	[smem:$0x3FAD] =	sst s3  }
0xc: {  	[smem:$0x3FAE] =	sst s4  }
0xd: {  	[smem:$0x3FAF] =	sst s5  }
0xe: {  	[smem:$0x3FB0] =	sst s6  }
0xf: {  	[smem:$0x3FB1] =	sst s7  }
0x10: {  	[smem:$0x3FB2] =	sst s8  }
0x11: {  	[smem:$0x3FB3] =	sst s9;
	s0 =	simm.s32 @!p0 $0x0  }
0x12: {  	s1 =	sld [smem:$0x3F99];
	s0 =	simm.s32 @p0 $0x1  }
0x13: {  	[smem:$0x3FB4] =	sst s0;
	s0 =	simm.s32 @!p1 $0x0  }
0x14: {  	s2 =	sld [smem:$0x3F98];
	s0 =	simm.s32 @p1 $0x1  }
0x15: {  	[smem:$0x3FB5] =	sst s0;
	s0 =	simm.s32 @!p2 $0x0  }
0x16: {  	s3 =	sld [smem:$0x3FDB];
	s0 =	simm.s32 @p2 $0x1  }
0x17: {  	s4 =	simm.s32 $0x1BF5;
	[smem:$0x3FB7] =	sst s0  }
0x18: {  	s0 =	sld [smem:$0x3F9A];
	_ =	swait.ge [sflag:s4], $0x0  }
0x19: {  	s7 =	sld [smem:$0x3F9B]  }
0x1a: {  	s8 =	sadd.s32 $0xFFFFE003, lr  }
0x1b: {  	s9 =	sadd.s32 $0xFFFFFEF7, lr;
	s5 =	simm.s32 $0xFFFFFFFF;
	p2 =	slt.u32 s8, $0xFFFFF086  }
0x1c: {  	p1 =	slt.u32 s9, $0xF7A;
	s5 =	simm.s32 @!p2 $0x0  }
0x1d: {  	s5 =	simm.s32 @p1 $0x1;
	p0 =	seq.s32 s7, s2  }
0x1e: {  	s7 =	smul.u32 @!p0 $0xF7A, s2;
	p2 =	seq.s32 @!p0 s5, $0x0  }
0x1f: {  	s9 =	smul.u32 $0xF7A, s1;
	s8 =	simm.s32 @!p0 $0x1BF5;
	p2 =	por !p2, p0  }
0x20: {  	[sflag:s8] =	ssyncset.s32 @!p0 $0xFFFFF086;
	s6 =	sadd.s32 @!p0 s3, s7;
	s7 =	simm.s32 @!p0 $0x108  }
0x21: {  	s3 =	sadd.s32 s3, s9;
	s6 =	sadd.s32 @!p0 $0x88, s6;
	s7 =	simm.s32 @p2 $0x1082  }
0x22: {  	[simem:s7], [sflag:s8] =	dma.local @!p0 [hbm:s6], $0xF7A  }
0x23: {  	s9 =	sor.u32 $0xD0000000, s2;
	s6 =	simm.s32 $0x108;
	_ =	swait.ge @!p0 [sflag:s8], $0x0  }
0x24: {  	s3 =	sadd.s32 $0x88, s3;
	s6 =	simm.s32 @!p1 $0x1082;
	[sflag:s4] =	ssyncset.s32 $0xFFFFF086  }
0x25: {  	[simem:s6], [sflag:s4] =	dma.local [hbm:s3], $0xF7A  }
0x26: {  	[smem:$0x3F9B] =	sst s1;
	(tag) =	ssettag s2;
	_ =	strace s9  }
0x27: {  	s1 =	sld [smem:$0x3FAB]  }
0x28: {  	s2 =	sld [smem:$0x3FAC]  }
0x29: {  	s4 =	sld [smem:$0x3FAE]  }
0x2a: {  	p0 =	seq.s32 s5, $0x0;
	s5 =	sld [smem:$0x3FAF]  }
0x2b: {  	s6 =	sld [smem:$0x3FB0]  }
0x2c: {  	s7 =	sld [smem:$0x3FB1]  }
0x2d: {  	s3 =	simm.s32 $0x108;
	s8 =	sld [smem:$0x3FB2]  }
0x2e: {  	s3 =	simm.s32 @!p0 $0x1082;
	s9 =	sld [smem:$0x3FB3]  }
0x2f: {  	lr =	sadd.s32 s0, s3;
	s0 =	sld [smem:$0x3FAA]  }
0x30: {  	s3 =	sld [smem:$0x3FAD]  }
0x31: {  	[smem:$0x3FB6] =	sst s10  }
0x32: {  	s10 =	sld [smem:$0x3FB4];
	_ =	sdelay $0x3  }
0x33: {  	p0 =	seq.s32 s10, $0x1;
	s10 =	sld [smem:$0x3FB6];
	_ =	sdelay $0x3  }
0x34: {  	[smem:$0x3FB6] =	sst s10  }
0x35: {  	s10 =	sld [smem:$0x3FB5];
	_ =	sdelay $0x3  }
0x36: {  	p1 =	seq.s32 s10, $0x1;
	s10 =	sld [smem:$0x3FB6];
	_ =	sdelay $0x3  }
0x37: {  	[smem:$0x3FB6] =	sst s10  }
0x38: {  	s10 =	sld [smem:$0x3FB7]  }
0x39: {  	_ = 	snop;
	(pc) =	sbr.ind lr, $3  }
0x3a: {  	_ = 	snop  }
0x3b: {  	_ = 	snop  }
0x3c: {  	p2 =	seq.s32 s10, $0x1;
	s10 =	sld [smem:$0x3FB6]  }
0x3d: {  	_ =	shalt  }
0x3e: {  	_ =	shalt  }
0x3f: {  	_ =	shalt  }
0x40: {  	_ =	shalt  }
0x41: {  	_ =	shalt  }
0x42: {  	_ =	shalt  }
0x43: {  	_ =	shalt  }
0x44: {  	_ =	shalt  }
0x45: {  	_ =	shalt  }
0x46: {  	_ =	shalt  }
0x47: {  	_ =	shalt  }
0x48: {  	_ =	shalt  }
0x49: {  	_ =	shalt  }
0x4a: {  	_ =	shalt  }
0x4b: {  	_ =	shalt  }
0x4c: {  	_ =	shalt  }
0x4d: {  	_ =	shalt  }
0x4e: {  	_ =	shalt  }
0x4f: {  	_ =	shalt  }
0x50: {  	_ =	shalt  }
0x51: {  	_ =	shalt  }
0x52: {  	_ =	shalt  }
0x53: {  	_ =	shalt  }
0x54: {  	_ =	shalt  }
0x55: {  	_ =	shalt  }
0x56: {  	_ =	shalt  }
0x57: {  	_ =	shalt  }
0x58: {  	_ =	shalt  }
0x59: {  	_ =	shalt  }
0x5a: {  	_ =	shalt  }
0x5b: {  	_ =	shalt  }
0x5c: {  	_ =	shalt  }
0x5d: {  	_ =	shalt  }
0x5e: {  	_ =	shalt  }
0x5f: {  	_ =	shalt  }
0x60: {  	_ =	shalt  }
0x61: {  	_ =	shalt  }
0x62: {  	_ =	shalt  }
0x63: {  	_ =	shalt  }
0x64: {  	_ =	shalt  }
0x65: {  	_ =	shalt  }
0x66: {  	_ =	shalt  }
0x67: {  	_ =	shalt  }
0x68: {  	_ =	shalt  }
0x69: {  	_ =	shalt  }
0x6a: {  	_ =	shalt  }
0x6b: {  	_ =	shalt  }
0x6c: {  	_ =	shalt  }
0x6d: {  	_ =	shalt  }
0x6e: {  	_ =	shalt  }
0x6f: {  	_ =	shalt  }
0x70: {  	_ =	shalt  }
0x71: {  	_ =	shalt  }
0x72: {  	_ =	shalt  }
0x73: {  	_ =	shalt  }
0x74: {  	_ =	shalt  }
0x75: {  	_ =	shalt  }
0x76: {  	_ =	shalt  }
0x77: {  	_ =	shalt  }
0x78: {  	_ =	shalt  }
0x79: {  	_ =	shalt  }
0x7a: {  	_ =	shalt  }
0x7b: {  	_ =	shalt  }
0x7c: {  	_ =	shalt  }
0x7d: {  	_ =	shalt  }
0x7e: {  	_ =	shalt  }
0x7f: {  	_ =	shalt  }
0x80: {  	_ =	shalt  }
0x81: {  	_ =	shalt  }
0x82: {  	_ =	shalt  }
0x83: {  	_ =	shalt  }
0x84: {  	_ =	shalt  }
0x85: {  	_ =	shalt  }
0x86: {  	_ =	shalt  }
0x87: {  	_ =	shalt  }
.Lfunc_end0:
.L_simem_size_0:
called_computation.1_lowered:
.L_overlay_start_0:
0x88: {  	s2 =	sld [smem:$0x3FD9]  }
0x89: {  	s3 =	sld [smem:$0x3FFE];
	_ =	sdelay $0x1  }
0x8a: {  	s1 =	srdreg.scid  }
0x8b: {  	s0 =	sand.u32 $0x1, s1  }
0x8c: {  	s17 =	sshll.u32 s0, $0xA;
	s2 =	sadd.s32 s3, s2  }
0x8d: {  	s2 =	sadd.s32 s2, s17  }
0x8e: {  	[smem:$0x3FC2] =	sst s2  }
0x8f: {  	_ = 	snop  }
0x90: {  	s2 =	sld [smem:$0x3FD0];
	(tm) =	ssettm $0x1  }
0x91: {  	s18 =	sld [smem:$0x3FFB];
	_ =	sdelay $0x3  }
0x92: {  	_ =	strace s18  }
0x93: {  	s3 =	sld [smem:$0x3FFC];
	_ =	sdelay $0x3  }
0x94: {  	_ =	strace s3  }
0x95: {  	s3 =	sld [smem:$0x3FFD];
	_ =	sdelay $0x3  }
0x96: {  	_ =	strace s3  }
0x97: {  	_ =	strace $0x8FFFFFFF  }
0x98: {  	s19 =	sld [smem:$0x3FDB];
	_ =	sdelay $0x1  }
0x99: {  	s4 =	simm.s32 $_scs_section_size  }
0x9a: {  	s5 =	simm.s32 $_size__tile_overlayer_lowered;
	s6 =	simm.s32 $_tile_overlayer_lowered  }
0x9b: {  	s22 =	simm.s32 $0x1BFF;
	s21 =	sshll.u32 s6, $0x1;
	s3 =	sadd.s32 s4, s19  }
0x9c: {  	s7 =	simm.s32 $0x0;
	s20 =	sshll.u32 s5, $0x1;
	s5 =	sadd.s32 s21, s3  }
0x9d: {  	[timem:s7], [sflag:s22] =	dma.local [hbm:s5], s20  }
0x9e: {  	_ =	swait.ge [sflag:s22], s20  }
0x9f: {  	s4 =	ssub.s32 $0x0, s20;
	[sflag:s22] =	ssyncset.done $0x0  }
0xa0: {  	[sflag:s22] =	ssyncadd.s32 s4;
	_ =	sdelay $0x1  }
0xa1: {  	s23 =	simm.s32 $0x1B8B  }
0xa2: {  	_ =	swait.ge [sflag:s23], $0x1  }
0xa3: {  	[sflag:s23] =	ssyncset.done $0x0  }
0xa4: {  	s25 =	simm.s32 $0x1B8E;
	s24 =	sld [smem:$0x3FFE];
	[sflag:s23] =	ssyncadd.s32 $0xFFFFFFFF  }
0xa5: {  	s26 =	simm.s32 $execute0_lowered;
	[smem:$0x3FD2] =	sst s25  }
0xa6: {  	s5 =	sshll.u32 s26, $0x1;
	_ =	strace $0x80000049;
	[dreg:$0x1] =	wrdreg $0xFFFFFFFF  }
0xa7: {  	s28 =	simm.s32 $_size_execute0_lowered;
	s3 =	sadd.s32 s3, s5;
	[dreg:$0x0] =	wrdreg $0x0  }
0xa8: {  	s5 =	sshll.u32 s28, $0x1;
	[dreg:$0x2] =	wrdreg s3  }
0xa9: {  	[dreg:$0x3] =	wrdreg s5  }
0xaa: {  	[dreg:$0x4] =	wrdreg $0xC0  }
0xab: {  	_ =	task [dreg:s7], $0x5FFFF  }
0xac: {  	[dreg:$0x1] =	wrdreg $0xFFFFFFFF  }
0xad: {  	[dreg:$0x0] =	wrdreg $0x60  }
0xae: {  	[dreg:$0x2] =	wrdreg s2  }
0xaf: {  	[dreg:$0x3] =	wrdreg s24  }
0xb0: {  	[dreg:$0x4] =	wrdreg $0xC3000  }
0xb1: {  	[dreg:$0x5] =	wrdreg $0x9  }
0xb2: {  	_ =	task.clear_ibuf [dreg:s7], $0x6FFFF;
	_ =	strace $0x90000049  }
0xb3: {  	s29 =	simm.s32 $0x9;
	_ =	strace $0x8000004B  }
0xb4: {  	_ =	swait.ge [sflag:s29], $0x1  }
0xb5: {  	[sflag:s29] =	ssyncadd.s32 $0xFFFFFFFF  }
0xb6: {  	_ =	strace $0x9000004B  }
0xb7: {  	_ =	sfence  }
0xb8: {  	s30 =	sld [smem:$0x0];
	_ =	sdelay $0x2  }
0xb9: {  	s31 =	sshll.u32 s1, $0xD;
	s1 =	sshrl.u32 s1, $0x2  }
0xba: {  	s3 =	sand.u32 $0x4000, s31;
	s1 =	sadd.s32 s1, s30  }
0xbb: {  	s0 =	sor.u32 s3, s0;
	s1 =	sshll.u32 s1, $0x11  }
0xbc: {  	s0 =	sor.u32 s1, s0  }
0xbd: {  	s0 =	sadd.s32 $0x8F2B, s0  }
0xbe: {  	[sflag:s0] =	ssyncadd.remote.s32 $0x1  }
0xbf: {  	_ =	sfence.sel $0xFFFF  }
0xc0: {  	[dreg:$0x0] =	wrdreg $0xFFFFFFFF;
	(pc) =	sbr.abs _section_cstart, $3  }
0xc1: {  	[dreg:$0x1] =	wrdreg $0xFFFFFFFF  }
0xc2: {  	_ =	task.clear_ibuf [dreg:s7], $0x2FFFF;
	_ =	strace $0x9FFFFFFF  }
0xc3: {  	(tm) =	ssettm $0x7FFFFFFF  }
tec
execute0_lowered:
.L_overlay_start_1:
0x0: {  	(tag) =	ssettag $0x1  }
0x1: {  	s1 =	rddreg [dreg:$0x0]  }
0x2: {  	s0 =	rddreg [dreg:$0x1]  }
0x3: {  	s2 =	rddreg [dreg:$0x2]  }
0x4: {  	s3 =	simm.s32 $0x0;
	s4 =	srdreg.scid;
	s31 =	simm.s32 $0x0  }
0x5: {  	[smem:$0x7FF] =	sst s3;
	s4 =	sand.u32 $0x1, s4;
	s13 =	sadd.s32 $0xCE00, s0  }
0x6: {  	s3 =	stileid.u32;
	s14 =	sadd.s32 $0x3000, s0;
	s0 =	sadd.s32 $0x3DE00, s0  }
0x7: {  	_ =	strace $0x8000004A;
	s5 =	ssub.s32 $0x2, s4;
	s7 =	smul.u32 $0xC, s3  }
0x8: {  	p0 =	seq.s32 s4, $0x0;
	s16 =	sshll.u32 s3, $0xE;
	s4 =	smul.u32 $0x13C000, s4  }
0x9: {  	s6 =	sshrl.u32 s5, $0x1;
	s17 =	sor.u32 $0x40000, s16;
	s18 =	sor.u32 $0x80000, s16  }
0xa: {  	s19 =	sor.u32 $0xC0000, s16;
	s20 =	sor.u32 $0x100000, s16;
	s15 =	ssub.s32 s5, s6  }
0xb: {  	s6 =	smul.u32 $0x92, s3;
	s5 =	simm.s32 $0x92;
	s10 =	sadd.s32 $0x920, s7  }
0xc: {  	s7 =	sadd.s32 s17, s2;
	s23 =	sadd.s32 s18, s2;
	s24 =	sadd.s32 s19, s2  }
0xd: {  	s25 =	sadd.s32 s20, s2;
	s9 =	sadd.s32 s4, s17;
	s22 =	sadd.s32 s4, s18  }
0xe: {  	s26 =	sadd.s32 s4, s19;
	[dreg:$0x5] =	wrdreg s24;
	s10 =	smov.u32 @p0 s6  }
0xf: {  	s5 =	simm.s32 @!p0 $0xC;
	[dreg:$0x6] =	wrdreg s25;
	s12 =	sshll.u32 s10, $0x4  }
0x10: {  	s6 =	sadd.s32 s16, s2;
	s10 =	sadd.s32 $0xFFFFFFFF, s5;
	s21 =	sor.u32 $0x10, s12  }
0x11: {  	p0 =	seq.s32 s3, $0xF;
	[dreg:$0x4] =	wrdreg s10;
	s8 =	sadd.s32 s13, s21  }
0x12: {  	s11 =	sadd.s32 s13, s12;
	s30 =	sadd.s32 s14, s21;
	[dreg:$0x7] =	wrdreg s8  }
0x13: {  	s12 =	sadd.s32 s14, s12;
	s14 =	sshrl.u32 s9, $0x3;
	[dreg:$0x8] =	wrdreg s30  }
0x14: {  	s8 =	sadd.s32 s4, s16;
	s21 =	sadd.s32 s0, s14;
	s4 =	sadd.s32 s4, s20  }
0x15: {  	s14 =	sshrl.u32 s26, $0x3;
	s30 =	smax.u32 s15, $0x1;
	[dreg:$0xa] =	wrdreg s21  }
0x16: {  	s13 =	sshrl.u32 s8, $0x3;
	s29 =	sadd.s32 s0, s14;
	[dreg:$0xe] =	wrdreg s30  }
0x17: {  	s17 =	sadd.s32 s0, s13;
	s13 =	sshrl.u32 s22, $0x3;
	[dreg:$0xc] =	wrdreg s29  }
0x18: {  	s4 =	sshrl.u32 s4, $0x3;
	[dreg:$0x9] =	wrdreg s17;
	s28 =	sadd.s32 s0, s13  }
0x19: {  	s26 =	simm.s32 $0x4;
	s0 =	sadd.s32 s0, s4;
	[dreg:$0xb] =	wrdreg s28  }
0x1a: {  	v0 =	vimm.f32 $0.0e+00;
	s21 =	simm.s32 $0x300;
	s22 =	simm.s32 $0x1;
	[dreg:$0xd] =	wrdreg s0  }
.LBB2_1:
0x1b: {  	s0 =	simm.s32 $0x0;
	s4 =	simm.s32 $0x200  }
.LBB2_2:
0x1c: {  	p1 =	sne.s32 s4, $0xFE00;
	[tilespmem:s0+$0x370] =	vst v0  }
0x1d: {  	[tilespmem:s0+$0x300] =	vst v0  }
0x1e: {  	[tilespmem:s0+$0x310] =	vst v0  }
.Ltmp0:
0x1f: {  	[tilespmem:s0+$0x320] =	vst v0;
	(pc) =	sbr.rel @p1 .LBB2_2-.Ltmp0, $4  }
0x20: {  	[tilespmem:s0+$0x330] =	vst v0  }
0x21: {  	[tilespmem:s0+$0x340] =	vst v0  }
0x22: {  	[tilespmem:s0+$0x350] =	vst v0  }
0x23: {  	[tilespmem:s0+$0x360] =	vst v0;
	s0 =	sshra.s32 s4, $0x2;
	s4 =	sadd.s32 $0x200, s4  }
0x24: {  	[tilespmem:s0+$0x370] =	vst v0  }
0x25: {  	[tilespmem:s0+$0x300] =	vst v0  }
0x26: {  	[tilespmem:s0+$0x310] =	vst v0  }
0x27: {  	[tilespmem:s0+$0x320] =	vst v0  }
0x28: {  	[tilespmem:s0+$0x330] =	vst v0  }
0x29: {  	[tilespmem:s0+$0x340] =	vst v0  }
0x2a: {  	[tilespmem:s0+$0x350] =	vst v0  }
0x2b: {  	[tilespmem:s0+$0x360] =	vst v0  }
0x2c: {  	[spmem:s6] =	stream.linear.scatter [tilespmem:s21], [sflag:$0x1], $0x4000, $0x38;
	[tilespmem:$0x1FF00] =	vst v63  }
0x2d: {  	_ = 	snop  }
0x2e: {  	[spmem:s7] =	stream.linear.scatter [tilespmem:s21], [sflag:$0x1], $0x4000, $0x38;
	[tilespmem:$0x1FF00] =	vst v63  }
0x2f: {  	_ = 	snop  }
0x30: {  	[spmem:s23] =	stream.linear.scatter [tilespmem:s21], [sflag:$0x1], $0x4000, $0x38;
	[tilespmem:$0x1FF00] =	vst v63  }
0x31: {  	_ = 	snop  }
0x32: {  	[spmem:s24] =	stream.linear.scatter [tilespmem:s21], [sflag:$0x1], $0x4000, $0x38;
	[tilespmem:$0x1FF00] =	vst v63  }
0x33: {  	s0 =	simm.s32 @!p0 $0x300  }
0x34: {  	[spmem:s25] =	stream.linear.scatter @!p0 [tilespmem:s0], [sflag:$0x1], $0x4000, $0x38;
	[tilespmem:$0x1FF00] =	vst v63  }
0x35: {  	_ =	swait.ge [sflag:s22], $0x4000  }
0x36: {  	[sflag:s22] =	ssyncset.done $0x0  }
0x37: {  	[sflag:s22] =	ssyncadd.s32 $0xFFFFC000  }
0x38: {  	_ =	swait.ge [sflag:s22], $0x4000  }
0x39: {  	[sflag:s22] =	ssyncset.done $0x0  }
0x3a: {  	[sflag:s22] =	ssyncadd.s32 $0xFFFFC000  }
0x3b: {  	_ =	swait.ge [sflag:s22], $0x4000  }
0x3c: {  	[sflag:s22] =	ssyncset.done $0x0  }
0x3d: {  	[sflag:s22] =	ssyncadd.s32 $0xFFFFC000  }
0x3e: {  	_ =	swait.ge [sflag:s22], $0x4000  }
0x3f: {  	[sflag:s22] =	ssyncset.done $0x0  }
0x40: {  	s0 =	simm.s32 @!p0 $0x1;
	[sflag:s22] =	ssyncadd.s32 $0xFFFFC000  }
0x41: {  	_ =	swait.ge @!p0 [sflag:s0], $0x4000  }
0x42: {  	[sflag:s0] =	ssyncset.done @!p0 $0x0  }
0x43: {  	[sflag:s0] =	ssyncadd.s32 @!p0 $0xFFFFC000  }
0x44: {  	s24 =	simm.s32 $0x0;
	[bflag:$0x0] =	sbarrier.arrive $0xFFFF  }
0x45: {  	[tilespmem:s24], [sflag:$0x4] =	stream.linear.gather [hbm4b:s11+s24], $0x80, $0x38;
	[tilespmem:$0x1FF00] =	vst v63  }
0x46: {  	s3 =	simm.s32 $0x180  }
0x47: {  	[tilespmem:s3], [sflag:$0x4] =	stream.linear.gather [hbm4b:s12+s24], $0x80, $0x38;
	[tilespmem:$0x1FF00] =	vst v63  }
0x48: {  	s4 =	simm.s32 $0x80;
	s25 =	rddreg [dreg:$0x7]  }
0x49: {  	[tilespmem:s4], [sflag:$0x5] =	stream.linear.gather [hbm4b:s25+s24], $0x80, $0x38;
	[tilespmem:$0x1FF00] =	vst v63  }
0x4a: {  	s30 =	simm.s32 $0x200;
	s29 =	rddreg [dreg:$0x8]  }
0x4b: {  	[tilespmem:s30], [sflag:$0x5] =	stream.linear.gather [hbm4b:s29+s24], $0x80, $0x38;
	[tilespmem:$0x1FF00] =	vst v63  }
0x4c: {  	_ =	swait.ge [sflag:s26], $0x80  }
0x4d: {  	[sflag:s26] =	ssyncset.done $0x0  }
0x4e: {  	[sflag:s26] =	ssyncadd.s32 $0xFFFFFF80  }
0x4f: {  	_ =	swait.ge [sflag:s26], $0x80  }
0x50: {  	[sflag:s26] =	ssyncset.done $0x0  }
0x51: {  	s10 =	smov.u32 s23;
	p1 =	sle.u32 s5, $0x2;
	[sflag:s26] =	ssyncadd.s32 $0xFFFFFF80  }
0x52: {  	[tilespmem:s21], [sflag:$0x1] =	stream.indirect.gather [hbm4b:s1+s4], $0x80, s24, s4, $0xb8;
	[tilespmem:$0x1FF00] =	vst v63  }
0x53: {  	s14 =	simm.s32 @!p1 $0x0;
	s16 =	simm.s32 @!p1 $0x100;
	s4 =	sadd.s32 @!p1 $0x0, s11  }
0x54: {  	s0 =	sadd.s32 @!p1 $0x0, s12;
	s13 =	rddreg [dreg:$0x4];
	s4 =	sadd.s32 @!p1 $0x20, s4  }
0x55: {  	[tilespmem:s16], [sflag:$0x6] =	stream.linear.gather @!p1 [hbm4b:s4+s14], $0x80, $0x38;
	[tilespmem:$0x1FF00] =	vst v63  }
0x56: {  	s23 =	simm.s32 @!p1 $0x280;
	s0 =	sadd.s32 @!p1 $0x20, s0;
	p3 =	sle.u32 s13, $0x0  }
0x57: {  	[tilespmem:s23], [sflag:$0x6] =	stream.linear.gather @!p1 [hbm4b:s0+s14], $0x80, $0x38;
	[tilespmem:$0x1FF00] =	vst v63  }
0x58: {  	s0 =	simm.s32 @!p3 $0x5  }
0x59: {  	_ =	swait.ge @!p3 [sflag:s0], $0x80  }
0x5a: {  	[sflag:s0] =	ssyncset.done @!p3 $0x0  }
0x5b: {  	[sflag:s0] =	ssyncadd.s32 @!p3 $0xFFFFFF80  }
0x5c: {  	_ =	swait.ge @!p3 [sflag:s0], $0x80  }
0x5d: {  	p4 =	sle.u32 s5, $0x0;
	s13 =	simm.s32 @!p3 $0x4300;
	[sflag:s0] =	ssyncset.done @!p3 $0x0  }
0x5e: {  	s4 =	simm.s32 @!p3 $0x80;
	s14 =	simm.s32 @!p4 $0x1;
	[sflag:s0] =	ssyncadd.s32 @!p3 $0xFFFFFF80  }
0x5f: {  	[tilespmem:s13], [sflag:$0x2] =	stream.indirect.gather @!p3 [hbm4b:s1+s4], $0x80, s4, s4, $0xb8;
	[tilespmem:$0x1FF00] =	vst v63  }
0x60: {  	_ =	swait.ge @!p4 [sflag:s14], $0x4000  }
0x61: {  	s17 =	simm.s32 @!p4 $0x8;
	s15 =	simm.s32 @!p4 $0x300;
	[sflag:s14] =	ssyncset.done @!p4 $0x0  }
0x62: {  	s0 =	simm.s32 @!p4 $0x180;
	[sflag:s14] =	ssyncadd.s32 @!p4 $0xFFFFC000;
	s14 =	simm.s32 @!p4 $0x80  }
0x63: {  	[spmem:s2] =	stream.indirect.scatter.add.f32 @!p4 [tilespmem:s15], [sflag:$0x8], $0x80, s0, s14, $0xb8;
	[tilespmem:$0x1FF00] =	vst v63  }
0x64: {  	p2 =	sle.u32 s5, $0x3;
	p1 =	por p1, p1;
	_ =	swait.ge @!p4 [sflag:s17], $0x4000  }
0x65: {  	s0 =	sadd.s32 @!p2 $0x0, s11;
	s14 =	sadd.s32 @!p2 $0x0, s12;
	[sflag:s17] =	ssyncset.done @!p4 $0x0  }
0x66: {  	s15 =	simm.s32 @!p2 $0x0;
	s0 =	sadd.s32 @!p2 $0x30, s0;
	[sflag:s17] =	ssyncadd.s32 @!p4 $0xFFFFC000  }
0x67: {  	[tilespmem:s15], [sflag:$0x4] =	stream.linear.gather @!p2 [hbm4b:s0+s15], $0x80, $0x38;
	[tilespmem:$0x1FF00] =	vst v63  }
0x68: {  	s18 =	simm.s32 @!p1 $0x6;
	s0 =	sadd.s32 @!p2 $0x30, s14;
	s14 =	simm.s32 @!p2 $0x180  }
0x69: {  	[tilespmem:s14], [sflag:$0x4] =	stream.linear.gather @!p2 [hbm4b:s0+s15], $0x80, $0x38;
	[tilespmem:$0x1FF00] =	vst v63  }
0x6a: {  	_ =	swait.ge @!p1 [sflag:s18], $0x80  }
0x6b: {  	[sflag:s18] =	ssyncset.done @!p1 $0x0  }
0x6c: {  	[sflag:s18] =	ssyncadd.s32 @!p1 $0xFFFFFF80  }
0x6d: {  	s8 =	smov.u32 s6;
	s9 =	smov.u32 s7;
	_ =	swait.ge @!p1 [sflag:s18], $0x80  }
0x6e: {  	p5 =	sle.u32 s5, $0x4;
	s24 =	simm.s32 @!p1 $0x8300;
	[sflag:s18] =	ssyncset.done @!p1 $0x0  }
0x6f: {  	s17 =	simm.s32 @!p1 $0x80;
	s14 =	simm.s32 @!p3 $0x2;
	[sflag:s18] =	ssyncadd.s32 @!p1 $0xFFFFFF80  }
0x70: {  	[tilespmem:s24], [sflag:$0x3] =	stream.indirect.gather @!p1 [hbm4b:s1+s17], $0x80, s16, s17, $0xb8;
	[tilespmem:$0x1FF00] =	vst v63  }
0x71: {  	s19 =	sadd.s32 @!p5 $0x0, s12;
	s28 =	simm.s32 @!p5 $0x200;
	_ =	swait.ge @!p3 [sflag:s14], $0x4000  }
0x72: {  	s20 =	sadd.s32 @!p5 $0x40, s19;
	s25 =	simm.s32 $0x3;
	[sflag:s14] =	ssyncset.done @!p3 $0x0  }
0x73: {  	s18 =	simm.s32 @!p3 $0x8;
	s16 =	simm.s32 @!p3 $0x200;
	[sflag:s14] =	ssyncadd.s32 @!p3 $0xFFFFC000  }
0x74: {  	[spmem:s2] =	stream.indirect.scatter.add.f32 @!p3 [tilespmem:s13], [sflag:$0x8], $0x80, s16, s4, $0xb8;
	[tilespmem:$0x1FF00] =	vst v63  }
0x75: {  	s0 =	simm.s32 $0x30;
	s14 =	simm.s32 @!p5 $0x0;
	_ =	swait.ge @!p3 [sflag:s18], $0x4000  }
0x76: {  	s13 =	simm.s32 $0x60;
	s4 =	sadd.s32 @!p5 $0x0, s11;
	[sflag:s18] =	ssyncset.done @!p3 $0x0  }
0x77: {  	s16 =	simm.s32 @!p5 $0x80;
	s4 =	sadd.s32 @!p5 $0x40, s4;
	[sflag:s18] =	ssyncadd.s32 @!p3 $0xFFFFC000  }
0x78: {  	[tilespmem:s16], [sflag:$0x5] =	stream.linear.gather @!p5 [hbm4b:s4+s14], $0x80, $0x38;
	[tilespmem:$0x1FF00] =	vst v63  }
0x79: {  	s18 =	simm.s32 @!p2 $0x4;
	s16 =	simm.s32 $0x5;
	s4 =	simm.s32 $0x7  }
.LBB2_4:
0x7a: {  	[tilespmem:s28], [sflag:$0x5] =	stream.linear.gather @!p5 [hbm4b:s20+s14], $0x80, $0x38;
	[tilespmem:$0x1FF00] =	vst v63  }
0x7b: {  	_ =	swait.ge @!p2 [sflag:s18], $0x80  }
0x7c: {  	[sflag:s18] =	ssyncset.done @!p2 $0x0  }
0x7d: {  	[sflag:s18] =	ssyncadd.s32 @!p2 $0xFFFFFF80  }
0x7e: {  	_ =	swait.ge @!p2 [sflag:s18], $0x80  }
0x7f: {  	s19 =	simm.s32 @!p1 $0x3;
	s20 =	simm.s32 @!p2 $0x300;
	[sflag:s18] =	ssyncset.done @!p2 $0x0  }
0x80: {  	p6 =	sge.u32 s16, s5;
	s16 =	simm.s32 @!p2 $0x80;
	[sflag:s18] =	ssyncadd.s32 @!p2 $0xFFFFFF80  }
0x81: {  	[tilespmem:s20], [sflag:$0x1] =	stream.indirect.gather @!p2 [hbm4b:s1+s16], $0x80, s15, s16, $0xb8;
	[tilespmem:$0x1FF00] =	vst v63  }
0x82: {  	_ =	swait.ge @!p1 [sflag:s19], $0x4000  }
0x83: {  	[sflag:s19] =	ssyncset.done @!p1 $0x0  }
0x84: {  	s16 =	simm.s32 @!p1 $0x7;
	[sflag:s19] =	ssyncadd.s32 @!p1 $0xFFFFC000  }
0x85: {  	[spmem:s2] =	stream.indirect.scatter.add.f32 @!p1 [tilespmem:s24], [sflag:$0x7], $0x80, s23, s17, $0xb8;
	[tilespmem:$0x1FF00] =	vst v63  }
0x86: {  	s15 =	sadd.s32 @!p6 s0, s12;
	s20 =	simm.s32 @!p6 $0x100;
	_ =	swait.ge @!p1 [sflag:s16], $0x4000  }
0x87: {  	s19 =	simm.s32 @!p6 $0x0;
	s17 =	sadd.s32 @!p6 s0, s11;
	[sflag:s16] =	ssyncset.done @!p1 $0x0  }
0x88: {  	s17 =	sadd.s32 @!p6 $0x20, s17;
	s30 =	rddreg [dreg:$0x4];
	[sflag:s16] =	ssyncadd.s32 @!p1 $0xFFFFC000  }
0x89: {  	[tilespmem:s20], [sflag:$0x6] =	stream.linear.gather @!p6 [hbm4b:s17+s19], $0x80, $0x38;
	[tilespmem:$0x1FF00] =	vst v63  }
0x8a: {  	s15 =	sadd.s32 @!p6 $0x20, s15;
	s23 =	simm.s32 @!p6 $0x280;
	p4 =	sge.u32 s25, s30  }
0x8b: {  	[tilespmem:s23], [sflag:$0x6] =	stream.linear.gather @!p6 [hbm4b:s15+s19], $0x80, $0x38;
	[tilespmem:$0x1FF00] =	vst v63  }
0x8c: {  	s15 =	simm.s32 @!p4 $0x5  }
0x8d: {  	_ =	swait.ge @!p4 [sflag:s15], $0x80  }
0x8e: {  	[sflag:s15] =	ssyncset.done @!p4 $0x0  }
0x8f: {  	[sflag:s15] =	ssyncadd.s32 @!p4 $0xFFFFFF80  }
0x90: {  	_ =	swait.ge @!p4 [sflag:s15], $0x80  }
0x91: {  	p5 =	sge.u32 s25, s5;
	s28 =	simm.s32 @!p4 $0x80;
	[sflag:s15] =	ssyncset.done @!p4 $0x0  }
0x92: {  	s29 =	simm.s32 @!p4 $0x4300;
	s19 =	simm.s32 @!p5 $0x1;
	[sflag:s15] =	ssyncadd.s32 @!p4 $0xFFFFFF80  }
0x93: {  	[tilespmem:s29], [sflag:$0x2] =	stream.indirect.gather @!p4 [hbm4b:s1+s28], $0x80, s28, s28, $0xb8;
	[tilespmem:$0x1FF00] =	vst v63  }
0x94: {  	s24 =	simm.s32 @!p5 $0x8;
	_ =	swait.ge @!p5 [sflag:s19], $0x4000  }
0x95: {  	s25 =	sadd.s32 $0x3, s25;
	s17 =	simm.s32 @!p5 $0x180;
	[sflag:s19] =	ssyncset.done @!p5 $0x0  }
0x96: {  	s15 =	simm.s32 @!p5 $0x300;
	[sflag:s19] =	ssyncadd.s32 @!p5 $0xFFFFC000;
	s19 =	simm.s32 @!p5 $0x80  }
0x97: {  	[spmem:s2] =	stream.indirect.scatter.add.f32 @!p5 [tilespmem:s15], [sflag:$0x8], $0x80, s17, s19, $0xb8;
	[tilespmem:$0x1FF00] =	vst v63  }
0x98: {  	p1 =	por p6, p6;
	p2 =	sge.u32 s25, s5;
	_ =	swait.ge @!p5 [sflag:s24], $0x4000  }
0x99: {  	s18 =	sadd.s32 @!p2 s0, s11;
	s30 =	sadd.s32 @!p2 s0, s12;
	[sflag:s24] =	ssyncset.done @!p5 $0x0  }
0x9a: {  	s3 =	sadd.s32 @!p2 $0x30, s18;
	s15 =	simm.s32 @!p2 $0x0;
	[sflag:s24] =	ssyncadd.s32 @!p5 $0xFFFFC000  }
0x9b: {  	[tilespmem:s15], [sflag:$0x4] =	stream.linear.gather @!p2 [hbm4b:s3+s15], $0x80, $0x38;
	[tilespmem:$0x1FF00] =	vst v63  }
0x9c: {  	s30 =	sadd.s32 @!p2 $0x30, s30;
	s19 =	simm.s32 @!p2 $0x180;
	s3 =	simm.s32 @!p1 $0x6  }
0x9d: {  	[tilespmem:s19], [sflag:$0x4] =	stream.linear.gather @!p2 [hbm4b:s30+s15], $0x80, $0x38;
	[tilespmem:$0x1FF00] =	vst v63  }
0x9e: {  	_ =	swait.ge @!p1 [sflag:s3], $0x80  }
0x9f: {  	[sflag:s3] =	ssyncset.done @!p1 $0x0  }
0xa0: {  	s14 =	smov.u32 s13;
	s13 =	sadd.s32 $0x30, s13;
	[sflag:s3] =	ssyncadd.s32 @!p1 $0xFFFFFF80  }
0xa1: {  	p3 =	sne.s32 s13, $0x930;
	_ =	swait.ge @!p1 [sflag:s3], $0x80  }
0xa2: {  	s16 =	sadd.s32 $0x2, s25;
	s17 =	simm.s32 @!p1 $0x80;
	[sflag:s3] =	ssyncset.done @!p1 $0x0  }
0xa3: {  	s24 =	simm.s32 @!p1 $0x8300;
	s30 =	simm.s32 @!p4 $0x2;
	[sflag:s3] =	ssyncadd.s32 @!p1 $0xFFFFFF80  }
0xa4: {  	[tilespmem:s24], [sflag:$0x3] =	stream.indirect.gather @!p1 [hbm4b:s1+s17], $0x80, s20, s17, $0xb8;
	[tilespmem:$0x1FF00] =	vst v63  }
0xa5: {  	s6 =	sadd.s32 $0x4, s25;
	s7 =	simm.s32 @!p4 $0x200;
	_ =	swait.ge @!p4 [sflag:s30], $0x4000  }
0xa6: {  	s18 =	simm.s32 @!p2 $0x4;
	p5 =	sge.u32 s4, s5;
	[sflag:s30] =	ssyncset.done @!p4 $0x0  }
0xa7: {  	s4 =	smov.u32 s6;
	s3 =	sadd.s32 @!p5 s0, s11;
	[sflag:s30] =	ssyncadd.s32 @!p4 $0xFFFFC000  }
0xa8: {  	[spmem:s2] =	stream.indirect.scatter.add.f32 @!p4 [tilespmem:s29], [sflag:$0x8], $0x80, s7, s28, $0xb8;
	[tilespmem:$0x1FF00] =	vst v63  }
.Ltmp1:
0xa9: {  	s6 =	simm.s32 @!p4 $0x8;
	s3 =	sadd.s32 @!p5 $0x40, s3;
	(pc) =	sbr.rel @p3 .LBB2_4-.Ltmp1, $4  }
0xaa: {  	s20 =	sadd.s32 @!p5 s0, s12;
	s0 =	smov.u32 s14;
	_ =	swait.ge @!p4 [sflag:s6], $0x4000  }
0xab: {  	s14 =	simm.s32 @!p5 $0x0;
	s20 =	sadd.s32 @!p5 $0x40, s20;
	[sflag:s6] =	ssyncset.done @!p4 $0x0  }
0xac: {  	s7 =	simm.s32 @!p5 $0x80;
	s28 =	simm.s32 @!p5 $0x200;
	[sflag:s6] =	ssyncadd.s32 @!p4 $0xFFFFC000  }
0xad: {  	[tilespmem:s7], [sflag:$0x5] =	stream.linear.gather @!p5 [hbm4b:s3+s14], $0x80, $0x38;
	[tilespmem:$0x1FF00] =	vst v63  }
0xae: {  	[tilespmem:s28], [sflag:$0x5] =	stream.linear.gather @!p5 [hbm4b:s20+s14], $0x80, $0x38;
	[tilespmem:$0x1FF00] =	vst v63  }
0xaf: {  	_ =	swait.ge @!p2 [sflag:s18], $0x80  }
0xb0: {  	[sflag:s18] =	ssyncset.done @!p2 $0x0  }
0xb1: {  	[sflag:s18] =	ssyncadd.s32 @!p2 $0xFFFFFF80  }
0xb2: {  	_ =	swait.ge @!p2 [sflag:s18], $0x80  }
0xb3: {  	s3 =	simm.s32 @!p2 $0x300;
	[sflag:s18] =	ssyncset.done @!p2 $0x0  }
0xb4: {  	s6 =	simm.s32 @!p2 $0x80;
	s7 =	simm.s32 @!p1 $0x3;
	[sflag:s18] =	ssyncadd.s32 @!p2 $0xFFFFFF80  }
0xb5: {  	[tilespmem:s3], [sflag:$0x1] =	stream.indirect.gather @!p2 [hbm4b:s1+s6], $0x80, s15, s6, $0xb8;
	[tilespmem:$0x1FF00] =	vst v63  }
0xb6: {  	_ =	swait.ge @!p1 [sflag:s7], $0x4000  }
0xb7: {  	[sflag:s7] =	ssyncset.done @!p1 $0x0  }
0xb8: {  	p4 =	sge.u32 s16, s5;
	[sflag:s7] =	ssyncadd.s32 @!p1 $0xFFFFC000;
	s7 =	simm.s32 @!p1 $0x7  }
0xb9: {  	[spmem:s2] =	stream.indirect.scatter.add.f32 @!p1 [tilespmem:s24], [sflag:$0x7], $0x80, s23, s17, $0xb8;
	[tilespmem:$0x1FF00] =	vst v63  }
0xba: {  	s13 =	sadd.s32 @!p4 s0, s12;
	s14 =	sadd.s32 @!p4 s0, s11;
	_ =	swait.ge @!p1 [sflag:s7], $0x4000  }
0xbb: {  	s16 =	simm.s32 @!p4 $0x0;
	s14 =	sadd.s32 @!p4 $0x20, s14;
	[sflag:s7] =	ssyncset.done @!p1 $0x0  }
0xbc: {  	s30 =	rddreg [dreg:$0x4];
	[sflag:s7] =	ssyncadd.s32 @!p1 $0xFFFFC000;
	s7 =	simm.s32 @!p4 $0x100  }
0xbd: {  	[tilespmem:s7], [sflag:$0x6] =	stream.linear.gather @!p4 [hbm4b:s14+s16], $0x80, $0x38;
	[tilespmem:$0x1FF00] =	vst v63  }
0xbe: {  	p1 =	sge.u32 s25, s30;
	s14 =	sadd.s32 @!p4 $0x20, s13;
	s13 =	simm.s32 @!p4 $0x280  }
0xbf: {  	[tilespmem:s13], [sflag:$0x6] =	stream.linear.gather @!p4 [hbm4b:s14+s16], $0x80, $0x38;
	[tilespmem:$0x1FF00] =	vst v63  }
0xc0: {  	s14 =	simm.s32 @!p1 $0x5  }
0xc1: {  	_ =	swait.ge @!p1 [sflag:s14], $0x80  }
0xc2: {  	[sflag:s14] =	ssyncset.done @!p1 $0x0  }
0xc3: {  	[sflag:s14] =	ssyncadd.s32 @!p1 $0xFFFFFF80  }
0xc4: {  	_ =	swait.ge @!p1 [sflag:s14], $0x80  }
0xc5: {  	s15 =	simm.s32 @!p1 $0x80;
	[sflag:s14] =	ssyncset.done @!p1 $0x0  }
0xc6: {  	s16 =	simm.s32 @!p1 $0x4300;
	[sflag:s14] =	ssyncadd.s32 @!p1 $0xFFFFFF80;
	s14 =	simm.s32 @!p2 $0x1  }
0xc7: {  	[tilespmem:s16], [sflag:$0x2] =	stream.indirect.gather @!p1 [hbm4b:s1+s15], $0x80, s15, s15, $0xb8;
	[tilespmem:$0x1FF00] =	vst v63  }
0xc8: {  	_ =	swait.ge @!p2 [sflag:s14], $0x4000  }
0xc9: {  	[sflag:s14] =	ssyncset.done @!p2 $0x0  }
0xca: {  	[sflag:s14] =	ssyncadd.s32 @!p2 $0xFFFFC000  }
0xcb: {  	[spmem:s2] =	stream.indirect.scatter.add.f32 @!p2 [tilespmem:s3], [sflag:$0x8], $0x80, s19, s6, $0xb8;
	[tilespmem:$0x1FF00] =	vst v63  }
0xcc: {  	s17 =	sadd.s32 $0x3, s25;
	s3 =	simm.s32 @!p2 $0x8  }
0xcd: {  	p3 =	sge.u32 s17, s5;
	_ =	swait.ge @!p2 [sflag:s3], $0x4000  }
0xce: {  	s14 =	sadd.s32 @!p3 s0, s12;
	s6 =	sadd.s32 @!p3 s0, s11;
	[sflag:s3] =	ssyncset.done @!p2 $0x0  }
0xcf: {  	s6 =	sadd.s32 @!p3 $0x30, s6;
	[sflag:s3] =	ssyncadd.s32 @!p2 $0xFFFFC000;
	s3 =	simm.s32 @!p3 $0x0  }
0xd0: {  	[tilespmem:s3], [sflag:$0x4] =	stream.linear.gather @!p3 [hbm4b:s6+s3], $0x80, $0x38;
	[tilespmem:$0x1FF00] =	vst v63  }
0xd1: {  	p2 =	por p4, p4;
	s6 =	sadd.s32 @!p3 $0x30, s14;
	s14 =	simm.s32 @!p3 $0x180  }
0xd2: {  	[tilespmem:s14], [sflag:$0x4] =	stream.linear.gather @!p3 [hbm4b:s6+s3], $0x80, $0x38;
	[tilespmem:$0x1FF00] =	vst v63  }
0xd3: {  	s6 =	simm.s32 @!p2 $0x6  }
0xd4: {  	_ =	swait.ge @!p2 [sflag:s6], $0x80  }
0xd5: {  	[sflag:s6] =	ssyncset.done @!p2 $0x0  }
0xd6: {  	[sflag:s6] =	ssyncadd.s32 @!p2 $0xFFFFFF80  }
0xd7: {  	_ =	swait.ge @!p2 [sflag:s6], $0x80  }
0xd8: {  	[sflag:s6] =	ssyncset.done @!p2 $0x0  }
0xd9: {  	s14 =	simm.s32 @!p2 $0x80;
	[sflag:s6] =	ssyncadd.s32 @!p2 $0xFFFFFF80;
	s6 =	simm.s32 @!p2 $0x8300  }
0xda: {  	[tilespmem:s6], [sflag:$0x3] =	stream.indirect.gather @!p2 [hbm4b:s1+s14], $0x80, s7, s14, $0xb8;
	[tilespmem:$0x1FF00] =	vst v63  }
0xdb: {  	s7 =	simm.s32 @!p1 $0x2  }
0xdc: {  	_ =	swait.ge @!p1 [sflag:s7], $0x4000  }
0xdd: {  	p4 =	sge.u32 s4, s5;
	[sflag:s7] =	ssyncset.done @!p1 $0x0  }
0xde: {  	s4 =	simm.s32 @!p1 $0x8;
	[sflag:s7] =	ssyncadd.s32 @!p1 $0xFFFFC000;
	s7 =	simm.s32 @!p1 $0x200  }
0xdf: {  	[spmem:s2] =	stream.indirect.scatter.add.f32 @!p1 [tilespmem:s16], [sflag:$0x8], $0x80, s7, s15, $0xb8;
	[tilespmem:$0x1FF00] =	vst v63  }
0xe0: {  	s7 =	sadd.s32 @!p4 s0, s11;
	_ =	swait.ge @!p1 [sflag:s4], $0x4000  }
0xe1: {  	s15 =	simm.s32 @!p4 $0x0;
	s0 =	sadd.s32 @!p4 s0, s12;
	[sflag:s4] =	ssyncset.done @!p1 $0x0  }
0xe2: {  	s7 =	sadd.s32 @!p4 $0x40, s7;
	[sflag:s4] =	ssyncadd.s32 @!p1 $0xFFFFC000;
	s4 =	simm.s32 @!p4 $0x80  }
0xe3: {  	[tilespmem:s4], [sflag:$0x5] =	stream.linear.gather @!p4 [hbm4b:s7+s15], $0x80, $0x38;
	[tilespmem:$0x1FF00] =	vst v63  }
0xe4: {  	s0 =	sadd.s32 @!p4 $0x40, s0;
	s4 =	simm.s32 @!p4 $0x200  }
0xe5: {  	[tilespmem:s4], [sflag:$0x5] =	stream.linear.gather @!p4 [hbm4b:s0+s15], $0x80, $0x38;
	[tilespmem:$0x1FF00] =	vst v63  }
0xe6: {  	s0 =	simm.s32 @!p3 $0x4  }
0xe7: {  	_ =	swait.ge @!p3 [sflag:s0], $0x80  }
0xe8: {  	[sflag:s0] =	ssyncset.done @!p3 $0x0  }
0xe9: {  	[sflag:s0] =	ssyncadd.s32 @!p3 $0xFFFFFF80  }
0xea: {  	_ =	swait.ge @!p3 [sflag:s0], $0x80  }
0xeb: {  	[sflag:s0] =	ssyncset.done @!p3 $0x0  }
0xec: {  	s4 =	simm.s32 @!p3 $0x300;
	[sflag:s0] =	ssyncadd.s32 @!p3 $0xFFFFFF80;
	s0 =	simm.s32 @!p3 $0x80  }
0xed: {  	[tilespmem:s4], [sflag:$0x1] =	stream.indirect.gather @!p3 [hbm4b:s1+s0], $0x80, s3, s0, $0xb8;
	[tilespmem:$0x1FF00] =	vst v63  }
0xee: {  	s0 =	simm.s32 @!p2 $0x3  }
0xef: {  	_ =	swait.ge @!p2 [sflag:s0], $0x4000  }
0xf0: {  	[sflag:s0] =	ssyncset.done @!p2 $0x0  }
0xf1: {  	[sflag:s0] =	ssyncadd.s32 @!p2 $0xFFFFC000;
	s0 =	simm.s32 @!p2 $0x7  }
0xf2: {  	[spmem:s2] =	stream.indirect.scatter.add.f32 @!p2 [tilespmem:s6], [sflag:$0x7], $0x80, s13, s14, $0xb8;
	[tilespmem:$0x1FF00] =	vst v63  }
0xf3: {  	_ =	swait.ge @!p2 [sflag:s0], $0x4000  }
0xf4: {  	[sflag:s0] =	ssyncset.done @!p2 $0x0  }
0xf5: {  	[sflag:s0] =	ssyncadd.s32 @!p2 $0xFFFFC000  }
0xf6: {  	[bflag:$0x0] =	sbarrier.arrive $0xFFFF  }
0xf7: {  	[tilespmem:s21], [sflag:$0x4] =	stream.linear.gather [spmem:s8], $0x4000, $0x38;
	[tilespmem:$0x1FF00] =	vst v63  }
0xf8: {  	_ =	swait.ge [sflag:s26], $0x4000  }
0xf9: {  	[sflag:s26] =	ssyncset.done $0x0  }
0xfa: {  	s18 =	simm.s32 $0x0;
	s19 =	rddreg [dreg:$0x9];
	[sflag:s26] =	ssyncadd.s32 $0xFFFFC000  }
0xfb: {  	[hbm4b:s19+s18] =	stream.linear.scatter [tilespmem:s21], [sflag:$0x1], $0x4000, $0x38;
	[tilespmem:$0x1FF00] =	vst v63  }
0xfc: {  	s20 =	simm.s32 $0x4300  }
0xfd: {  	[tilespmem:s20], [sflag:$0x4] =	stream.linear.gather [spmem:s9], $0x4000, $0x38;
	[tilespmem:$0x1FF00] =	vst v63  }
0xfe: {  	_ =	swait.ge [sflag:s26], $0x4000  }
0xff: {  	[sflag:s26] =	ssyncset.done $0x0  }
0x100: {  	s23 =	rddreg [dreg:$0xa];
	[sflag:s26] =	ssyncadd.s32 $0xFFFFC000  }
0x101: {  	[hbm4b:s23+s18] =	stream.linear.scatter [tilespmem:s20], [sflag:$0x2], $0x4000, $0x38;
	[tilespmem:$0x1FF00] =	vst v63  }
0x102: {  	s24 =	simm.s32 $0x8300  }
0x103: {  	[tilespmem:s24], [sflag:$0x4] =	stream.linear.gather [spmem:s10], $0x4000, $0x38;
	[tilespmem:$0x1FF00] =	vst v63  }
0x104: {  	_ =	swait.ge [sflag:s26], $0x4000  }
0x105: {  	[sflag:s26] =	ssyncset.done $0x0  }
0x106: {  	s25 =	rddreg [dreg:$0xb];
	[sflag:s26] =	ssyncadd.s32 $0xFFFFC000  }
0x107: {  	[hbm4b:s25+s18] =	stream.linear.scatter [tilespmem:s24], [sflag:$0x3], $0x4000, $0x38;
	[tilespmem:$0x1FF00] =	vst v63  }
0x108: {  	_ =	swait.ge [sflag:s22], $0x4000  }
0x109: {  	[sflag:s22] =	ssyncset.done $0x0  }
0x10a: {  	s24 =	rddreg [dreg:$0x5];
	[sflag:s22] =	ssyncadd.s32 $0xFFFFC000  }
0x10b: {  	[tilespmem:s21], [sflag:$0x4] =	stream.linear.gather [spmem:s24], $0x4000, $0x38;
	[tilespmem:$0x1FF00] =	vst v63  }
0x10c: {  	_ =	swait.ge [sflag:s26], $0x4000  }
0x10d: {  	[sflag:s26] =	ssyncset.done $0x0  }
0x10e: {  	s29 =	simm.s32 $0x2;
	s28 =	rddreg [dreg:$0xc];
	[sflag:s26] =	ssyncadd.s32 $0xFFFFC000  }
0x10f: {  	[hbm4b:s28+s18] =	stream.linear.scatter [tilespmem:s21], [sflag:$0x1], $0x4000, $0x38;
	[tilespmem:$0x1FF00] =	vst v63  }
0x110: {  	_ =	swait.ge [sflag:s29], $0x4000  }
0x111: {  	s3 =	simm.s32 @!p0 $0x4;
	[sflag:s29] =	ssyncset.done $0x0  }
0x112: {  	s0 =	simm.s32 @!p0 $0x4300;
	s25 =	rddreg [dreg:$0x6];
	[sflag:s29] =	ssyncadd.s32 $0xFFFFC000  }
0x113: {  	[tilespmem:s0], [sflag:$0x4] =	stream.linear.gather @!p0 [spmem:s25], $0x4000, $0x38;
	[tilespmem:$0x1FF00] =	vst v63  }
0x114: {  	_ =	swait.ge @!p0 [sflag:s3], $0x4000  }
0x115: {  	[sflag:s3] =	ssyncset.done @!p0 $0x0  }
0x116: {  	s4 =	rddreg [dreg:$0xd];
	[sflag:s3] =	ssyncadd.s32 @!p0 $0xFFFFC000;
	s3 =	simm.s32 @!p0 $0x0  }
0x117: {  	[hbm4b:s4+s3] =	stream.linear.scatter @!p0 [tilespmem:s0], [sflag:$0x2], $0x4000, $0x38;
	[tilespmem:$0x1FF00] =	vst v63  }
0x118: {  	s0 =	simm.s32 @!p0 $0x3  }
0x119: {  	_ =	swait.ge @!p0 [sflag:s0], $0x4000  }
0x11a: {  	s3 =	simm.s32 @!p0 $0x1;
	[sflag:s0] =	ssyncset.done @!p0 $0x0  }
0x11b: {  	s3 =	simm.s32 @p0 $0x3;
	[sflag:s0] =	ssyncadd.s32 @!p0 $0xFFFFC000  }
0x11c: {  	_ =	swait.ge [sflag:s3], $0x4000  }
0x11d: {  	s0 =	simm.s32 @!p0 $0x2;
	[sflag:s3] =	ssyncset.done $0x0  }
0x11e: {  	s0 =	simm.s32 @p0 $0x1;
	[sflag:s3] =	ssyncadd.s32 $0xFFFFC000  }
0x11f: {  	_ =	swait.ge [sflag:s0], $0x4000  }
0x120: {  	s31 =	sadd.s32 $0x1, s31;
	s30 =	rddreg [dreg:$0xe]  }
0x121: {  	p1 =	sne.s32 s31, s30  }
.Ltmp2:
0x122: {  	_ = 	snop;
	(pc) =	sbr.rel @p1 .LBB2_1-.Ltmp2, $3  }
0x123: {  	_ =	sdelay $0x1  }
0x124: {  	s7 =	smov.u32 s9;
	[sflag:s0] =	ssyncset.done $0x0  }
0x125: {  	s6 =	smov.u32 s8;
	s23 =	smov.u32 s10;
	[sflag:s0] =	ssyncadd.s32 $0xFFFFC000  }
0x126: {  	_ =	sfence.sel $0x180000  }
0x127: {  	[bflag:$0x0] =	sbarrier.arrive $0xFFFF  }
0x128: {  	_ =	strace $0x9000004A  }
0x129: {  	s0 =	stileid.u32;
	[bflag:$0x2] =	sbarrier.arrive $0xFFFF  }
0x12a: {  	p0 =	sne.s32 s0, $0x0;
	s0 =	rddreg [dreg:$0x3]  }
0x12b: {  	s0 =	sadd.s32 @!p0 $0x100000, s0  }
0x12c: {  	[sflag:s0] =	ssyncadd.tile.s32 @!p0 $0x1;
	_ =	shalt  }
.Lfunc_end2:
_tile_overlayer_lowered:
.L_overlay_start_2:
0x12d: {  	(tag) =	ssettag $0x2  }
0x12e: {  	s0 =	rddreg [dreg:$0x0];
	s2 =	stileid.u32  }
0x12f: {  	s1 =	rddreg [dreg:$0x1];
	p0 =	sne.s32 s2, $0x0  }
0x130: {  	s3 =	rddreg [dreg:$0x2];
	[bflag:$0x3] =	sbarrier.arrive $0xFFFF;
	s2 =	simm.s32 @!p0 $0x1C07  }
0x131: {  	[timem:s3], [sflag:s2] =	dma.local @!p0 [hbm:s0], s1  }
0x132: {  	s0 =	simm.s32 @!p0 $0x7  }
0x133: {  	_ =	swait.ge @!p0 [sflag:s0], s1  }
0x134: {  	s1 =	ssub.s32 @!p0 $0x0, s1;
	[sflag:s0] =	ssyncset.done @!p0 $0x0  }
0x135: {  	[sflag:s0] =	ssyncadd.s32 @!p0 s1  }
0x136: {  	[bflag:$0x3] =	sbarrier.arrive $0xFFFF  }
0x137: {  	_ =	shalt  }

// kernel: kernel.14.cloned.1.call-start
scs
__scs_entry_jumppad:
0x0: {  	(pc) =	sbr.rel $0x88, $3  }
0x1: {  	(tag) =	ssettag $0x0;
	lr =	simm.s32 $0x1  }
0x2: {  	[smem:$0x3F9B] =	sst lr;
	_ =	strace $0xD0000000  }
0x3: {  	_ = 	snop  }
0x4: {  	_ = 	snop  }
0x5: {  	_ = 	snop  }
0x6: {  	_ = 	snop  }
0x7: {  	_ = 	snop  }
__scs_overlays_trampoline_lowered:
0x8: {  	[smem:$0x3FAA] =	sst s0  }
0x9: {  	[smem:$0x3FAB] =	sst s1  }
0xa: {  	[smem:$0x3FAC] =	sst s2  }
0xb: {  	[smem:$0x3FAD] =	sst s3  }
0xc: {  	[smem:$0x3FAE] =	sst s4  }
0xd: {  	[smem:$0x3FAF] =	sst s5  }
0xe: {  	[smem:$0x3FB0] =	sst s6  }
0xf: {  	[smem:$0x3FB1] =	sst s7  }
0x10: {  	[smem:$0x3FB2] =	sst s8  }
0x11: {  	[smem:$0x3FB3] =	sst s9;
	s0 =	simm.s32 @!p0 $0x0  }
0x12: {  	s1 =	sld [smem:$0x3F99];
	s0 =	simm.s32 @p0 $0x1  }
0x13: {  	[smem:$0x3FB4] =	sst s0;
	s0 =	simm.s32 @!p1 $0x0  }
0x14: {  	s2 =	sld [smem:$0x3F98];
	s0 =	simm.s32 @p1 $0x1  }
0x15: {  	[smem:$0x3FB5] =	sst s0;
	s0 =	simm.s32 @!p2 $0x0  }
0x16: {  	s3 =	sld [smem:$0x3FDB];
	s0 =	simm.s32 @p2 $0x1  }
0x17: {  	s4 =	simm.s32 $0x1BF5;
	[smem:$0x3FB7] =	sst s0  }
0x18: {  	s0 =	sld [smem:$0x3F9A];
	_ =	swait.ge [sflag:s4], $0x0  }
0x19: {  	s7 =	sld [smem:$0x3F9B]  }
0x1a: {  	s8 =	sadd.s32 $0xFFFFE003, lr  }
0x1b: {  	s9 =	sadd.s32 $0xFFFFFEF7, lr;
	s5 =	simm.s32 $0xFFFFFFFF;
	p2 =	slt.u32 s8, $0xFFFFF086  }
0x1c: {  	p1 =	slt.u32 s9, $0xF7A;
	s5 =	simm.s32 @!p2 $0x0  }
0x1d: {  	s5 =	simm.s32 @p1 $0x1;
	p0 =	seq.s32 s7, s2  }
0x1e: {  	s7 =	smul.u32 @!p0 $0xF7A, s2;
	p2 =	seq.s32 @!p0 s5, $0x0  }
0x1f: {  	s9 =	smul.u32 $0xF7A, s1;
	s8 =	simm.s32 @!p0 $0x1BF5;
	p2 =	por !p2, p0  }
0x20: {  	[sflag:s8] =	ssyncset.s32 @!p0 $0xFFFFF086;
	s6 =	sadd.s32 @!p0 s3, s7;
	s7 =	simm.s32 @!p0 $0x108  }
0x21: {  	s3 =	sadd.s32 s3, s9;
	s6 =	sadd.s32 @!p0 $0x88, s6;
	s7 =	simm.s32 @p2 $0x1082  }
0x22: {  	[simem:s7], [sflag:s8] =	dma.local @!p0 [hbm:s6], $0xF7A  }
0x23: {  	s9 =	sor.u32 $0xD0000000, s2;
	s6 =	simm.s32 $0x108;
	_ =	swait.ge @!p0 [sflag:s8], $0x0  }
0x24: {  	s3 =	sadd.s32 $0x88, s3;
	s6 =	simm.s32 @!p1 $0x1082;
	[sflag:s4] =	ssyncset.s32 $0xFFFFF086  }
0x25: {  	[simem:s6], [sflag:s4] =	dma.local [hbm:s3], $0xF7A  }
0x26: {  	[smem:$0x3F9B] =	sst s1;
	(tag) =	ssettag s2;
	_ =	strace s9  }
0x27: {  	s1 =	sld [smem:$0x3FAB]  }
0x28: {  	s2 =	sld [smem:$0x3FAC]  }
0x29: {  	s4 =	sld [smem:$0x3FAE]  }
0x2a: {  	p0 =	seq.s32 s5, $0x0;
	s5 =	sld [smem:$0x3FAF]  }
0x2b: {  	s6 =	sld [smem:$0x3FB0]  }
0x2c: {  	s7 =	sld [smem:$0x3FB1]  }
0x2d: {  	s3 =	simm.s32 $0x108;
	s8 =	sld [smem:$0x3FB2]  }
0x2e: {  	s3 =	simm.s32 @!p0 $0x1082;
	s9 =	sld [smem:$0x3FB3]  }
0x2f: {  	lr =	sadd.s32 s0, s3;
	s0 =	sld [smem:$0x3FAA]  }
0x30: {  	s3 =	sld [smem:$0x3FAD]  }
0x31: {  	[smem:$0x3FB6] =	sst s10  }
0x32: {  	s10 =	sld [smem:$0x3FB4];
	_ =	sdelay $0x3  }
0x33: {  	p0 =	seq.s32 s10, $0x1;
	s10 =	sld [smem:$0x3FB6];
	_ =	sdelay $0x3  }
0x34: {  	[smem:$0x3FB6] =	sst s10  }
0x35: {  	s10 =	sld [smem:$0x3FB5];
	_ =	sdelay $0x3  }
0x36: {  	p1 =	seq.s32 s10, $0x1;
	s10 =	sld [smem:$0x3FB6];
	_ =	sdelay $0x3  }
0x37: {  	[smem:$0x3FB6] =	sst s10  }
0x38: {  	s10 =	sld [smem:$0x3FB7]  }
0x39: {  	_ = 	snop;
	(pc) =	sbr.ind lr, $3  }
0x3a: {  	_ = 	snop  }
0x3b: {  	_ = 	snop  }
0x3c: {  	p2 =	seq.s32 s10, $0x1;
	s10 =	sld [smem:$0x3FB6]  }
0x3d: {  	_ =	shalt  }
0x3e: {  	_ =	shalt  }
0x3f: {  	_ =	shalt  }
0x40: {  	_ =	shalt  }
0x41: {  	_ =	shalt  }
0x42: {  	_ =	shalt  }
0x43: {  	_ =	shalt  }
0x44: {  	_ =	shalt  }
0x45: {  	_ =	shalt  }
0x46: {  	_ =	shalt  }
0x47: {  	_ =	shalt  }
0x48: {  	_ =	shalt  }
0x49: {  	_ =	shalt  }
0x4a: {  	_ =	shalt  }
0x4b: {  	_ =	shalt  }
0x4c: {  	_ =	shalt  }
0x4d: {  	_ =	shalt  }
0x4e: {  	_ =	shalt  }
0x4f: {  	_ =	shalt  }
0x50: {  	_ =	shalt  }
0x51: {  	_ =	shalt  }
0x52: {  	_ =	shalt  }
0x53: {  	_ =	shalt  }
0x54: {  	_ =	shalt  }
0x55: {  	_ =	shalt  }
0x56: {  	_ =	shalt  }
0x57: {  	_ =	shalt  }
0x58: {  	_ =	shalt  }
0x59: {  	_ =	shalt  }
0x5a: {  	_ =	shalt  }
0x5b: {  	_ =	shalt  }
0x5c: {  	_ =	shalt  }
0x5d: {  	_ =	shalt  }
0x5e: {  	_ =	shalt  }
0x5f: {  	_ =	shalt  }
0x60: {  	_ =	shalt  }
0x61: {  	_ =	shalt  }
0x62: {  	_ =	shalt  }
0x63: {  	_ =	shalt  }
0x64: {  	_ =	shalt  }
0x65: {  	_ =	shalt  }
0x66: {  	_ =	shalt  }
0x67: {  	_ =	shalt  }
0x68: {  	_ =	shalt  }
0x69: {  	_ =	shalt  }
0x6a: {  	_ =	shalt  }
0x6b: {  	_ =	shalt  }
0x6c: {  	_ =	shalt  }
0x6d: {  	_ =	shalt  }
0x6e: {  	_ =	shalt  }
0x6f: {  	_ =	shalt  }
0x70: {  	_ =	shalt  }
0x71: {  	_ =	shalt  }
0x72: {  	_ =	shalt  }
0x73: {  	_ =	shalt  }
0x74: {  	_ =	shalt  }
0x75: {  	_ =	shalt  }
0x76: {  	_ =	shalt  }
0x77: {  	_ =	shalt  }
0x78: {  	_ =	shalt  }
0x79: {  	_ =	shalt  }
0x7a: {  	_ =	shalt  }
0x7b: {  	_ =	shalt  }
0x7c: {  	_ =	shalt  }
0x7d: {  	_ =	shalt  }
0x7e: {  	_ =	shalt  }
0x7f: {  	_ =	shalt  }
0x80: {  	_ =	shalt  }
0x81: {  	_ =	shalt  }
0x82: {  	_ =	shalt  }
0x83: {  	_ =	shalt  }
0x84: {  	_ =	shalt  }
0x85: {  	_ =	shalt  }
0x86: {  	_ =	shalt  }
0x87: {  	_ =	shalt  }
.Lfunc_end0:
.L_simem_size_0:
called_computation.2_lowered:
.L_overlay_start_0:
0x88: {  	s2 =	sld [smem:$0x3FD9]  }
0x89: {  	s3 =	sld [smem:$0x3FFE];
	_ =	sdelay $0x1  }
0x8a: {  	s1 =	srdreg.scid  }
0x8b: {  	s0 =	sand.u32 $0x1, s1  }
0x8c: {  	s17 =	sshll.u32 s0, $0xA;
	s2 =	sadd.s32 s3, s2  }
0x8d: {  	s2 =	sadd.s32 s2, s17  }
0x8e: {  	[smem:$0x3FC2] =	sst s2  }
0x8f: {  	_ = 	snop  }
0x90: {  	s2 =	sld [smem:$0x3FD0];
	(tm) =	ssettm $0x1  }
0x91: {  	s18 =	sld [smem:$0x3FFB];
	_ =	sdelay $0x3  }
0x92: {  	_ =	strace s18  }
0x93: {  	s3 =	sld [smem:$0x3FFC];
	_ =	sdelay $0x3  }
0x94: {  	_ =	strace s3  }
0x95: {  	s3 =	sld [smem:$0x3FFD];
	_ =	sdelay $0x3  }
0x96: {  	_ =	strace s3  }
0x97: {  	_ =	strace $0x8FFFFFFF  }
0x98: {  	s19 =	sld [smem:$0x3FDB];
	_ =	sdelay $0x1  }
0x99: {  	s4 =	simm.s32 $_scs_section_size  }
0x9a: {  	s5 =	simm.s32 $_size__tile_overlayer_lowered;
	s6 =	simm.s32 $_tile_overlayer_lowered  }
0x9b: {  	s22 =	simm.s32 $0x1BFF;
	s21 =	sshll.u32 s6, $0x1;
	s3 =	sadd.s32 s4, s19  }
0x9c: {  	s7 =	simm.s32 $0x0;
	s20 =	sshll.u32 s5, $0x1;
	s5 =	sadd.s32 s21, s3  }
0x9d: {  	[timem:s7], [sflag:s22] =	dma.local [hbm:s5], s20  }
0x9e: {  	_ =	swait.ge [sflag:s22], s20  }
0x9f: {  	s4 =	ssub.s32 $0x0, s20;
	[sflag:s22] =	ssyncset.done $0x0  }
0xa0: {  	[sflag:s22] =	ssyncadd.s32 s4;
	_ =	sdelay $0x1  }
0xa1: {  	s23 =	simm.s32 $0x1B8B  }
0xa2: {  	_ =	swait.ge [sflag:s23], $0x1  }
0xa3: {  	[sflag:s23] =	ssyncset.done $0x0  }
0xa4: {  	s25 =	simm.s32 $0x1B8E;
	s24 =	sld [smem:$0x3FFE];
	[sflag:s23] =	ssyncadd.s32 $0xFFFFFFFF  }
0xa5: {  	s26 =	simm.s32 $execute0_lowered;
	[smem:$0x3FD2] =	sst s25  }
0xa6: {  	s5 =	sshll.u32 s26, $0x1;
	_ =	strace $0x8000004C;
	[dreg:$0x1] =	wrdreg $0xFFFFFFFF  }
0xa7: {  	s28 =	simm.s32 $_size_execute0_lowered;
	s3 =	sadd.s32 s3, s5;
	[dreg:$0x0] =	wrdreg $0x0  }
0xa8: {  	s5 =	sshll.u32 s28, $0x1;
	[dreg:$0x2] =	wrdreg s3  }
0xa9: {  	[dreg:$0x3] =	wrdreg s5  }
0xaa: {  	[dreg:$0x4] =	wrdreg $0xC0  }
0xab: {  	_ =	task [dreg:s7], $0x5FFFF  }
0xac: {  	[dreg:$0x1] =	wrdreg $0xFFFFFFFF  }
0xad: {  	[dreg:$0x0] =	wrdreg $0x60  }
0xae: {  	[dreg:$0x2] =	wrdreg s2  }
0xaf: {  	[dreg:$0x3] =	wrdreg s24  }
0xb0: {  	[dreg:$0x4] =	wrdreg $0xC3000  }
0xb1: {  	[dreg:$0x5] =	wrdreg $0x9  }
0xb2: {  	_ =	task.clear_ibuf [dreg:s7], $0x6FFFF;
	_ =	strace $0x9000004C  }
0xb3: {  	s29 =	simm.s32 $0x9;
	_ =	strace $0x8000004E  }
0xb4: {  	_ =	swait.ge [sflag:s29], $0x1  }
0xb5: {  	[sflag:s29] =	ssyncadd.s32 $0xFFFFFFFF  }
0xb6: {  	_ =	strace $0x9000004E  }
0xb7: {  	_ =	sfence  }
0xb8: {  	s30 =	sld [smem:$0x0];
	_ =	sdelay $0x2  }
0xb9: {  	s31 =	sshll.u32 s1, $0xD;
	s1 =	sshrl.u32 s1, $0x2  }
0xba: {  	s3 =	sand.u32 $0x4000, s31;
	s1 =	sadd.s32 s1, s30  }
0xbb: {  	s0 =	sor.u32 s3, s0;
	s1 =	sshll.u32 s1, $0x11  }
0xbc: {  	s0 =	sor.u32 s1, s0  }
0xbd: {  	s0 =	sadd.s32 $0x8F2B, s0  }
0xbe: {  	[sflag:s0] =	ssyncadd.remote.s32 $0x1  }
0xbf: {  	_ =	sfence.sel $0xFFFF  }
0xc0: {  	[dreg:$0x0] =	wrdreg $0xFFFFFFFF;
	(pc) =	sbr.abs _section_cstart, $3  }
0xc1: {  	[dreg:$0x1] =	wrdreg $0xFFFFFFFF  }
0xc2: {  	_ =	task.clear_ibuf [dreg:s7], $0x2FFFF;
	_ =	strace $0x9FFFFFFF  }
0xc3: {  	(tm) =	ssettm $0x7FFFFFFF  }
tec
execute0_lowered:
.L_overlay_start_1:
0x0: {  	(tag) =	ssettag $0x1  }
0x1: {  	s1 =	rddreg [dreg:$0x0]  }
0x2: {  	s0 =	rddreg [dreg:$0x1]  }
0x3: {  	s2 =	rddreg [dreg:$0x2]  }
0x4: {  	s3 =	simm.s32 $0x0;
	s4 =	srdreg.scid;
	s31 =	simm.s32 $0x0  }
0x5: {  	[smem:$0x7FF] =	sst s3;
	s4 =	sand.u32 $0x1, s4;
	s13 =	sadd.s32 $0xCE00, s0  }
0x6: {  	s3 =	stileid.u32;
	s14 =	sadd.s32 $0x3000, s0;
	s0 =	sadd.s32 $0x3DE00, s0  }
0x7: {  	_ =	strace $0x8000004D;
	s5 =	ssub.s32 $0x2, s4;
	s7 =	smul.u32 $0xC, s3  }
0x8: {  	p0 =	seq.s32 s4, $0x0;
	s16 =	sshll.u32 s3, $0xE;
	s4 =	smul.u32 $0x13C000, s4  }
0x9: {  	s6 =	sshrl.u32 s5, $0x1;
	s17 =	sor.u32 $0x40000, s16;
	s18 =	sor.u32 $0x80000, s16  }
0xa: {  	s19 =	sor.u32 $0xC0000, s16;
	s20 =	sor.u32 $0x100000, s16;
	s15 =	ssub.s32 s5, s6  }
0xb: {  	s6 =	smul.u32 $0x92, s3;
	s5 =	simm.s32 $0x92;
	s10 =	sadd.s32 $0x920, s7  }
0xc: {  	s7 =	sadd.s32 s17, s2;
	s23 =	sadd.s32 s18, s2;
	s24 =	sadd.s32 s19, s2  }
0xd: {  	s25 =	sadd.s32 s20, s2;
	s9 =	sadd.s32 s4, s17;
	s22 =	sadd.s32 s4, s18  }
0xe: {  	s26 =	sadd.s32 s4, s19;
	[dreg:$0x5] =	wrdreg s24;
	s10 =	smov.u32 @p0 s6  }
0xf: {  	s5 =	simm.s32 @!p0 $0xC;
	[dreg:$0x6] =	wrdreg s25;
	s12 =	sshll.u32 s10, $0x4  }
0x10: {  	s6 =	sadd.s32 s16, s2;
	s10 =	sadd.s32 $0xFFFFFFFF, s5;
	s21 =	sor.u32 $0x10, s12  }
0x11: {  	p0 =	seq.s32 s3, $0xF;
	[dreg:$0x4] =	wrdreg s10;
	s8 =	sadd.s32 s13, s21  }
0x12: {  	s11 =	sadd.s32 s13, s12;
	s30 =	sadd.s32 s14, s21;
	[dreg:$0x7] =	wrdreg s8  }
0x13: {  	s12 =	sadd.s32 s14, s12;
	s14 =	sshrl.u32 s9, $0x3;
	[dreg:$0x8] =	wrdreg s30  }
0x14: {  	s8 =	sadd.s32 s4, s16;
	s21 =	sadd.s32 s0, s14;
	s4 =	sadd.s32 s4, s20  }
0x15: {  	s14 =	sshrl.u32 s26, $0x3;
	s30 =	smax.u32 s15, $0x1;
	[dreg:$0xa] =	wrdreg s21  }
0x16: {  	s13 =	sshrl.u32 s8, $0x3;
	s29 =	sadd.s32 s0, s14;
	[dreg:$0xe] =	wrdreg s30  }
0x17: {  	s17 =	sadd.s32 s0, s13;
	s13 =	sshrl.u32 s22, $0x3;
	[dreg:$0xc] =	wrdreg s29  }
0x18: {  	s4 =	sshrl.u32 s4, $0x3;
	[dreg:$0x9] =	wrdreg s17;
	s28 =	sadd.s32 s0, s13  }
0x19: {  	s26 =	simm.s32 $0x4;
	s0 =	sadd.s32 s0, s4;
	[dreg:$0xb] =	wrdreg s28  }
0x1a: {  	v0 =	vimm.f32 $0.0e+00;
	s21 =	simm.s32 $0x300;
	s22 =	simm.s32 $0x1;
	[dreg:$0xd] =	wrdreg s0  }
.LBB2_1:
0x1b: {  	s0 =	simm.s32 $0x0;
	s4 =	simm.s32 $0x200  }
.LBB2_2:
0x1c: {  	p1 =	sne.s32 s4, $0xFE00;
	[tilespmem:s0+$0x370] =	vst v0  }
0x1d: {  	[tilespmem:s0+$0x300] =	vst v0  }
0x1e: {  	[tilespmem:s0+$0x310] =	vst v0  }
.Ltmp0:
0x1f: {  	[tilespmem:s0+$0x320] =	vst v0;
	(pc) =	sbr.rel @p1 .LBB2_2-.Ltmp0, $4  }
0x20: {  	[tilespmem:s0+$0x330] =	vst v0  }
0x21: {  	[tilespmem:s0+$0x340] =	vst v0  }
0x22: {  	[tilespmem:s0+$0x350] =	vst v0  }
0x23: {  	[tilespmem:s0+$0x360] =	vst v0;
	s0 =	sshra.s32 s4, $0x2;
	s4 =	sadd.s32 $0x200, s4  }
0x24: {  	[tilespmem:s0+$0x370] =	vst v0  }
0x25: {  	[tilespmem:s0+$0x300] =	vst v0  }
0x26: {  	[tilespmem:s0+$0x310] =	vst v0  }
0x27: {  	[tilespmem:s0+$0x320] =	vst v0  }
0x28: {  	[tilespmem:s0+$0x330] =	vst v0  }
0x29: {  	[tilespmem:s0+$0x340] =	vst v0  }
0x2a: {  	[tilespmem:s0+$0x350] =	vst v0  }
0x2b: {  	[tilespmem:s0+$0x360] =	vst v0  }
0x2c: {  	[spmem:s6] =	stream.linear.scatter [tilespmem:s21], [sflag:$0x1], $0x4000, $0x38;
	[tilespmem:$0x1FF00] =	vst v63  }
0x2d: {  	_ = 	snop  }
0x2e: {  	[spmem:s7] =	stream.linear.scatter [tilespmem:s21], [sflag:$0x1], $0x4000, $0x38;
	[tilespmem:$0x1FF00] =	vst v63  }
0x2f: {  	_ = 	snop  }
0x30: {  	[spmem:s23] =	stream.linear.scatter [tilespmem:s21], [sflag:$0x1], $0x4000, $0x38;
	[tilespmem:$0x1FF00] =	vst v63  }
0x31: {  	_ = 	snop  }
0x32: {  	[spmem:s24] =	stream.linear.scatter [tilespmem:s21], [sflag:$0x1], $0x4000, $0x38;
	[tilespmem:$0x1FF00] =	vst v63  }
0x33: {  	s0 =	simm.s32 @!p0 $0x300  }
0x34: {  	[spmem:s25] =	stream.linear.scatter @!p0 [tilespmem:s0], [sflag:$0x1], $0x4000, $0x38;
	[tilespmem:$0x1FF00] =	vst v63  }
0x35: {  	_ =	swait.ge [sflag:s22], $0x4000  }
0x36: {  	[sflag:s22] =	ssyncset.done $0x0  }
0x37: {  	[sflag:s22] =	ssyncadd.s32 $0xFFFFC000  }
0x38: {  	_ =	swait.ge [sflag:s22], $0x4000  }
0x39: {  	[sflag:s22] =	ssyncset.done $0x0  }
0x3a: {  	[sflag:s22] =	ssyncadd.s32 $0xFFFFC000  }
0x3b: {  	_ =	swait.ge [sflag:s22], $0x4000  }
0x3c: {  	[sflag:s22] =	ssyncset.done $0x0  }
0x3d: {  	[sflag:s22] =	ssyncadd.s32 $0xFFFFC000  }
0x3e: {  	_ =	swait.ge [sflag:s22], $0x4000  }
0x3f: {  	[sflag:s22] =	ssyncset.done $0x0  }
0x40: {  	s0 =	simm.s32 @!p0 $0x1;
	[sflag:s22] =	ssyncadd.s32 $0xFFFFC000  }
0x41: {  	_ =	swait.ge @!p0 [sflag:s0], $0x4000  }
0x42: {  	[sflag:s0] =	ssyncset.done @!p0 $0x0  }
0x43: {  	[sflag:s0] =	ssyncadd.s32 @!p0 $0xFFFFC000  }
0x44: {  	s24 =	simm.s32 $0x0;
	[bflag:$0x0] =	sbarrier.arrive $0xFFFF  }
0x45: {  	[tilespmem:s24], [sflag:$0x4] =	stream.linear.gather [hbm4b:s11+s24], $0x80, $0x38;
	[tilespmem:$0x1FF00] =	vst v63  }
0x46: {  	s3 =	simm.s32 $0x180  }
0x47: {  	[tilespmem:s3], [sflag:$0x4] =	stream.linear.gather [hbm4b:s12+s24], $0x80, $0x38;
	[tilespmem:$0x1FF00] =	vst v63  }
0x48: {  	s4 =	simm.s32 $0x80;
	s25 =	rddreg [dreg:$0x7]  }
0x49: {  	[tilespmem:s4], [sflag:$0x5] =	stream.linear.gather [hbm4b:s25+s24], $0x80, $0x38;
	[tilespmem:$0x1FF00] =	vst v63  }
0x4a: {  	s30 =	simm.s32 $0x200;
	s29 =	rddreg [dreg:$0x8]  }
0x4b: {  	[tilespmem:s30], [sflag:$0x5] =	stream.linear.gather [hbm4b:s29+s24], $0x80, $0x38;
	[tilespmem:$0x1FF00] =	vst v63  }
0x4c: {  	_ =	swait.ge [sflag:s26], $0x80  }
0x4d: {  	[sflag:s26] =	ssyncset.done $0x0  }
0x4e: {  	[sflag:s26] =	ssyncadd.s32 $0xFFFFFF80  }
0x4f: {  	_ =	swait.ge [sflag:s26], $0x80  }
0x50: {  	[sflag:s26] =	ssyncset.done $0x0  }
0x51: {  	s10 =	smov.u32 s23;
	p1 =	sle.u32 s5, $0x2;
	[sflag:s26] =	ssyncadd.s32 $0xFFFFFF80  }
0x52: {  	[tilespmem:s21], [sflag:$0x1] =	stream.indirect.gather [hbm4b:s1+s4], $0x80, s24, s4, $0xb8;
	[tilespmem:$0x1FF00] =	vst v63  }
0x53: {  	s14 =	simm.s32 @!p1 $0x0;
	s16 =	simm.s32 @!p1 $0x100;
	s4 =	sadd.s32 @!p1 $0x0, s11  }
0x54: {  	s0 =	sadd.s32 @!p1 $0x0, s12;
	s13 =	rddreg [dreg:$0x4];
	s4 =	sadd.s32 @!p1 $0x20, s4  }
0x55: {  	[tilespmem:s16], [sflag:$0x6] =	stream.linear.gather @!p1 [hbm4b:s4+s14], $0x80, $0x38;
	[tilespmem:$0x1FF00] =	vst v63  }
0x56: {  	s23 =	simm.s32 @!p1 $0x280;
	s0 =	sadd.s32 @!p1 $0x20, s0;
	p3 =	sle.u32 s13, $0x0  }
0x57: {  	[tilespmem:s23], [sflag:$0x6] =	stream.linear.gather @!p1 [hbm4b:s0+s14], $0x80, $0x38;
	[tilespmem:$0x1FF00] =	vst v63  }
0x58: {  	s0 =	simm.s32 @!p3 $0x5  }
0x59: {  	_ =	swait.ge @!p3 [sflag:s0], $0x80  }
0x5a: {  	[sflag:s0] =	ssyncset.done @!p3 $0x0  }
0x5b: {  	[sflag:s0] =	ssyncadd.s32 @!p3 $0xFFFFFF80  }
0x5c: {  	_ =	swait.ge @!p3 [sflag:s0], $0x80  }
0x5d: {  	p4 =	sle.u32 s5, $0x0;
	s13 =	simm.s32 @!p3 $0x4300;
	[sflag:s0] =	ssyncset.done @!p3 $0x0  }
0x5e: {  	s4 =	simm.s32 @!p3 $0x80;
	s14 =	simm.s32 @!p4 $0x1;
	[sflag:s0] =	ssyncadd.s32 @!p3 $0xFFFFFF80  }
0x5f: {  	[tilespmem:s13], [sflag:$0x2] =	stream.indirect.gather @!p3 [hbm4b:s1+s4], $0x80, s4, s4, $0xb8;
	[tilespmem:$0x1FF00] =	vst v63  }
0x60: {  	_ =	swait.ge @!p4 [sflag:s14], $0x4000  }
0x61: {  	s17 =	simm.s32 @!p4 $0x8;
	s15 =	simm.s32 @!p4 $0x300;
	[sflag:s14] =	ssyncset.done @!p4 $0x0  }
0x62: {  	s0 =	simm.s32 @!p4 $0x180;
	[sflag:s14] =	ssyncadd.s32 @!p4 $0xFFFFC000;
	s14 =	simm.s32 @!p4 $0x80  }
0x63: {  	[spmem:s2] =	stream.indirect.scatter.add.f32 @!p4 [tilespmem:s15], [sflag:$0x8], $0x80, s0, s14, $0xb8;
	[tilespmem:$0x1FF00] =	vst v63  }
0x64: {  	p2 =	sle.u32 s5, $0x3;
	p1 =	por p1, p1;
	_ =	swait.ge @!p4 [sflag:s17], $0x4000  }
0x65: {  	s0 =	sadd.s32 @!p2 $0x0, s11;
	s14 =	sadd.s32 @!p2 $0x0, s12;
	[sflag:s17] =	ssyncset.done @!p4 $0x0  }
0x66: {  	s15 =	simm.s32 @!p2 $0x0;
	s0 =	sadd.s32 @!p2 $0x30, s0;
	[sflag:s17] =	ssyncadd.s32 @!p4 $0xFFFFC000  }
0x67: {  	[tilespmem:s15], [sflag:$0x4] =	stream.linear.gather @!p2 [hbm4b:s0+s15], $0x80, $0x38;
	[tilespmem:$0x1FF00] =	vst v63  }
0x68: {  	s18 =	simm.s32 @!p1 $0x6;
	s0 =	sadd.s32 @!p2 $0x30, s14;
	s14 =	simm.s32 @!p2 $0x180  }
0x69: {  	[tilespmem:s14], [sflag:$0x4] =	stream.linear.gather @!p2 [hbm4b:s0+s15], $0x80, $0x38;
	[tilespmem:$0x1FF00] =	vst v63  }
0x6a: {  	_ =	swait.ge @!p1 [sflag:s18], $0x80  }
0x6b: {  	[sflag:s18] =	ssyncset.done @!p1 $0x0  }
0x6c: {  	[sflag:s18] =	ssyncadd.s32 @!p1 $0xFFFFFF80  }
0x6d: {  	s8 =	smov.u32 s6;
	s9 =	smov.u32 s7;
	_ =	swait.ge @!p1 [sflag:s18], $0x80  }
0x6e: {  	p5 =	sle.u32 s5, $0x4;
	s24 =	simm.s32 @!p1 $0x8300;
	[sflag:s18] =	ssyncset.done @!p1 $0x0  }
0x6f: {  	s17 =	simm.s32 @!p1 $0x80;
	s14 =	simm.s32 @!p3 $0x2;
	[sflag:s18] =	ssyncadd.s32 @!p1 $0xFFFFFF80  }
0x70: {  	[tilespmem:s24], [sflag:$0x3] =	stream.indirect.gather @!p1 [hbm4b:s1+s17], $0x80, s16, s17, $0xb8;
	[tilespmem:$0x1FF00] =	vst v63  }
0x71: {  	s19 =	sadd.s32 @!p5 $0x0, s12;
	s28 =	simm.s32 @!p5 $0x200;
	_ =	swait.ge @!p3 [sflag:s14], $0x4000  }
0x72: {  	s20 =	sadd.s32 @!p5 $0x40, s19;
	s25 =	simm.s32 $0x3;
	[sflag:s14] =	ssyncset.done @!p3 $0x0  }
0x73: {  	s18 =	simm.s32 @!p3 $0x8;
	s16 =	simm.s32 @!p3 $0x200;
	[sflag:s14] =	ssyncadd.s32 @!p3 $0xFFFFC000  }
0x74: {  	[spmem:s2] =	stream.indirect.scatter.add.f32 @!p3 [tilespmem:s13], [sflag:$0x8], $0x80, s16, s4, $0xb8;
	[tilespmem:$0x1FF00] =	vst v63  }
0x75: {  	s0 =	simm.s32 $0x30;
	s14 =	simm.s32 @!p5 $0x0;
	_ =	swait.ge @!p3 [sflag:s18], $0x4000  }
0x76: {  	s13 =	simm.s32 $0x60;
	s4 =	sadd.s32 @!p5 $0x0, s11;
	[sflag:s18] =	ssyncset.done @!p3 $0x0  }
0x77: {  	s16 =	simm.s32 @!p5 $0x80;
	s4 =	sadd.s32 @!p5 $0x40, s4;
	[sflag:s18] =	ssyncadd.s32 @!p3 $0xFFFFC000  }
0x78: {  	[tilespmem:s16], [sflag:$0x5] =	stream.linear.gather @!p5 [hbm4b:s4+s14], $0x80, $0x38;
	[tilespmem:$0x1FF00] =	vst v63  }
0x79: {  	s18 =	simm.s32 @!p2 $0x4;
	s16 =	simm.s32 $0x5;
	s4 =	simm.s32 $0x7  }
.LBB2_4:
0x7a: {  	[tilespmem:s28], [sflag:$0x5] =	stream.linear.gather @!p5 [hbm4b:s20+s14], $0x80, $0x38;
	[tilespmem:$0x1FF00] =	vst v63  }
0x7b: {  	_ =	swait.ge @!p2 [sflag:s18], $0x80  }
0x7c: {  	[sflag:s18] =	ssyncset.done @!p2 $0x0  }
0x7d: {  	[sflag:s18] =	ssyncadd.s32 @!p2 $0xFFFFFF80  }
0x7e: {  	_ =	swait.ge @!p2 [sflag:s18], $0x80  }
0x7f: {  	s19 =	simm.s32 @!p1 $0x3;
	s20 =	simm.s32 @!p2 $0x300;
	[sflag:s18] =	ssyncset.done @!p2 $0x0  }
0x80: {  	p6 =	sge.u32 s16, s5;
	s16 =	simm.s32 @!p2 $0x80;
	[sflag:s18] =	ssyncadd.s32 @!p2 $0xFFFFFF80  }
0x81: {  	[tilespmem:s20], [sflag:$0x1] =	stream.indirect.gather @!p2 [hbm4b:s1+s16], $0x80, s15, s16, $0xb8;
	[tilespmem:$0x1FF00] =	vst v63  }
0x82: {  	_ =	swait.ge @!p1 [sflag:s19], $0x4000  }
0x83: {  	[sflag:s19] =	ssyncset.done @!p1 $0x0  }
0x84: {  	s16 =	simm.s32 @!p1 $0x7;
	[sflag:s19] =	ssyncadd.s32 @!p1 $0xFFFFC000  }
0x85: {  	[spmem:s2] =	stream.indirect.scatter.add.f32 @!p1 [tilespmem:s24], [sflag:$0x7], $0x80, s23, s17, $0xb8;
	[tilespmem:$0x1FF00] =	vst v63  }
0x86: {  	s15 =	sadd.s32 @!p6 s0, s12;
	s20 =	simm.s32 @!p6 $0x100;
	_ =	swait.ge @!p1 [sflag:s16], $0x4000  }
0x87: {  	s19 =	simm.s32 @!p6 $0x0;
	s17 =	sadd.s32 @!p6 s0, s11;
	[sflag:s16] =	ssyncset.done @!p1 $0x0  }
0x88: {  	s17 =	sadd.s32 @!p6 $0x20, s17;
	s30 =	rddreg [dreg:$0x4];
	[sflag:s16] =	ssyncadd.s32 @!p1 $0xFFFFC000  }
0x89: {  	[tilespmem:s20], [sflag:$0x6] =	stream.linear.gather @!p6 [hbm4b:s17+s19], $0x80, $0x38;
	[tilespmem:$0x1FF00] =	vst v63  }
0x8a: {  	s15 =	sadd.s32 @!p6 $0x20, s15;
	s23 =	simm.s32 @!p6 $0x280;
	p4 =	sge.u32 s25, s30  }
0x8b: {  	[tilespmem:s23], [sflag:$0x6] =	stream.linear.gather @!p6 [hbm4b:s15+s19], $0x80, $0x38;
	[tilespmem:$0x1FF00] =	vst v63  }
0x8c: {  	s15 =	simm.s32 @!p4 $0x5  }
0x8d: {  	_ =	swait.ge @!p4 [sflag:s15], $0x80  }
0x8e: {  	[sflag:s15] =	ssyncset.done @!p4 $0x0  }
0x8f: {  	[sflag:s15] =	ssyncadd.s32 @!p4 $0xFFFFFF80  }
0x90: {  	_ =	swait.ge @!p4 [sflag:s15], $0x80  }
0x91: {  	p5 =	sge.u32 s25, s5;
	s28 =	simm.s32 @!p4 $0x80;
	[sflag:s15] =	ssyncset.done @!p4 $0x0  }
0x92: {  	s29 =	simm.s32 @!p4 $0x4300;
	s19 =	simm.s32 @!p5 $0x1;
	[sflag:s15] =	ssyncadd.s32 @!p4 $0xFFFFFF80  }
0x93: {  	[tilespmem:s29], [sflag:$0x2] =	stream.indirect.gather @!p4 [hbm4b:s1+s28], $0x80, s28, s28, $0xb8;
	[tilespmem:$0x1FF00] =	vst v63  }
0x94: {  	s24 =	simm.s32 @!p5 $0x8;
	_ =	swait.ge @!p5 [sflag:s19], $0x4000  }
0x95: {  	s25 =	sadd.s32 $0x3, s25;
	s17 =	simm.s32 @!p5 $0x180;
	[sflag:s19] =	ssyncset.done @!p5 $0x0  }
0x96: {  	s15 =	simm.s32 @!p5 $0x300;
	[sflag:s19] =	ssyncadd.s32 @!p5 $0xFFFFC000;
	s19 =	simm.s32 @!p5 $0x80  }
0x97: {  	[spmem:s2] =	stream.indirect.scatter.add.f32 @!p5 [tilespmem:s15], [sflag:$0x8], $0x80, s17, s19, $0xb8;
	[tilespmem:$0x1FF00] =	vst v63  }
0x98: {  	p1 =	por p6, p6;
	p2 =	sge.u32 s25, s5;
	_ =	swait.ge @!p5 [sflag:s24], $0x4000  }
0x99: {  	s18 =	sadd.s32 @!p2 s0, s11;
	s30 =	sadd.s32 @!p2 s0, s12;
	[sflag:s24] =	ssyncset.done @!p5 $0x0  }
0x9a: {  	s3 =	sadd.s32 @!p2 $0x30, s18;
	s15 =	simm.s32 @!p2 $0x0;
	[sflag:s24] =	ssyncadd.s32 @!p5 $0xFFFFC000  }
0x9b: {  	[tilespmem:s15], [sflag:$0x4] =	stream.linear.gather @!p2 [hbm4b:s3+s15], $0x80, $0x38;
	[tilespmem:$0x1FF00] =	vst v63  }
0x9c: {  	s30 =	sadd.s32 @!p2 $0x30, s30;
	s19 =	simm.s32 @!p2 $0x180;
	s3 =	simm.s32 @!p1 $0x6  }
0x9d: {  	[tilespmem:s19], [sflag:$0x4] =	stream.linear.gather @!p2 [hbm4b:s30+s15], $0x80, $0x38;
	[tilespmem:$0x1FF00] =	vst v63  }
0x9e: {  	_ =	swait.ge @!p1 [sflag:s3], $0x80  }
0x9f: {  	[sflag:s3] =	ssyncset.done @!p1 $0x0  }
0xa0: {  	s14 =	smov.u32 s13;
	s13 =	sadd.s32 $0x30, s13;
	[sflag:s3] =	ssyncadd.s32 @!p1 $0xFFFFFF80  }
0xa1: {  	p3 =	sne.s32 s13, $0x930;
	_ =	swait.ge @!p1 [sflag:s3], $0x80  }
0xa2: {  	s16 =	sadd.s32 $0x2, s25;
	s17 =	simm.s32 @!p1 $0x80;
	[sflag:s3] =	ssyncset.done @!p1 $0x0  }
0xa3: {  	s24 =	simm.s32 @!p1 $0x8300;
	s30 =	simm.s32 @!p4 $0x2;
	[sflag:s3] =	ssyncadd.s32 @!p1 $0xFFFFFF80  }
0xa4: {  	[tilespmem:s24], [sflag:$0x3] =	stream.indirect.gather @!p1 [hbm4b:s1+s17], $0x80, s20, s17, $0xb8;
	[tilespmem:$0x1FF00] =	vst v63  }
0xa5: {  	s6 =	sadd.s32 $0x4, s25;
	s7 =	simm.s32 @!p4 $0x200;
	_ =	swait.ge @!p4 [sflag:s30], $0x4000  }
0xa6: {  	s18 =	simm.s32 @!p2 $0x4;
	p5 =	sge.u32 s4, s5;
	[sflag:s30] =	ssyncset.done @!p4 $0x0  }
0xa7: {  	s4 =	smov.u32 s6;
	s3 =	sadd.s32 @!p5 s0, s11;
	[sflag:s30] =	ssyncadd.s32 @!p4 $0xFFFFC000  }
0xa8: {  	[spmem:s2] =	stream.indirect.scatter.add.f32 @!p4 [tilespmem:s29], [sflag:$0x8], $0x80, s7, s28, $0xb8;
	[tilespmem:$0x1FF00] =	vst v63  }
.Ltmp1:
0xa9: {  	s6 =	simm.s32 @!p4 $0x8;
	s3 =	sadd.s32 @!p5 $0x40, s3;
	(pc) =	sbr.rel @p3 .LBB2_4-.Ltmp1, $4  }
0xaa: {  	s20 =	sadd.s32 @!p5 s0, s12;
	s0 =	smov.u32 s14;
	_ =	swait.ge @!p4 [sflag:s6], $0x4000  }
0xab: {  	s14 =	simm.s32 @!p5 $0x0;
	s20 =	sadd.s32 @!p5 $0x40, s20;
	[sflag:s6] =	ssyncset.done @!p4 $0x0  }
0xac: {  	s7 =	simm.s32 @!p5 $0x80;
	s28 =	simm.s32 @!p5 $0x200;
	[sflag:s6] =	ssyncadd.s32 @!p4 $0xFFFFC000  }
0xad: {  	[tilespmem:s7], [sflag:$0x5] =	stream.linear.gather @!p5 [hbm4b:s3+s14], $0x80, $0x38;
	[tilespmem:$0x1FF00] =	vst v63  }
0xae: {  	[tilespmem:s28], [sflag:$0x5] =	stream.linear.gather @!p5 [hbm4b:s20+s14], $0x80, $0x38;
	[tilespmem:$0x1FF00] =	vst v63  }
0xaf: {  	_ =	swait.ge @!p2 [sflag:s18], $0x80  }
0xb0: {  	[sflag:s18] =	ssyncset.done @!p2 $0x0  }
0xb1: {  	[sflag:s18] =	ssyncadd.s32 @!p2 $0xFFFFFF80  }
0xb2: {  	_ =	swait.ge @!p2 [sflag:s18], $0x80  }
0xb3: {  	s3 =	simm.s32 @!p2 $0x300;
	[sflag:s18] =	ssyncset.done @!p2 $0x0  }
0xb4: {  	s6 =	simm.s32 @!p2 $0x80;
	s7 =	simm.s32 @!p1 $0x3;
	[sflag:s18] =	ssyncadd.s32 @!p2 $0xFFFFFF80  }
0xb5: {  	[tilespmem:s3], [sflag:$0x1] =	stream.indirect.gather @!p2 [hbm4b:s1+s6], $0x80, s15, s6, $0xb8;
	[tilespmem:$0x1FF00] =	vst v63  }
0xb6: {  	_ =	swait.ge @!p1 [sflag:s7], $0x4000  }
0xb7: {  	[sflag:s7] =	ssyncset.done @!p1 $0x0  }
0xb8: {  	p4 =	sge.u32 s16, s5;
	[sflag:s7] =	ssyncadd.s32 @!p1 $0xFFFFC000;
	s7 =	simm.s32 @!p1 $0x7  }
0xb9: {  	[spmem:s2] =	stream.indirect.scatter.add.f32 @!p1 [tilespmem:s24], [sflag:$0x7], $0x80, s23, s17, $0xb8;
	[tilespmem:$0x1FF00] =	vst v63  }
0xba: {  	s13 =	sadd.s32 @!p4 s0, s12;
	s14 =	sadd.s32 @!p4 s0, s11;
	_ =	swait.ge @!p1 [sflag:s7], $0x4000  }
0xbb: {  	s16 =	simm.s32 @!p4 $0x0;
	s14 =	sadd.s32 @!p4 $0x20, s14;
	[sflag:s7] =	ssyncset.done @!p1 $0x0  }
0xbc: {  	s30 =	rddreg [dreg:$0x4];
	[sflag:s7] =	ssyncadd.s32 @!p1 $0xFFFFC000;
	s7 =	simm.s32 @!p4 $0x100  }
0xbd: {  	[tilespmem:s7], [sflag:$0x6] =	stream.linear.gather @!p4 [hbm4b:s14+s16], $0x80, $0x38;
	[tilespmem:$0x1FF00] =	vst v63  }
0xbe: {  	p1 =	sge.u32 s25, s30;
	s14 =	sadd.s32 @!p4 $0x20, s13;
	s13 =	simm.s32 @!p4 $0x280  }
0xbf: {  	[tilespmem:s13], [sflag:$0x6] =	stream.linear.gather @!p4 [hbm4b:s14+s16], $0x80, $0x38;
	[tilespmem:$0x1FF00] =	vst v63  }
0xc0: {  	s14 =	simm.s32 @!p1 $0x5  }
0xc1: {  	_ =	swait.ge @!p1 [sflag:s14], $0x80  }
0xc2: {  	[sflag:s14] =	ssyncset.done @!p1 $0x0  }
0xc3: {  	[sflag:s14] =	ssyncadd.s32 @!p1 $0xFFFFFF80  }
0xc4: {  	_ =	swait.ge @!p1 [sflag:s14], $0x80  }
0xc5: {  	s15 =	simm.s32 @!p1 $0x80;
	[sflag:s14] =	ssyncset.done @!p1 $0x0  }
0xc6: {  	s16 =	simm.s32 @!p1 $0x4300;
	[sflag:s14] =	ssyncadd.s32 @!p1 $0xFFFFFF80;
	s14 =	simm.s32 @!p2 $0x1  }
0xc7: {  	[tilespmem:s16], [sflag:$0x2] =	stream.indirect.gather @!p1 [hbm4b:s1+s15], $0x80, s15, s15, $0xb8;
	[tilespmem:$0x1FF00] =	vst v63  }
0xc8: {  	_ =	swait.ge @!p2 [sflag:s14], $0x4000  }
0xc9: {  	[sflag:s14] =	ssyncset.done @!p2 $0x0  }
0xca: {  	[sflag:s14] =	ssyncadd.s32 @!p2 $0xFFFFC000  }
0xcb: {  	[spmem:s2] =	stream.indirect.scatter.add.f32 @!p2 [tilespmem:s3], [sflag:$0x8], $0x80, s19, s6, $0xb8;
	[tilespmem:$0x1FF00] =	vst v63  }
0xcc: {  	s17 =	sadd.s32 $0x3, s25;
	s3 =	simm.s32 @!p2 $0x8  }
0xcd: {  	p3 =	sge.u32 s17, s5;
	_ =	swait.ge @!p2 [sflag:s3], $0x4000  }
0xce: {  	s14 =	sadd.s32 @!p3 s0, s12;
	s6 =	sadd.s32 @!p3 s0, s11;
	[sflag:s3] =	ssyncset.done @!p2 $0x0  }
0xcf: {  	s6 =	sadd.s32 @!p3 $0x30, s6;
	[sflag:s3] =	ssyncadd.s32 @!p2 $0xFFFFC000;
	s3 =	simm.s32 @!p3 $0x0  }
0xd0: {  	[tilespmem:s3], [sflag:$0x4] =	stream.linear.gather @!p3 [hbm4b:s6+s3], $0x80, $0x38;
	[tilespmem:$0x1FF00] =	vst v63  }
0xd1: {  	p2 =	por p4, p4;
	s6 =	sadd.s32 @!p3 $0x30, s14;
	s14 =	simm.s32 @!p3 $0x180  }
0xd2: {  	[tilespmem:s14], [sflag:$0x4] =	stream.linear.gather @!p3 [hbm4b:s6+s3], $0x80, $0x38;
	[tilespmem:$0x1FF00] =	vst v63  }
0xd3: {  	s6 =	simm.s32 @!p2 $0x6  }
0xd4: {  	_ =	swait.ge @!p2 [sflag:s6], $0x80  }
0xd5: {  	[sflag:s6] =	ssyncset.done @!p2 $0x0  }
0xd6: {  	[sflag:s6] =	ssyncadd.s32 @!p2 $0xFFFFFF80  }
0xd7: {  	_ =	swait.ge @!p2 [sflag:s6], $0x80  }
0xd8: {  	[sflag:s6] =	ssyncset.done @!p2 $0x0  }
0xd9: {  	s14 =	simm.s32 @!p2 $0x80;
	[sflag:s6] =	ssyncadd.s32 @!p2 $0xFFFFFF80;
	s6 =	simm.s32 @!p2 $0x8300  }
0xda: {  	[tilespmem:s6], [sflag:$0x3] =	stream.indirect.gather @!p2 [hbm4b:s1+s14], $0x80, s7, s14, $0xb8;
	[tilespmem:$0x1FF00] =	vst v63  }
0xdb: {  	s7 =	simm.s32 @!p1 $0x2  }
0xdc: {  	_ =	swait.ge @!p1 [sflag:s7], $0x4000  }
0xdd: {  	p4 =	sge.u32 s4, s5;
	[sflag:s7] =	ssyncset.done @!p1 $0x0  }
0xde: {  	s4 =	simm.s32 @!p1 $0x8;
	[sflag:s7] =	ssyncadd.s32 @!p1 $0xFFFFC000;
	s7 =	simm.s32 @!p1 $0x200  }
0xdf: {  	[spmem:s2] =	stream.indirect.scatter.add.f32 @!p1 [tilespmem:s16], [sflag:$0x8], $0x80, s7, s15, $0xb8;
	[tilespmem:$0x1FF00] =	vst v63  }
0xe0: {  	s7 =	sadd.s32 @!p4 s0, s11;
	_ =	swait.ge @!p1 [sflag:s4], $0x4000  }
0xe1: {  	s15 =	simm.s32 @!p4 $0x0;
	s0 =	sadd.s32 @!p4 s0, s12;
	[sflag:s4] =	ssyncset.done @!p1 $0x0  }
0xe2: {  	s7 =	sadd.s32 @!p4 $0x40, s7;
	[sflag:s4] =	ssyncadd.s32 @!p1 $0xFFFFC000;
	s4 =	simm.s32 @!p4 $0x80  }
0xe3: {  	[tilespmem:s4], [sflag:$0x5] =	stream.linear.gather @!p4 [hbm4b:s7+s15], $0x80, $0x38;
	[tilespmem:$0x1FF00] =	vst v63  }
0xe4: {  	s0 =	sadd.s32 @!p4 $0x40, s0;
	s4 =	simm.s32 @!p4 $0x200  }
0xe5: {  	[tilespmem:s4], [sflag:$0x5] =	stream.linear.gather @!p4 [hbm4b:s0+s15], $0x80, $0x38;
	[tilespmem:$0x1FF00] =	vst v63  }
0xe6: {  	s0 =	simm.s32 @!p3 $0x4  }
0xe7: {  	_ =	swait.ge @!p3 [sflag:s0], $0x80  }
0xe8: {  	[sflag:s0] =	ssyncset.done @!p3 $0x0  }
0xe9: {  	[sflag:s0] =	ssyncadd.s32 @!p3 $0xFFFFFF80  }
0xea: {  	_ =	swait.ge @!p3 [sflag:s0], $0x80  }
0xeb: {  	[sflag:s0] =	ssyncset.done @!p3 $0x0  }
0xec: {  	s4 =	simm.s32 @!p3 $0x300;
	[sflag:s0] =	ssyncadd.s32 @!p3 $0xFFFFFF80;
	s0 =	simm.s32 @!p3 $0x80  }
0xed: {  	[tilespmem:s4], [sflag:$0x1] =	stream.indirect.gather @!p3 [hbm4b:s1+s0], $0x80, s3, s0, $0xb8;
	[tilespmem:$0x1FF00] =	vst v63  }
0xee: {  	s0 =	simm.s32 @!p2 $0x3  }
0xef: {  	_ =	swait.ge @!p2 [sflag:s0], $0x4000  }
0xf0: {  	[sflag:s0] =	ssyncset.done @!p2 $0x0  }
0xf1: {  	[sflag:s0] =	ssyncadd.s32 @!p2 $0xFFFFC000;
	s0 =	simm.s32 @!p2 $0x7  }
0xf2: {  	[spmem:s2] =	stream.indirect.scatter.add.f32 @!p2 [tilespmem:s6], [sflag:$0x7], $0x80, s13, s14, $0xb8;
	[tilespmem:$0x1FF00] =	vst v63  }
0xf3: {  	_ =	swait.ge @!p2 [sflag:s0], $0x4000  }
0xf4: {  	[sflag:s0] =	ssyncset.done @!p2 $0x0  }
0xf5: {  	[sflag:s0] =	ssyncadd.s32 @!p2 $0xFFFFC000  }
0xf6: {  	[bflag:$0x0] =	sbarrier.arrive $0xFFFF  }
0xf7: {  	[tilespmem:s21], [sflag:$0x4] =	stream.linear.gather [spmem:s8], $0x4000, $0x38;
	[tilespmem:$0x1FF00] =	vst v63  }
0xf8: {  	_ =	swait.ge [sflag:s26], $0x4000  }
0xf9: {  	[sflag:s26] =	ssyncset.done $0x0  }
0xfa: {  	s18 =	simm.s32 $0x0;
	s19 =	rddreg [dreg:$0x9];
	[sflag:s26] =	ssyncadd.s32 $0xFFFFC000  }
0xfb: {  	[hbm4b:s19+s18] =	stream.linear.scatter [tilespmem:s21], [sflag:$0x1], $0x4000, $0x38;
	[tilespmem:$0x1FF00] =	vst v63  }
0xfc: {  	s20 =	simm.s32 $0x4300  }
0xfd: {  	[tilespmem:s20], [sflag:$0x4] =	stream.linear.gather [spmem:s9], $0x4000, $0x38;
	[tilespmem:$0x1FF00] =	vst v63  }
0xfe: {  	_ =	swait.ge [sflag:s26], $0x4000  }
0xff: {  	[sflag:s26] =	ssyncset.done $0x0  }
0x100: {  	s23 =	rddreg [dreg:$0xa];
	[sflag:s26] =	ssyncadd.s32 $0xFFFFC000  }
0x101: {  	[hbm4b:s23+s18] =	stream.linear.scatter [tilespmem:s20], [sflag:$0x2], $0x4000, $0x38;
	[tilespmem:$0x1FF00] =	vst v63  }
0x102: {  	s24 =	simm.s32 $0x8300  }
0x103: {  	[tilespmem:s24], [sflag:$0x4] =	stream.linear.gather [spmem:s10], $0x4000, $0x38;
	[tilespmem:$0x1FF00] =	vst v63  }
0x104: {  	_ =	swait.ge [sflag:s26], $0x4000  }
0x105: {  	[sflag:s26] =	ssyncset.done $0x0  }
0x106: {  	s25 =	rddreg [dreg:$0xb];
	[sflag:s26] =	ssyncadd.s32 $0xFFFFC000  }
0x107: {  	[hbm4b:s25+s18] =	stream.linear.scatter [tilespmem:s24], [sflag:$0x3], $0x4000, $0x38;
	[tilespmem:$0x1FF00] =	vst v63  }
0x108: {  	_ =	swait.ge [sflag:s22], $0x4000  }
0x109: {  	[sflag:s22] =	ssyncset.done $0x0  }
0x10a: {  	s24 =	rddreg [dreg:$0x5];
	[sflag:s22] =	ssyncadd.s32 $0xFFFFC000  }
0x10b: {  	[tilespmem:s21], [sflag:$0x4] =	stream.linear.gather [spmem:s24], $0x4000, $0x38;
	[tilespmem:$0x1FF00] =	vst v63  }
0x10c: {  	_ =	swait.ge [sflag:s26], $0x4000  }
0x10d: {  	[sflag:s26] =	ssyncset.done $0x0  }
0x10e: {  	s29 =	simm.s32 $0x2;
	s28 =	rddreg [dreg:$0xc];
	[sflag:s26] =	ssyncadd.s32 $0xFFFFC000  }
0x10f: {  	[hbm4b:s28+s18] =	stream.linear.scatter [tilespmem:s21], [sflag:$0x1], $0x4000, $0x38;
	[tilespmem:$0x1FF00] =	vst v63  }
0x110: {  	_ =	swait.ge [sflag:s29], $0x4000  }
0x111: {  	s3 =	simm.s32 @!p0 $0x4;
	[sflag:s29] =	ssyncset.done $0x0  }
0x112: {  	s0 =	simm.s32 @!p0 $0x4300;
	s25 =	rddreg [dreg:$0x6];
	[sflag:s29] =	ssyncadd.s32 $0xFFFFC000  }
0x113: {  	[tilespmem:s0], [sflag:$0x4] =	stream.linear.gather @!p0 [spmem:s25], $0x4000, $0x38;
	[tilespmem:$0x1FF00] =	vst v63  }
0x114: {  	_ =	swait.ge @!p0 [sflag:s3], $0x4000  }
0x115: {  	[sflag:s3] =	ssyncset.done @!p0 $0x0  }
0x116: {  	s4 =	rddreg [dreg:$0xd];
	[sflag:s3] =	ssyncadd.s32 @!p0 $0xFFFFC000;
	s3 =	simm.s32 @!p0 $0x0  }
0x117: {  	[hbm4b:s4+s3] =	stream.linear.scatter @!p0 [tilespmem:s0], [sflag:$0x2], $0x4000, $0x38;
	[tilespmem:$0x1FF00] =	vst v63  }
0x118: {  	s0 =	simm.s32 @!p0 $0x3  }
0x119: {  	_ =	swait.ge @!p0 [sflag:s0], $0x4000  }
0x11a: {  	s3 =	simm.s32 @!p0 $0x1;
	[sflag:s0] =	ssyncset.done @!p0 $0x0  }
0x11b: {  	s3 =	simm.s32 @p0 $0x3;
	[sflag:s0] =	ssyncadd.s32 @!p0 $0xFFFFC000  }
0x11c: {  	_ =	swait.ge [sflag:s3], $0x4000  }
0x11d: {  	s0 =	simm.s32 @!p0 $0x2;
	[sflag:s3] =	ssyncset.done $0x0  }
0x11e: {  	s0 =	simm.s32 @p0 $0x1;
	[sflag:s3] =	ssyncadd.s32 $0xFFFFC000  }
0x11f: {  	_ =	swait.ge [sflag:s0], $0x4000  }
0x120: {  	s31 =	sadd.s32 $0x1, s31;
	s30 =	rddreg [dreg:$0xe]  }
0x121: {  	p1 =	sne.s32 s31, s30  }
.Ltmp2:
0x122: {  	_ = 	snop;
	(pc) =	sbr.rel @p1 .LBB2_1-.Ltmp2, $3  }
0x123: {  	_ =	sdelay $0x1  }
0x124: {  	s7 =	smov.u32 s9;
	[sflag:s0] =	ssyncset.done $0x0  }
0x125: {  	s6 =	smov.u32 s8;
	s23 =	smov.u32 s10;
	[sflag:s0] =	ssyncadd.s32 $0xFFFFC000  }
0x126: {  	_ =	sfence.sel $0x180000  }
0x127: {  	[bflag:$0x0] =	sbarrier.arrive $0xFFFF  }
0x128: {  	_ =	strace $0x9000004D  }
0x129: {  	s0 =	stileid.u32;
	[bflag:$0x2] =	sbarrier.arrive $0xFFFF  }
0x12a: {  	p0 =	sne.s32 s0, $0x0;
	s0 =	rddreg [dreg:$0x3]  }
0x12b: {  	s0 =	sadd.s32 @!p0 $0x100000, s0  }
0x12c: {  	[sflag:s0] =	ssyncadd.tile.s32 @!p0 $0x1;
	_ =	shalt  }
.Lfunc_end2:
_tile_overlayer_lowered:
.L_overlay_start_2:
0x12d: {  	(tag) =	ssettag $0x2  }
0x12e: {  	s0 =	rddreg [dreg:$0x0];
	s2 =	stileid.u32  }
0x12f: {  	s1 =	rddreg [dreg:$0x1];
	p0 =	sne.s32 s2, $0x0  }
0x130: {  	s3 =	rddreg [dreg:$0x2];
	[bflag:$0x3] =	sbarrier.arrive $0xFFFF;
	s2 =	simm.s32 @!p0 $0x1C07  }
0x131: {  	[timem:s3], [sflag:s2] =	dma.local @!p0 [hbm:s0], s1  }
0x132: {  	s0 =	simm.s32 @!p0 $0x7  }
0x133: {  	_ =	swait.ge @!p0 [sflag:s0], s1  }
0x134: {  	s1 =	ssub.s32 @!p0 $0x0, s1;
	[sflag:s0] =	ssyncset.done @!p0 $0x0  }
0x135: {  	[sflag:s0] =	ssyncadd.s32 @!p0 s1  }
0x136: {  	[bflag:$0x3] =	sbarrier.arrive $0xFFFF  }
0x137: {  	_ =	shalt  }

// kernel: kernel.8.cloned.1.call-start
scs
__scs_entry_jumppad:
0x0: {  	(pc) =	sbr.rel $0x88, $3  }
0x1: {  	(tag) =	ssettag $0x0;
	lr =	simm.s32 $0x1  }
0x2: {  	[smem:$0x3F9B] =	sst lr;
	_ =	strace $0xD0000000  }
0x3: {  	_ = 	snop  }
0x4: {  	_ = 	snop  }
0x5: {  	_ = 	snop  }
0x6: {  	_ = 	snop  }
0x7: {  	_ = 	snop  }
__scs_overlays_trampoline_lowered:
0x8: {  	[smem:$0x3FAA] =	sst s0  }
0x9: {  	[smem:$0x3FAB] =	sst s1  }
0xa: {  	[smem:$0x3FAC] =	sst s2  }
0xb: {  	[smem:$0x3FAD] =	sst s3  }
0xc: {  	[smem:$0x3FAE] =	sst s4  }
0xd: {  	[smem:$0x3FAF] =	sst s5  }
0xe: {  	[smem:$0x3FB0] =	sst s6  }
0xf: {  	[smem:$0x3FB1] =	sst s7  }
0x10: {  	[smem:$0x3FB2] =	sst s8  }
0x11: {  	[smem:$0x3FB3] =	sst s9;
	s0 =	simm.s32 @!p0 $0x0  }
0x12: {  	s1 =	sld [smem:$0x3F99];
	s0 =	simm.s32 @p0 $0x1  }
0x13: {  	[smem:$0x3FB4] =	sst s0;
	s0 =	simm.s32 @!p1 $0x0  }
0x14: {  	s2 =	sld [smem:$0x3F98];
	s0 =	simm.s32 @p1 $0x1  }
0x15: {  	[smem:$0x3FB5] =	sst s0;
	s0 =	simm.s32 @!p2 $0x0  }
0x16: {  	s3 =	sld [smem:$0x3FDB];
	s0 =	simm.s32 @p2 $0x1  }
0x17: {  	s4 =	simm.s32 $0x1BF5;
	[smem:$0x3FB7] =	sst s0  }
0x18: {  	s0 =	sld [smem:$0x3F9A];
	_ =	swait.ge [sflag:s4], $0x0  }
0x19: {  	s7 =	sld [smem:$0x3F9B]  }
0x1a: {  	s8 =	sadd.s32 $0xFFFFE003, lr  }
0x1b: {  	s9 =	sadd.s32 $0xFFFFFEF7, lr;
	s5 =	simm.s32 $0xFFFFFFFF;
	p2 =	slt.u32 s8, $0xFFFFF086  }
0x1c: {  	p1 =	slt.u32 s9, $0xF7A;
	s5 =	simm.s32 @!p2 $0x0  }
0x1d: {  	s5 =	simm.s32 @p1 $0x1;
	p0 =	seq.s32 s7, s2  }
0x1e: {  	s7 =	smul.u32 @!p0 $0xF7A, s2;
	p2 =	seq.s32 @!p0 s5, $0x0  }
0x1f: {  	s9 =	smul.u32 $0xF7A, s1;
	s8 =	simm.s32 @!p0 $0x1BF5;
	p2 =	por !p2, p0  }
0x20: {  	[sflag:s8] =	ssyncset.s32 @!p0 $0xFFFFF086;
	s6 =	sadd.s32 @!p0 s3, s7;
	s7 =	simm.s32 @!p0 $0x108  }
0x21: {  	s3 =	sadd.s32 s3, s9;
	s6 =	sadd.s32 @!p0 $0x88, s6;
	s7 =	simm.s32 @p2 $0x1082  }
0x22: {  	[simem:s7], [sflag:s8] =	dma.local @!p0 [hbm:s6], $0xF7A  }
0x23: {  	s9 =	sor.u32 $0xD0000000, s2;
	s6 =	simm.s32 $0x108;
	_ =	swait.ge @!p0 [sflag:s8], $0x0  }
0x24: {  	s3 =	sadd.s32 $0x88, s3;
	s6 =	simm.s32 @!p1 $0x1082;
	[sflag:s4] =	ssyncset.s32 $0xFFFFF086  }
0x25: {  	[simem:s6], [sflag:s4] =	dma.local [hbm:s3], $0xF7A  }
0x26: {  	[smem:$0x3F9B] =	sst s1;
	(tag) =	ssettag s2;
	_ =	strace s9  }
0x27: {  	s1 =	sld [smem:$0x3FAB]  }
0x28: {  	s2 =	sld [smem:$0x3FAC]  }
0x29: {  	s4 =	sld [smem:$0x3FAE]  }
0x2a: {  	p0 =	seq.s32 s5, $0x0;
	s5 =	sld [smem:$0x3FAF]  }
0x2b: {  	s6 =	sld [smem:$0x3FB0]  }
0x2c: {  	s7 =	sld [smem:$0x3FB1]  }
0x2d: {  	s3 =	simm.s32 $0x108;
	s8 =	sld [smem:$0x3FB2]  }
0x2e: {  	s3 =	simm.s32 @!p0 $0x1082;
	s9 =	sld [smem:$0x3FB3]  }
0x2f: {  	lr =	sadd.s32 s0, s3;
	s0 =	sld [smem:$0x3FAA]  }
0x30: {  	s3 =	sld [smem:$0x3FAD]  }
0x31: {  	[smem:$0x3FB6] =	sst s10  }
0x32: {  	s10 =	sld [smem:$0x3FB4];
	_ =	sdelay $0x3  }
0x33: {  	p0 =	seq.s32 s10, $0x1;
	s10 =	sld [smem:$0x3FB6];
	_ =	sdelay $0x3  }
0x34: {  	[smem:$0x3FB6] =	sst s10  }
0x35: {  	s10 =	sld [smem:$0x3FB5];
	_ =	sdelay $0x3  }
0x36: {  	p1 =	seq.s32 s10, $0x1;
	s10 =	sld [smem:$0x3FB6];
	_ =	sdelay $0x3  }
0x37: {  	[smem:$0x3FB6] =	sst s10  }
0x38: {  	s10 =	sld [smem:$0x3FB7]  }
0x39: {  	_ = 	snop;
	(pc) =	sbr.ind lr, $3  }
0x3a: {  	_ = 	snop  }
0x3b: {  	_ = 	snop  }
0x3c: {  	p2 =	seq.s32 s10, $0x1;
	s10 =	sld [smem:$0x3FB6]  }
0x3d: {  	_ =	shalt  }
0x3e: {  	_ =	shalt  }
0x3f: {  	_ =	shalt  }
0x40: {  	_ =	shalt  }
0x41: {  	_ =	shalt  }
0x42: {  	_ =	shalt  }
0x43: {  	_ =	shalt  }
0x44: {  	_ =	shalt  }
0x45: {  	_ =	shalt  }
0x46: {  	_ =	shalt  }
0x47: {  	_ =	shalt  }
0x48: {  	_ =	shalt  }
0x49: {  	_ =	shalt  }
0x4a: {  	_ =	shalt  }
0x4b: {  	_ =	shalt  }
0x4c: {  	_ =	shalt  }
0x4d: {  	_ =	shalt  }
0x4e: {  	_ =	shalt  }
0x4f: {  	_ =	shalt  }
0x50: {  	_ =	shalt  }
0x51: {  	_ =	shalt  }
0x52: {  	_ =	shalt  }
0x53: {  	_ =	shalt  }
0x54: {  	_ =	shalt  }
0x55: {  	_ =	shalt  }
0x56: {  	_ =	shalt  }
0x57: {  	_ =	shalt  }
0x58: {  	_ =	shalt  }
0x59: {  	_ =	shalt  }
0x5a: {  	_ =	shalt  }
0x5b: {  	_ =	shalt  }
0x5c: {  	_ =	shalt  }
0x5d: {  	_ =	shalt  }
0x5e: {  	_ =	shalt  }
0x5f: {  	_ =	shalt  }
0x60: {  	_ =	shalt  }
0x61: {  	_ =	shalt  }
0x62: {  	_ =	shalt  }
0x63: {  	_ =	shalt  }
0x64: {  	_ =	shalt  }
0x65: {  	_ =	shalt  }
0x66: {  	_ =	shalt  }
0x67: {  	_ =	shalt  }
0x68: {  	_ =	shalt  }
0x69: {  	_ =	shalt  }
0x6a: {  	_ =	shalt  }
0x6b: {  	_ =	shalt  }
0x6c: {  	_ =	shalt  }
0x6d: {  	_ =	shalt  }
0x6e: {  	_ =	shalt  }
0x6f: {  	_ =	shalt  }
0x70: {  	_ =	shalt  }
0x71: {  	_ =	shalt  }
0x72: {  	_ =	shalt  }
0x73: {  	_ =	shalt  }
0x74: {  	_ =	shalt  }
0x75: {  	_ =	shalt  }
0x76: {  	_ =	shalt  }
0x77: {  	_ =	shalt  }
0x78: {  	_ =	shalt  }
0x79: {  	_ =	shalt  }
0x7a: {  	_ =	shalt  }
0x7b: {  	_ =	shalt  }
0x7c: {  	_ =	shalt  }
0x7d: {  	_ =	shalt  }
0x7e: {  	_ =	shalt  }
0x7f: {  	_ =	shalt  }
0x80: {  	_ =	shalt  }
0x81: {  	_ =	shalt  }
0x82: {  	_ =	shalt  }
0x83: {  	_ =	shalt  }
0x84: {  	_ =	shalt  }
0x85: {  	_ =	shalt  }
0x86: {  	_ =	shalt  }
0x87: {  	_ =	shalt  }
.Lfunc_end0:
.L_simem_size_0:
called_computation_lowered:
.L_overlay_start_0:
0x88: {  	s2 =	sld [smem:$0x3FD9]  }
0x89: {  	s3 =	sld [smem:$0x3FFE];
	_ =	sdelay $0x1  }
0x8a: {  	s1 =	srdreg.scid  }
0x8b: {  	s0 =	sand.u32 $0x1, s1  }
0x8c: {  	s17 =	sshll.u32 s0, $0xA;
	s2 =	sadd.s32 s3, s2  }
0x8d: {  	s2 =	sadd.s32 s2, s17  }
0x8e: {  	[smem:$0x3FC2] =	sst s2  }
0x8f: {  	_ = 	snop  }
0x90: {  	s2 =	sld [smem:$0x3FD0];
	(tm) =	ssettm $0x1  }
0x91: {  	s18 =	sld [smem:$0x3FFB];
	_ =	sdelay $0x3  }
0x92: {  	_ =	strace s18  }
0x93: {  	s3 =	sld [smem:$0x3FFC];
	_ =	sdelay $0x3  }
0x94: {  	_ =	strace s3  }
0x95: {  	s3 =	sld [smem:$0x3FFD];
	_ =	sdelay $0x3  }
0x96: {  	_ =	strace s3  }
0x97: {  	_ =	strace $0x8FFFFFFF  }
0x98: {  	s19 =	sld [smem:$0x3FDB];
	_ =	sdelay $0x1  }
0x99: {  	s4 =	simm.s32 $_scs_section_size  }
0x9a: {  	s5 =	simm.s32 $_size__tile_overlayer_lowered;
	s6 =	simm.s32 $_tile_overlayer_lowered  }
0x9b: {  	s22 =	simm.s32 $0x1BFF;
	s21 =	sshll.u32 s6, $0x1;
	s3 =	sadd.s32 s4, s19  }
0x9c: {  	s7 =	simm.s32 $0x0;
	s20 =	sshll.u32 s5, $0x1;
	s5 =	sadd.s32 s21, s3  }
0x9d: {  	[timem:s7], [sflag:s22] =	dma.local [hbm:s5], s20  }
0x9e: {  	_ =	swait.ge [sflag:s22], s20  }
0x9f: {  	s4 =	ssub.s32 $0x0, s20;
	[sflag:s22] =	ssyncset.done $0x0  }
0xa0: {  	[sflag:s22] =	ssyncadd.s32 s4;
	_ =	sdelay $0x1  }
0xa1: {  	s23 =	simm.s32 $0x1B8B  }
0xa2: {  	_ =	swait.ge [sflag:s23], $0x1  }
0xa3: {  	[sflag:s23] =	ssyncset.done $0x0  }
0xa4: {  	s25 =	simm.s32 $0x1B8E;
	s24 =	sld [smem:$0x3FFE];
	[sflag:s23] =	ssyncadd.s32 $0xFFFFFFFF  }
0xa5: {  	s26 =	simm.s32 $execute0_lowered;
	[smem:$0x3FD2] =	sst s25  }
0xa6: {  	s5 =	sshll.u32 s26, $0x1;
	_ =	strace $0x80000046;
	[dreg:$0x1] =	wrdreg $0xFFFFFFFF  }
0xa7: {  	s28 =	simm.s32 $_size_execute0_lowered;
	s3 =	sadd.s32 s3, s5;
	[dreg:$0x0] =	wrdreg $0x0  }
0xa8: {  	s5 =	sshll.u32 s28, $0x1;
	[dreg:$0x2] =	wrdreg s3  }
0xa9: {  	[dreg:$0x3] =	wrdreg s5  }
0xaa: {  	[dreg:$0x4] =	wrdreg $0xC0  }
0xab: {  	_ =	task [dreg:s7], $0x5FFFF  }
0xac: {  	[dreg:$0x1] =	wrdreg $0xFFFFFFFF  }
0xad: {  	[dreg:$0x0] =	wrdreg $0x60  }
0xae: {  	[dreg:$0x2] =	wrdreg s24  }
0xaf: {  	[dreg:$0x3] =	wrdreg s2  }
0xb0: {  	[dreg:$0x4] =	wrdreg $0x4000  }
0xb1: {  	[dreg:$0x5] =	wrdreg $0x9  }
0xb2: {  	_ =	task.clear_ibuf [dreg:s7], $0x6FFFF;
	_ =	strace $0x90000046  }
0xb3: {  	s29 =	simm.s32 $0x9;
	_ =	strace $0x80000048  }
0xb4: {  	_ =	swait.ge [sflag:s29], $0x1  }
0xb5: {  	[sflag:s29] =	ssyncadd.s32 $0xFFFFFFFF  }
0xb6: {  	_ =	strace $0x90000048  }
0xb7: {  	_ =	sfence  }
0xb8: {  	s30 =	sld [smem:$0x0];
	_ =	sdelay $0x2  }
0xb9: {  	s31 =	sshll.u32 s1, $0xD;
	s1 =	sshrl.u32 s1, $0x2  }
0xba: {  	s3 =	sand.u32 $0x4000, s31;
	s1 =	sadd.s32 s1, s30  }
0xbb: {  	s0 =	sor.u32 s3, s0;
	s1 =	sshll.u32 s1, $0x11  }
0xbc: {  	s0 =	sor.u32 s1, s0  }
0xbd: {  	s0 =	sadd.s32 $0x8F2B, s0  }
0xbe: {  	[sflag:s0] =	ssyncadd.remote.s32 $0x1  }
0xbf: {  	_ =	sfence.sel $0xFFFF  }
0xc0: {  	[dreg:$0x0] =	wrdreg $0xFFFFFFFF;
	(pc) =	sbr.abs _section_cstart, $3  }
0xc1: {  	[dreg:$0x1] =	wrdreg $0xFFFFFFFF  }
0xc2: {  	_ =	task.clear_ibuf [dreg:s7], $0x2FFFF;
	_ =	strace $0x9FFFFFFF  }
0xc3: {  	(tm) =	ssettm $0x7FFFFFFF  }
tec
execute0_lowered:
.L_overlay_start_1:
0x0: {  	(tag) =	ssettag $0x1  }
0x1: {  	s4 =	rddreg [dreg:$0x0]  }
0x2: {  	s7 =	rddreg [dreg:$0x1]  }
0x3: {  	s2 =	rddreg [dreg:$0x2];
	s3 =	srdreg.scid  }
0x4: {  	s1 =	stileid.u32;
	s0 =	rddreg [dreg:$0x3];
	s12 =	simm.s32 $0x3  }
0x5: {  	s13 =	simm.s32 $0x80;
	s14 =	simm.s32 $0x1;
	s15 =	simm.s32 $0x100  }
0x6: {  	s16 =	simm.s32 $0x4;
	s17 =	simm.s32 $0x2;
	s18 =	simm.s32 $0x0  }
0x7: {  	s5 =	sand.u32 $0x1, s3;
	s6 =	sshll.u32 s1, $0x1;
	s8 =	smul.u32 $0x278, s1  }
0x8: {  	s3 =	simm.s32 $0x0;
	s4 =	sadd.s32 $0x3000, s4;
	s11 =	smul.u32 $0x4F00, s1  }
0x9: {  	s6 =	sor.u32 s5, s6;
	s9 =	ssub.s32 $0x2, s5;
	s10 =	smul.u32 $0x2780, s5  }
0xa: {  	[smem:$0x7FF] =	sst s3;
	s6 =	smul.u32 $0x2780, s6;
	s30 =	sshrl.u32 s9, $0x1  }
0xb: {  	_ =	strace $0x80000047;
	s5 =	sadd.s32 s8, s2;
	s9 =	ssub.s32 s9, s30  }
0xc: {  	s8 =	sadd.s32 s8, s10;
	s10 =	sadd.s32 s10, s11;
	s6 =	sshrl.u32 s6, $0x3  }
0xd: {  	s8 =	sshrl.u32 s8, $0x3;
	s11 =	sadd.s32 $0x80, s10;
	s6 =	sadd.s32 s4, s6  }
0xe: {  	s7 =	sadd.s32 s7, s8;
	s8 =	smax.u32 s9, $0x1;
	s31 =	sshrl.u32 s11, $0x3  }
0xf: {  	v0 =	vimm.f32 $1.000000000e+00;
	v1 =	vimm.f32 $0.0e+00;
	s9 =	sadd.s32 $0x100, s10;
	s11 =	simm.s32 $0x180;
	s10 =	sadd.s32 s31, s4  }
.LBB2_1:
0x10: {  	[tilespmem:$0x100] =	vst v0  }
0x11: {  	[tilespmem:$0x110] =	vst v0  }
0x12: {  	[tilespmem:$0x120] =	vst v0  }
0x13: {  	[tilespmem:$0x130] =	vst v0  }
0x14: {  	[tilespmem:$0x140] =	vst v0  }
0x15: {  	[tilespmem:$0x150] =	vst v0  }
0x16: {  	[tilespmem:$0x160] =	vst v0  }
0x17: {  	[tilespmem:$0x170] =	vst v0  }
0x18: {  	[tilespmem:$0x180] =	vst v1  }
0x19: {  	[tilespmem:$0x190] =	vst v1  }
0x1a: {  	[tilespmem:$0x1A0] =	vst v1  }
0x1b: {  	[tilespmem:$0x1B0] =	vst v1  }
0x1c: {  	[tilespmem:$0x1C0] =	vst v1  }
0x1d: {  	[tilespmem:$0x1D0] =	vst v1  }
0x1e: {  	[tilespmem:$0x1E0] =	vst v1  }
0x1f: {  	[tilespmem:$0x1F0] =	vst v1  }
0x20: {  	[tilespmem:$0x200] =	vst v1  }
0x21: {  	[tilespmem:$0x210] =	vst v1  }
0x22: {  	[tilespmem:$0x220] =	vst v1  }
0x23: {  	[tilespmem:$0x230] =	vst v1  }
0x24: {  	[tilespmem:$0x240] =	vst v1  }
0x25: {  	[tilespmem:$0x250] =	vst v1  }
0x26: {  	[tilespmem:$0x260] =	vst v1  }
0x27: {  	[tilespmem:$0x270] =	vst v1  }
0x28: {  	[tilespmem:$0x280] =	vst v1  }
0x29: {  	[tilespmem:$0x290] =	vst v1  }
0x2a: {  	[tilespmem:$0x2A0] =	vst v1  }
0x2b: {  	[tilespmem:$0x2B0] =	vst v1  }
0x2c: {  	[tilespmem:$0x2C0] =	vst v1  }
0x2d: {  	[tilespmem:$0x2D0] =	vst v1  }
0x2e: {  	[tilespmem:$0x2E0] =	vst v1  }
0x2f: {  	[tilespmem:$0x2F0] =	vst v1  }
0x30: {  	[tilespmem:$0x300] =	vst v1  }
0x31: {  	[tilespmem:$0x310] =	vst v1  }
0x32: {  	[tilespmem:$0x320] =	vst v1  }
0x33: {  	[tilespmem:$0x330] =	vst v1  }
0x34: {  	[tilespmem:$0x340] =	vst v1  }
0x35: {  	[tilespmem:$0x350] =	vst v1  }
0x36: {  	[tilespmem:$0x360] =	vst v1  }
0x37: {  	[tilespmem:$0x370] =	vst v1  }
0x38: {  	[tilespmem:$0x380] =	vst v1  }
0x39: {  	[tilespmem:$0x390] =	vst v1  }
0x3a: {  	[tilespmem:$0x3A0] =	vst v1  }
0x3b: {  	[tilespmem:$0x3B0] =	vst v1  }
0x3c: {  	[tilespmem:$0x3C0] =	vst v1  }
0x3d: {  	[tilespmem:$0x3D0] =	vst v1  }
0x3e: {  	[tilespmem:$0x3E0] =	vst v1  }
0x3f: {  	[spmem:s5] =	stream.linear.scatter [tilespmem:s11], [sflag:$0x3], $0x278, $0x38;
	[tilespmem:$0x678] =	vst v63  }
0x40: {  	_ =	swait.ge [sflag:s12], $0x278  }
0x41: {  	[sflag:s12] =	ssyncset.done $0x0  }
0x42: {  	[sflag:s12] =	ssyncadd.s32 $0xFFFFFD88  }
0x43: {  	[bflag:$0x0] =	sbarrier.arrive $0xFFFF  }
0x44: {  	[tilespmem:s3], [sflag:$0x1] =	stream.linear.gather [hbm4b:s6+s3], $0x80, $0x38;
	[tilespmem:$0x678] =	vst v63  }
0x45: {  	s19 =	sadd.s32 $0x0, s10  }
0x46: {  	[tilespmem:s13], [sflag:$0x2] =	stream.linear.gather [hbm4b:s19+s3], $0x80, $0x38;
	[tilespmem:$0x678] =	vst v63  }
0x47: {  	_ =	swait.ge [sflag:s14], $0x80  }
0x48: {  	[sflag:s14] =	ssyncset.done $0x0  }
0x49: {  	[sflag:s14] =	ssyncadd.s32 $0xFFFFFF80  }
0x4a: {  	[spmem:s2] =	stream.indirect.scatter.add.f32 [tilespmem:s15], [sflag:$0x4], $0x1, s3, s13, $0xb8;
	[tilespmem:$0x678] =	vst v63  }
0x4b: {  	_ =	swait.ge [sflag:s16], $0x80  }
0x4c: {  	s31 =	sshrl.u32 s9, $0x3;
	[sflag:s16] =	ssyncset.done $0x0  }
0x4d: {  	s19 =	sadd.s32 s4, s31;
	[sflag:s16] =	ssyncadd.s32 $0xFFFFFF80  }
0x4e: {  	[tilespmem:s3], [sflag:$0x1] =	stream.linear.gather [hbm4b:s19+s3], $0x80, $0x38;
	[tilespmem:$0x678] =	vst v63  }
0x4f: {  	_ =	swait.ge [sflag:s17], $0x80  }
0x50: {  	[sflag:s17] =	ssyncset.done $0x0  }
0x51: {  	[sflag:s17] =	ssyncadd.s32 $0xFFFFFF80  }
0x52: {  	[spmem:s2] =	stream.indirect.scatter.add.f32 [tilespmem:s15], [sflag:$0x3], $0x1, s13, s13, $0xb8;
	[tilespmem:$0x678] =	vst v63  }
0x53: {  	s20 =	simm.s32 $0x20;
	_ =	swait.ge [sflag:s12], $0x80  }
0x54: {  	s21 =	simm.s32 $0x40;
	s19 =	sadd.s32 $0x100, s9;
	[sflag:s12] =	ssyncset.done $0x0  }
.LBB2_2:
0x55: {  	s22 =	sadd.s32 s20, s10  }
0x56: {  	[sflag:s12] =	ssyncadd.s32 $0xFFFFFF80;
	s20 =	smov.u32 s21;
	s23 =	sadd.s32 $0x20, s21  }
0x57: {  	[tilespmem:s13], [sflag:$0x2] =	stream.linear.gather [hbm4b:s22+s3], $0x80, $0x38;
	[tilespmem:$0x678] =	vst v63  }
0x58: {  	p0 =	sne.s32 s21, $0x4C0;
	_ =	swait.ge [sflag:s14], $0x80  }
0x59: {  	[sflag:s14] =	ssyncset.done $0x0  }
0x5a: {  	[sflag:s14] =	ssyncadd.s32 $0xFFFFFF80  }
0x5b: {  	[spmem:s2] =	stream.indirect.scatter.add.f32 [tilespmem:s15], [sflag:$0x4], $0x1, s3, s13, $0xb8;
	[tilespmem:$0x678] =	vst v63  }
0x5c: {  	_ =	swait.ge [sflag:s16], $0x80  }
0x5d: {  	s21 =	sshrl.u32 s19, $0x3;
	[sflag:s16] =	ssyncset.done $0x0  }
0x5e: {  	s21 =	sadd.s32 s4, s21;
	[sflag:s16] =	ssyncadd.s32 $0xFFFFFF80  }
0x5f: {  	[tilespmem:s3], [sflag:$0x1] =	stream.linear.gather [hbm4b:s21+s3], $0x80, $0x38;
	[tilespmem:$0x678] =	vst v63  }
0x60: {  	_ =	swait.ge [sflag:s17], $0x80  }
.Ltmp0:
0x61: {  	[sflag:s17] =	ssyncset.done $0x0;
	(pc) =	sbr.rel @p0 .LBB2_2-.Ltmp0, $4  }
0x62: {  	[sflag:s17] =	ssyncadd.s32 $0xFFFFFF80  }
0x63: {  	[spmem:s2] =	stream.indirect.scatter.add.f32 [tilespmem:s15], [sflag:$0x3], $0x1, s13, s13, $0xb8;
	[tilespmem:$0x678] =	vst v63  }
0x64: {  	_ =	swait.ge [sflag:s12], $0x80  }
0x65: {  	s19 =	sadd.s32 $0x100, s19;
	s21 =	smov.u32 s23;
	[sflag:s12] =	ssyncset.done $0x0  }
0x66: {  	s20 =	sadd.s32 s20, s10;
	[sflag:s12] =	ssyncadd.s32 $0xFFFFFF80  }
0x67: {  	[tilespmem:s13], [sflag:$0x2] =	stream.linear.gather [hbm4b:s20+s3], $0x80, $0x38;
	[tilespmem:$0x678] =	vst v63  }
0x68: {  	_ =	swait.ge [sflag:s14], $0x80  }
0x69: {  	[sflag:s14] =	ssyncset.done $0x0  }
0x6a: {  	[sflag:s14] =	ssyncadd.s32 $0xFFFFFF80  }
0x6b: {  	[spmem:s2] =	stream.indirect.scatter.add.f32 [tilespmem:s15], [sflag:$0x4], $0x1, s3, s13, $0xb8;
	[tilespmem:$0x678] =	vst v63  }
0x6c: {  	_ =	swait.ge [sflag:s16], $0x80  }
0x6d: {  	s19 =	sshrl.u32 s19, $0x3;
	[sflag:s16] =	ssyncset.done $0x0  }
0x6e: {  	s19 =	sadd.s32 s4, s19;
	[sflag:s16] =	ssyncadd.s32 $0xFFFFFF80  }
0x6f: {  	[tilespmem:s3], [sflag:$0x1] =	stream.linear.gather [hbm4b:s19+s3], $0x80, $0x38;
	[tilespmem:$0x678] =	vst v63  }
0x70: {  	_ =	swait.ge [sflag:s17], $0x80  }
0x71: {  	[sflag:s17] =	ssyncset.done $0x0  }
0x72: {  	[sflag:s17] =	ssyncadd.s32 $0xFFFFFF80  }
0x73: {  	[spmem:s2] =	stream.indirect.scatter.add.f32 [tilespmem:s15], [sflag:$0x3], $0x1, s13, s13, $0xb8;
	[tilespmem:$0x678] =	vst v63  }
0x74: {  	_ =	swait.ge [sflag:s12], $0x80  }
0x75: {  	[sflag:s12] =	ssyncset.done $0x0  }
0x76: {  	[sflag:s12] =	ssyncadd.s32 $0xFFFFFF80  }
0x77: {  	_ =	swait.ge [sflag:s14], $0x80  }
0x78: {  	[sflag:s14] =	ssyncset.done $0x0  }
0x79: {  	[sflag:s14] =	ssyncadd.s32 $0xFFFFFF80  }
0x7a: {  	[spmem:s2] =	stream.indirect.scatter.add.f32 [tilespmem:s15], [sflag:$0x4], $0x1, s3, s13, $0xb8;
	[tilespmem:$0x678] =	vst v63  }
0x7b: {  	_ =	swait.ge [sflag:s16], $0x80  }
0x7c: {  	[sflag:s16] =	ssyncset.done $0x0  }
0x7d: {  	[sflag:s16] =	ssyncadd.s32 $0xFFFFFF80  }
0x7e: {  	[bflag:$0x0] =	sbarrier.arrive $0xFFFF  }
0x7f: {  	[tilespmem:s11], [sflag:$0x3] =	stream.linear.gather [spmem:s5], $0x278, $0x38;
	[tilespmem:$0x678] =	vst v63  }
0x80: {  	s18 =	sadd.s32 $0x1, s18;
	_ =	swait.ge [sflag:s12], $0x278  }
0x81: {  	p0 =	sne.s32 s18, s8;
	[sflag:s12] =	ssyncset.done $0x0  }
.Ltmp1:
0x82: {  	[sflag:s12] =	ssyncadd.s32 $0xFFFFFD88;
	(pc) =	sbr.rel @p0 .LBB2_1-.Ltmp1, $4  }
0x83: {  	[hbm4b:s7+s3] =	stream.linear.scatter [tilespmem:s11], [sflag:$0x3], $0x278, $0x38;
	[tilespmem:$0x678] =	vst v63  }
0x84: {  	_ =	swait.ge [sflag:s12], $0x278  }
0x85: {  	[sflag:s12] =	ssyncset.done $0x0  }
0x86: {  	[sflag:s12] =	ssyncadd.s32 $0xFFFFFD88  }
0x87: {  	_ =	sfence.sel $0x180000  }
0x88: {  	[bflag:$0x0] =	sbarrier.arrive $0xFFFF  }
0x89: {  	p0 =	sne.s32 s1, $0x0;
	_ =	strace $0x90000047  }
0x8a: {  	s0 =	sadd.s32 @!p0 $0x100000, s0;
	[bflag:$0x2] =	sbarrier.arrive $0xFFFF  }
0x8b: {  	[sflag:s0] =	ssyncadd.tile.s32 @!p0 $0x1;
	_ =	shalt  }
.Lfunc_end2:
_tile_overlayer_lowered:
.L_overlay_start_2:
0x8c: {  	(tag) =	ssettag $0x2  }
0x8d: {  	s0 =	rddreg [dreg:$0x0];
	s2 =	stileid.u32  }
0x8e: {  	s1 =	rddreg [dreg:$0x1];
	p0 =	sne.s32 s2, $0x0  }
0x8f: {  	s3 =	rddreg [dreg:$0x2];
	[bflag:$0x3] =	sbarrier.arrive $0xFFFF;
	s2 =	simm.s32 @!p0 $0x1C03  }
0x90: {  	[timem:s3], [sflag:s2] =	dma.local @!p0 [hbm:s0], s1  }
0x91: {  	s0 =	simm.s32 @!p0 $0x3  }
0x92: {  	_ =	swait.ge @!p0 [sflag:s0], s1  }
0x93: {  	s1 =	ssub.s32 @!p0 $0x0, s1;
	[sflag:s0] =	ssyncset.done @!p0 $0x0  }
0x94: {  	[sflag:s0] =	ssyncadd.s32 @!p0 s1  }
0x95: {  	[bflag:$0x3] =	sbarrier.arrive $0xFFFF  }
0x96: {  	_ =	shalt  }

</sc_bundles>
